<compile_context>
chip_gen: v7x
topology: tpu7x:2x2x1
jax: 0.10.2.dev20260603
libtpu: 0.0.44.dev20260713+nightly
codegen_flags: <defaults>
</compile_context>

<pallas_src>
import jax
import jax.numpy as jnp
from jax import lax
from jax.experimental import pallas as pl

_VAR0 = 0.1
_VAR1 = 0.2
_THETA = 0.01
_NEGPOS = 3
_OVERLAP = 0.5
_NOBJ = 16
_S = 8


def _loss_kernel(truths_ref, labels_ref, oc_ref, al_ref, ol_ref, ac_ref,
                 pr_ref, out_ref):
    S, L = al_ref.shape[2], al_ref.shape[3]
    P = S * L
    C = oc_ref.shape[1]

    pr = pr_ref[...]
    al = al_ref[0]

    pcx, pcy, pw, ph = pr[0], pr[1], pr[2], pr[3]
    cx = pcx + al[0] * _VAR0 * pw
    cy = pcy + al[1] * _VAR0 * ph
    w = pw * jnp.exp(al[2] * _VAR1)
    h = ph * jnp.exp(al[3] * _VAR1)
    x1 = cx - w * 0.5
    y1 = cy - h * 0.5
    x2 = cx + w * 0.5
    y2 = cy + h * 0.5
    area_d = (x2 - x1) * (y2 - y1)

    srow = lax.broadcasted_iota(jnp.int32, (S, L), 0)
    scol = lax.broadcasted_iota(jnp.int32, (S, L), 1)
    flat_iota = srow * L + scol

    best_ov = jnp.full((S, L), -1.0, jnp.float32)
    best_idx = jnp.zeros((S, L), jnp.int32)
    bp_list = []
    for t in range(_NOBJ):
        tx1 = truths_ref[0, t, 0]
        ty1 = truths_ref[0, t, 1]
        tx2 = truths_ref[0, t, 2]
        ty2 = truths_ref[0, t, 3]
        ta = (tx2 - tx1) * (ty2 - ty1)
        ix = jnp.maximum(jnp.minimum(x2, tx2) - jnp.maximum(x1, tx1), 0.0)
        iy = jnp.maximum(jnp.minimum(y2, ty2) - jnp.maximum(y1, ty1), 0.0)
        inter = ix * iy
        iou = inter / (ta + area_d - inter)
        upd = iou > best_ov
        best_idx = jnp.where(upd, t, best_idx)
        best_ov = jnp.maximum(iou, best_ov)
        m_t = jnp.max(iou)
        cand = jnp.where(iou == m_t, flat_iota, P)
        bp_list.append(jnp.min(cand))

    conf = jnp.zeros((S, L), jnp.int32)
    mx1 = jnp.zeros((S, L), jnp.float32)
    my1 = jnp.zeros((S, L), jnp.float32)
    mx2 = jnp.zeros((S, L), jnp.float32)
    my2 = jnp.zeros((S, L), jnp.float32)
    for t in range(_NOBJ):
        m = best_idx == t
        conf = jnp.where(m, labels_ref[0, 0, t], conf)
        mx1 = jnp.where(m, truths_ref[0, t, 0], mx1)
        my1 = jnp.where(m, truths_ref[0, t, 1], my1)
        mx2 = jnp.where(m, truths_ref[0, t, 2], mx2)
        my2 = jnp.where(m, truths_ref[0, t, 3], my2)
    conf = jnp.where(best_ov < _OVERLAP, 0, conf)
    for t in range(_NOBJ):
        m = flat_iota == bp_list[t]
        conf = jnp.where(m, labels_ref[0, 0, t], conf)
        mx1 = jnp.where(m, truths_ref[0, t, 0], mx1)
        my1 = jnp.where(m, truths_ref[0, t, 1], my1)
        mx2 = jnp.where(m, truths_ref[0, t, 2], mx2)
        my2 = jnp.where(m, truths_ref[0, t, 3], my2)

    ac = ac_ref[0]
    a0, a1 = ac[0], ac[1]
    amx = jnp.maximum(a0, a1)
    e0 = jnp.exp(a0 - amx)
    e1 = jnp.exp(a1 - amx)
    p1 = e1 / (e0 + e1)
    pos = (conf > 0) & (p1 > _THETA)
    posf = pos.astype(jnp.float32)
    np_i = jnp.sum(pos.astype(jnp.int32))

    ccx = (x1 + x2) * 0.5
    ccy = (y1 + y2) * 0.5
    cw = x2 - x1
    ch = y2 - y1
    g_cx = ((mx1 + mx2) * 0.5 - ccx) / (_VAR0 * cw)
    g_cy = ((my1 + my2) * 0.5 - ccy) / (_VAR0 * ch)
    g_w = jnp.log((mx2 - mx1) / cw) / _VAR1
    g_h = jnp.log((my2 - my1) / ch) / _VAR1

    ol = ol_ref[0]
    sl1sum = jnp.float32(0.0)
    for i, g in enumerate((g_cx, g_cy, g_w, g_h)):
        dd = ol[i] - g
        add = jnp.abs(dd)
        s = jnp.where(add < 1.0, 0.5 * dd * dd, add - 0.5)
        sl1sum = sl1sum + jnp.sum(s * posf)

    se = jnp.zeros((S, L), jnp.float32)
    gat = jnp.zeros((S, L), jnp.float32)
    for c in range(C):
        occ = oc_ref[0, c]
        se = se + jnp.exp(occ)
        gat = jnp.where(conf == c, occ, gat)
    lse = jnp.log(se)
    ce = lse - gat
    mine = jnp.where(pos, 0.0, ce)
    ce_pos = jnp.sum(ce * posf)

    k = jnp.minimum(_NEGPOS * np_i, P - 1)
    v = lax.bitcast_convert_type(mine, jnp.int32)

    def body(_, carry):
        lo, hi = carry
        mid = lo + ((hi - lo) >> 1)
        c = jnp.sum((v >= mid).astype(jnp.int32))
        ge = c >= k
        return jnp.where(ge, mid, lo), jnp.where(ge, hi, mid)

    lo, _ = lax.fori_loop(0, 31, body, (jnp.int32(0), jnp.int32(0x7F800000)))
    mask_gt = v > lo
    cgt = jnp.sum(mask_gt.astype(jnp.int32))
    sgt = jnp.sum(jnp.where(mask_gt, mine, 0.0))
    tie_v = jnp.max(jnp.where(v == lo, mine, -1e30))
    d = (k - cgt).astype(jnp.float32)
    negsum = jnp.where(k > 0, sgt + d * tie_v, 0.0)

    vals = (sl1sum, np_i.astype(jnp.float32), ce_pos, negsum,
            k.astype(jnp.float32))
    liota = lax.broadcasted_iota(jnp.int32, (1, 128), 1)
    o = jnp.zeros((1, 128), jnp.float32)
    for j, sv in enumerate(vals):
        o = jnp.where(liota == j, sv, o)
    out_ref[0] = o


def kernel(arm_loc_data, arm_conf_data, odm_loc_data, odm_conf_data,
           prior_data, targets):
    B, P, C = odm_conf_data.shape
    S = _S
    L = P // S
    al = arm_loc_data.reshape(B, S, L, 4).transpose(0, 3, 1, 2)
    ol = odm_loc_data.reshape(B, S, L, 4).transpose(0, 3, 1, 2)
    ac = arm_conf_data.reshape(B, S, L, 2).transpose(0, 3, 1, 2)
    oc = odm_conf_data.reshape(B, S, L, C).transpose(0, 3, 1, 2)
    prt = prior_data.reshape(S, L, 4).transpose(2, 0, 1)
    truths = targets[..., :4]
    labels = targets[..., 4].astype(jnp.int32).reshape(B, 1, _NOBJ)

    out = pl.pallas_call(
        _loss_kernel,
        grid=(B,),
        in_specs=[
            pl.BlockSpec((1, _NOBJ, 4), lambda b: (b, 0, 0)),
            pl.BlockSpec((1, 1, _NOBJ), lambda b: (b, 0, 0)),
            pl.BlockSpec((1, C, S, L), lambda b: (b, 0, 0, 0)),
            pl.BlockSpec((1, 4, S, L), lambda b: (b, 0, 0, 0)),
            pl.BlockSpec((1, 4, S, L), lambda b: (b, 0, 0, 0)),
            pl.BlockSpec((1, 2, S, L), lambda b: (b, 0, 0, 0)),
            pl.BlockSpec((4, S, L), lambda b: (0, 0, 0)),
        ],
        out_specs=pl.BlockSpec((1, 1, 128), lambda b: (b, 0, 0)),
        out_shape=jax.ShapeDtypeStruct((B, 1, 128), jnp.float32),
    )(truths, labels, oc, al, ol, ac, prt)

    r = out[:, 0, :]
    npos = r[:, 1].sum()
    N = npos
    loss_l = r[:, 0].sum() / (4.0 * N) / N
    n_sel = npos + r[:, 4].sum()
    loss_c = (r[:, 2].sum() + r[:, 3].sum()) / n_sel / N
    return (loss_l, loss_c)

# --- scband reference (transcript-rebuilt; emitter-appended) ---
"""Pipeline reference for scband-refine-det-multi-box-loss-9594956939888 (READ-ONLY COPY).

The authoritative reference and input builder live on the scoring server;
editing this copy changes nothing except your own understanding.
"""

import jax, jax.numpy as jnp
import numpy as np

NUM_CLASSES = 81
NUM_PRIORS = 16320
BATCH = 32
NUM_OBJ = 16
VAR0 = 0.1
VAR1 = 0.2
THETA = 0.01
NEGPOS = 3
OVERLAP_THRESH = 0.5


def center_size(boxes):
    return jnp.concatenate([(boxes[:, 2:] + boxes[:, :2]) / 2.0,
                            boxes[:, 2:] - boxes[:, :2]], axis=1)


def decode(loc, priors):
    xy = priors[:, :2] + loc[:, :2] * VAR0 * priors[:, 2:]
    wh = priors[:, 2:] * jnp.exp(loc[:, 2:] * VAR1)
    return jnp.concatenate([xy - wh / 2.0, xy + wh / 2.0], axis=1)


def encode(matched, priors_cs):
    g_cxcy = ((matched[:, :2] + matched[:, 2:]) / 2.0 - priors_cs[:, :2]) / (VAR0 * priors_cs[:, 2:])
    g_wh = jnp.log((matched[:, 2:] - matched[:, :2]) / priors_cs[:, 2:]) / VAR1
    return jnp.concatenate([g_cxcy, g_wh], axis=1)


def jaccard(box_a, box_b):
    max_xy = jnp.minimum(box_a[:, None, 2:], box_b[None, :, 2:])
    min_xy = jnp.maximum(box_a[:, None, :2], box_b[None, :, :2])
    inter = jnp.prod(jnp.clip(max_xy - min_xy, 0.0, None), axis=-1)
    area_a = ((box_a[:, 2] - box_a[:, 0]) * (box_a[:, 3] - box_a[:, 1]))[:, None]
    area_b = ((box_b[:, 2] - box_b[:, 0]) * (box_b[:, 3] - box_b[:, 1]))[None, :]
    return inter / (area_a + area_b - inter)


def match_one(truths, labels, priors, arm_loc):
    # refine_match with arm_loc given (use_ARM=True path)
    decoded = decode(arm_loc, priors)
    overlaps = jaccard(truths, decoded)                # [num_obj, P]
    best_prior_idx = jnp.argmax(overlaps, axis=1)      # [num_obj]
    best_truth_overlap = jnp.max(overlaps, axis=0)     # [P]
    best_truth_idx = jnp.argmax(overlaps, axis=0)      # [P]
    best_truth_overlap = best_truth_overlap.at[best_prior_idx].set(2.0)
    best_truth_idx = best_truth_idx.at[best_prior_idx].set(jnp.arange(truths.shape[0]))
    matches = truths[best_truth_idx]                   # gather [P, 4]
    conf = labels[best_truth_idx]
    conf = jnp.where(best_truth_overlap < OVERLAP_THRESH, 0, conf)
    loc = encode(matches, center_size(decoded))
    return loc, conf


def setup_inputs(seed: int = 0):
    key = jax.random.key(seed)
    ks = jax.random.split(key, 10)
    arm_loc_data = 0.1 * jax.random.normal(ks[0], (BATCH, NUM_PRIORS, 4), jnp.float32)
    arm_conf_data = jax.random.normal(ks[1], (BATCH, NUM_PRIORS, 2), jnp.float32)
    odm_loc_data = 0.1 * jax.random.normal(ks[2], (BATCH, NUM_PRIORS, 4), jnp.float32)
    odm_conf_data = jax.random.normal(ks[3], (BATCH, NUM_PRIORS, NUM_CLASSES), jnp.float32)
    cxcy = jax.random.uniform(ks[4], (NUM_PRIORS, 2), minval=0.05, maxval=0.95)
    pwh = jax.random.uniform(ks[5], (NUM_PRIORS, 2), minval=0.02, maxval=0.3)
    prior_data = jnp.concatenate([cxcy, pwh], axis=1).astype(jnp.float32)
    tc = jax.random.uniform(ks[6], (BATCH, NUM_OBJ, 2), minval=0.2, maxval=0.8)
    twh = jax.random.uniform(ks[7], (BATCH, NUM_OBJ, 2), minval=0.05, maxval=0.3)
    x1y1 = jnp.clip(tc - twh / 2.0, 0.0, 1.0)
    x2y2 = jnp.clip(tc + twh / 2.0, 0.0, 1.0)
    lbl = jax.random.randint(ks[8], (BATCH, NUM_OBJ, 1), 1, NUM_CLASSES).astype(jnp.float32)
    targets = jnp.concatenate([x1y1, x2y2, lbl], axis=2).astype(jnp.float32)
    return {"arm_loc_data": arm_loc_data, "arm_conf_data": arm_conf_data,
            "odm_loc_data": odm_loc_data, "odm_conf_data": odm_conf_data,
            "prior_data": prior_data, "targets": targets}


def reference(arm_loc_data, arm_conf_data, odm_loc_data, odm_conf_data, prior_data, targets):
    B, P, C = odm_conf_data.shape
    truths = targets[..., :4]
    labels = targets[..., 4].astype(jnp.int32)
    loc_t, conf_t = jax.vmap(lambda t, l, a: match_one(t, l, prior_data, a))(truths, labels, arm_loc_data)
    # ARM objectness filtering
    arm_p1 = jax.nn.softmax(arm_conf_data, axis=2)[:, :, 1]
    pos = (conf_t > 0) & (arm_p1 > THETA)
    num_pos = pos.sum(axis=1, keepdims=True)
    N = num_pos.sum().astype(jnp.float32)
    # localization smooth-L1 (mean over positive elements)
    posf = pos.astype(jnp.float32)
    d = odm_loc_data - loc_t
    ad = jnp.abs(d)
    sl1 = jnp.where(ad < 1.0, 0.5 * d * d, ad - 0.5)
    loss_l = (sl1 * posf[..., None]).sum() / (4.0 * N)
    # hard negative mining using log_sum_exp(x) - x[target] (global-max trick)
    batch_conf = odm_conf_data.reshape(-1, C)
    gathered = jnp.take_along_axis(batch_conf, conf_t.reshape(-1, 1), axis=1)[:, 0]
    x_max = jnp.max(batch_conf)
    lse_global = jnp.log(jnp.sum(jnp.exp(batch_conf - x_max), axis=1)) + x_max
    mine = lse_global - gathered
    mine = jnp.where(pos.reshape(-1), 0.0, mine).reshape(B, P)
    loss_idx = jnp.argsort(-mine, axis=1)   # descending sort
    idx_rank = jnp.argsort(loss_idx, axis=1)
    num_neg = jnp.minimum(NEGPOS * num_pos, P - 1)
    neg = idx_rank < num_neg
    sel = pos | neg
    # cross entropy over selected (pos + hard neg) priors, mean reduction
    row_lse = jax.scipy.special.logsumexp(batch_conf, axis=1)
    ce = (row_lse - gathered).reshape(B, P)
    n_sel = sel.sum().astype(jnp.float32)
    loss_c = (ce * sel.astype(jnp.float32)).sum() / n_sel
    loss_l = loss_l / N
    loss_c = loss_c / N
    return (loss_l, loss_c)


if False:  # reference __main__ guard neutralized (emitter)
    out = reference(**setup_inputs())
    print(out)

if __name__ == "__main__":
    import jax
    _d = setup_inputs()
    print(jax.jit(kernel)(*tuple(_d.values())))

</pallas_src>

<mosaic_0001>
module attributes {stable_mosaic.version = 14 : i64} {
  func.func @_loss_kernel(%arg0: i32, %arg1: memref<1x16x4xf32, #tpu.memory_space<vmem>>, %arg2: memref<1x1x16xi32, #tpu.memory_space<vmem>>, %arg3: memref<1x81x8x2040xf32, #tpu.memory_space<vmem>>, %arg4: memref<1x4x8x2040xf32, #tpu.memory_space<vmem>>, %arg5: memref<1x4x8x2040xf32, #tpu.memory_space<vmem>>, %arg6: memref<1x2x8x2040xf32, #tpu.memory_space<vmem>>, %arg7: memref<4x8x2040xf32, #tpu.memory_space<vmem>>, %arg8: memref<1x1x128xf32, #tpu.memory_space<vmem>>) attributes {dimension_semantics = [#tpu.dimension_semantics<arbitrary>], iteration_bounds = array<i64: 32>, scalar_prefetch = 0 : i64, scratch_operands = 0 : i64, tpu.core_type = #tpu.core_type<tc>, window_params = [{transform_indices = @transform_0, window_bounds = array<i64: 1, 16, 4>}, {transform_indices = @transform_1, window_bounds = array<i64: 1, 1, 16>}, {transform_indices = @transform_2, window_bounds = array<i64: 1, 81, 8, 2040>}, {transform_indices = @transform_3, window_bounds = array<i64: 1, 4, 8, 2040>}, {transform_indices = @transform_4, window_bounds = array<i64: 1, 4, 8, 2040>}, {transform_indices = @transform_5, window_bounds = array<i64: 1, 2, 8, 2040>}, {pipeline_mode = #tpu.pipeline_mode<synchronous>, transform_indices = @transform_6, window_bounds = array<i64: 4, 8, 2040>}, {transform_indices = @transform_7, window_bounds = array<i64: 1, 1, 128>}]} {
    %get3A = arith.constant 0 : index
    %get3A_0 = arith.constant 0 : index
    %get3A_1 = arith.constant 0 : index
    %get3A_2 = vector.load %arg7[%get3A, %get3A_0, %get3A_1] : memref<4x8x2040xf32, #tpu.memory_space<vmem>>, vector<4x8x2040xf32>
    %get3A_3 = arith.constant 0 : index
    %get3A_4 = arith.constant 0 : index
    %get3A_5 = arith.constant 0 : index
    %get3A_6 = arith.constant 0 : index
    %get3A_7 = vector.load %arg4[%get3A_3, %get3A_4, %get3A_5, %get3A_6] : memref<1x4x8x2040xf32, #tpu.memory_space<vmem>>, vector<1x4x8x2040xf32>
    %get3A_8 = vector.shape_cast %get3A_7 : vector<1x4x8x2040xf32> to vector<4x8x2040xf32>
    %slice3A = vector.extract_strided_slice %get3A_2 {offsets = [0, 0, 0], sizes = [1, 8, 2040], strides = [1, 1, 1]} : vector<4x8x2040xf32> to vector<1x8x2040xf32>
    %squeeze3A = vector.shape_cast %slice3A : vector<1x8x2040xf32> to vector<8x2040xf32>
    %slice3A_9 = vector.extract_strided_slice %get3A_2 {offsets = [1, 0, 0], sizes = [1, 8, 2040], strides = [1, 1, 1]} : vector<4x8x2040xf32> to vector<1x8x2040xf32>
    %squeeze3A_10 = vector.shape_cast %slice3A_9 : vector<1x8x2040xf32> to vector<8x2040xf32>
    %slice3A_11 = vector.extract_strided_slice %get3A_2 {offsets = [2, 0, 0], sizes = [1, 8, 2040], strides = [1, 1, 1]} : vector<4x8x2040xf32> to vector<1x8x2040xf32>
    %squeeze3A_12 = vector.shape_cast %slice3A_11 : vector<1x8x2040xf32> to vector<8x2040xf32>
    %slice3A_13 = vector.extract_strided_slice %get3A_2 {offsets = [3, 0, 0], sizes = [1, 8, 2040], strides = [1, 1, 1]} : vector<4x8x2040xf32> to vector<1x8x2040xf32>
    %squeeze3A_14 = vector.shape_cast %slice3A_13 : vector<1x8x2040xf32> to vector<8x2040xf32>
    %slice3A_15 = vector.extract_strided_slice %get3A_8 {offsets = [0, 0, 0], sizes = [1, 8, 2040], strides = [1, 1, 1]} : vector<4x8x2040xf32> to vector<1x8x2040xf32>
    %squeeze3A_16 = vector.shape_cast %slice3A_15 : vector<1x8x2040xf32> to vector<8x2040xf32>
    %mul3A = arith.constant 1.000000e-01 : f32
    %mul3A_17 = vector.broadcast %mul3A : f32 to vector<8x2040xf32>
    %mul3A_18 = arith.mulf %squeeze3A_16, %mul3A_17 : vector<8x2040xf32>
    %mul3A_19 = arith.mulf %mul3A_18, %squeeze3A_12 : vector<8x2040xf32>
    %add3A = arith.addf %squeeze3A, %mul3A_19 : vector<8x2040xf32>
    %slice3A_20 = vector.extract_strided_slice %get3A_8 {offsets = [1, 0, 0], sizes = [1, 8, 2040], strides = [1, 1, 1]} : vector<4x8x2040xf32> to vector<1x8x2040xf32>
    %squeeze3A_21 = vector.shape_cast %slice3A_20 : vector<1x8x2040xf32> to vector<8x2040xf32>
    %mul3A_22 = arith.constant 1.000000e-01 : f32
    %mul3A_23 = vector.broadcast %mul3A_22 : f32 to vector<8x2040xf32>
    %mul3A_24 = arith.mulf %squeeze3A_21, %mul3A_23 : vector<8x2040xf32>
    %mul3A_25 = arith.mulf %mul3A_24, %squeeze3A_14 : vector<8x2040xf32>
    %add3A_26 = arith.addf %squeeze3A_10, %mul3A_25 : vector<8x2040xf32>
    %slice3A_27 = vector.extract_strided_slice %get3A_8 {offsets = [2, 0, 0], sizes = [1, 8, 2040], strides = [1, 1, 1]} : vector<4x8x2040xf32> to vector<1x8x2040xf32>
    %squeeze3A_28 = vector.shape_cast %slice3A_27 : vector<1x8x2040xf32> to vector<8x2040xf32>
    %mul3A_29 = arith.constant 2.000000e-01 : f32
    %mul3A_30 = vector.broadcast %mul3A_29 : f32 to vector<8x2040xf32>
    %mul3A_31 = arith.mulf %squeeze3A_28, %mul3A_30 : vector<8x2040xf32>
    %exp3A = math.exp %mul3A_31 : vector<8x2040xf32>
    %mul3A_32 = arith.mulf %squeeze3A_12, %exp3A : vector<8x2040xf32>
    %slice3A_33 = vector.extract_strided_slice %get3A_8 {offsets = [3, 0, 0], sizes = [1, 8, 2040], strides = [1, 1, 1]} : vector<4x8x2040xf32> to vector<1x8x2040xf32>
    %squeeze3A_34 = vector.shape_cast %slice3A_33 : vector<1x8x2040xf32> to vector<8x2040xf32>
    %mul3A_35 = arith.constant 2.000000e-01 : f32
    %mul3A_36 = vector.broadcast %mul3A_35 : f32 to vector<8x2040xf32>
    %mul3A_37 = arith.mulf %squeeze3A_34, %mul3A_36 : vector<8x2040xf32>
    %exp3A_38 = math.exp %mul3A_37 : vector<8x2040xf32>
    %mul3A_39 = arith.mulf %squeeze3A_14, %exp3A_38 : vector<8x2040xf32>
    %mul3A_40 = arith.constant 5.000000e-01 : f32
    %mul3A_41 = vector.broadcast %mul3A_40 : f32 to vector<8x2040xf32>
    %mul3A_42 = arith.mulf %mul3A_32, %mul3A_41 : vector<8x2040xf32>
    %sub3A = arith.subf %add3A, %mul3A_42 : vector<8x2040xf32>
    %mul3A_43 = arith.constant 5.000000e-01 : f32
    %mul3A_44 = vector.broadcast %mul3A_43 : f32 to vector<8x2040xf32>
    %mul3A_45 = arith.mulf %mul3A_39, %mul3A_44 : vector<8x2040xf32>
    %sub3A_46 = arith.subf %add3A_26, %mul3A_45 : vector<8x2040xf32>
    %mul3A_47 = arith.constant 5.000000e-01 : f32
    %mul3A_48 = vector.broadcast %mul3A_47 : f32 to vector<8x2040xf32>
    %mul3A_49 = arith.mulf %mul3A_32, %mul3A_48 : vector<8x2040xf32>
    %add3A_50 = arith.addf %add3A, %mul3A_49 : vector<8x2040xf32>
    %mul3A_51 = arith.constant 5.000000e-01 : f32
    %mul3A_52 = vector.broadcast %mul3A_51 : f32 to vector<8x2040xf32>
    %mul3A_53 = arith.mulf %mul3A_39, %mul3A_52 : vector<8x2040xf32>
    %add3A_54 = arith.addf %add3A_26, %mul3A_53 : vector<8x2040xf32>
    %sub3A_55 = arith.subf %add3A_50, %sub3A : vector<8x2040xf32>
    %sub3A_56 = arith.subf %add3A_54, %sub3A_46 : vector<8x2040xf32>
    %mul3A_57 = arith.mulf %sub3A_55, %sub3A_56 : vector<8x2040xf32>
    %iota3A = tpu.iota {dimensions = array<i32: 0>} : vector<8x2040xi32>
    %iota3A_58 = tpu.iota {dimensions = array<i32: 1>} : vector<8x2040xi32>
    %mul3A_59 = arith.constant 2040 : i32
    %mul3A_60 = vector.broadcast %mul3A_59 : i32 to vector<8x2040xi32>
    %mul3A_61 = arith.muli %iota3A, %mul3A_60 : vector<8x2040xi32>
    %add3A_62 = arith.addi %mul3A_61, %iota3A_58 : vector<8x2040xi32>
    %broadcast_in_dim3A = arith.constant -1.000000e+00 : f32
    %broadcast_in_dim3A_63 = vector.broadcast %broadcast_in_dim3A : f32 to vector<8x2040xf32>
    %broadcast_in_dim3A_64 = arith.constant 0 : i32
    %broadcast_in_dim3A_65 = vector.broadcast %broadcast_in_dim3A_64 : i32 to vector<8x2040xi32>
    %get3A_66 = arith.constant 0 : index
    %get3A_67 = arith.constant 0 : index
    %get3A_68 = arith.constant 0 : index
    %get3A_69 = vector.load %arg1[%get3A_66, %get3A_67, %get3A_68] : memref<1x16x4xf32, #tpu.memory_space<vmem>>, vector<1x1x1xf32>
    %get3A_70 = vector.extract %get3A_69[0, 0, 0] : f32 from vector<1x1x1xf32>
    %get3A_71 = arith.constant 0 : index
    %get3A_72 = arith.constant 0 : index
    %get3A_73 = arith.constant 1 : index
    %get3A_74 = vector.load %arg1[%get3A_71, %get3A_72, %get3A_73] : memref<1x16x4xf32, #tpu.memory_space<vmem>>, vector<1x1x1xf32>
    %get3A_75 = vector.extract %get3A_74[0, 0, 0] : f32 from vector<1x1x1xf32>
    %get3A_76 = arith.constant 0 : index
    %get3A_77 = arith.constant 0 : index
    %get3A_78 = arith.constant 2 : index
    %get3A_79 = vector.load %arg1[%get3A_76, %get3A_77, %get3A_78] : memref<1x16x4xf32, #tpu.memory_space<vmem>>, vector<1x1x1xf32>
    %get3A_80 = vector.extract %get3A_79[0, 0, 0] : f32 from vector<1x1x1xf32>
    %get3A_81 = arith.constant 0 : index
    %get3A_82 = arith.constant 0 : index
    %get3A_83 = arith.constant 3 : index
    %get3A_84 = vector.load %arg1[%get3A_81, %get3A_82, %get3A_83] : memref<1x16x4xf32, #tpu.memory_space<vmem>>, vector<1x1x1xf32>
    %get3A_85 = vector.extract %get3A_84[0, 0, 0] : f32 from vector<1x1x1xf32>
    %sub3A_86 = arith.subf %get3A_80, %get3A_70 : f32
    %sub3A_87 = arith.subf %get3A_85, %get3A_75 : f32
    %mul3A_88 = arith.mulf %sub3A_86, %sub3A_87 : f32
    %min3A = vector.broadcast %get3A_80 : f32 to vector<8x2040xf32>
    %min3A_89 = arith.minimumf %add3A_50, %min3A : vector<8x2040xf32>
    %max3A = vector.broadcast %get3A_70 : f32 to vector<8x2040xf32>
    %max3A_90 = arith.maximumf %sub3A, %max3A : vector<8x2040xf32>
    %sub3A_91 = arith.subf %min3A_89, %max3A_90 : vector<8x2040xf32>
    %max3A_92 = arith.constant 0.000000e+00 : f32
    %max3A_93 = vector.broadcast %max3A_92 : f32 to vector<8x2040xf32>
    %max3A_94 = arith.maximumf %sub3A_91, %max3A_93 : vector<8x2040xf32>
    %min3A_95 = vector.broadcast %get3A_85 : f32 to vector<8x2040xf32>
    %min3A_96 = arith.minimumf %add3A_54, %min3A_95 : vector<8x2040xf32>
    %max3A_97 = vector.broadcast %get3A_75 : f32 to vector<8x2040xf32>
    %max3A_98 = arith.maximumf %sub3A_46, %max3A_97 : vector<8x2040xf32>
    %sub3A_99 = arith.subf %min3A_96, %max3A_98 : vector<8x2040xf32>
    %max3A_100 = arith.constant 0.000000e+00 : f32
    %max3A_101 = vector.broadcast %max3A_100 : f32 to vector<8x2040xf32>
    %max3A_102 = arith.maximumf %sub3A_99, %max3A_101 : vector<8x2040xf32>
    %mul3A_103 = arith.mulf %max3A_94, %max3A_102 : vector<8x2040xf32>
    %add3A_104 = vector.broadcast %mul3A_88 : f32 to vector<8x2040xf32>
    %add3A_105 = arith.addf %add3A_104, %mul3A_57 : vector<8x2040xf32>
    %sub3A_106 = arith.subf %add3A_105, %mul3A_103 : vector<8x2040xf32>
    %div3A = arith.divf %mul3A_103, %sub3A_106 : vector<8x2040xf32>
    %gt3A = arith.cmpf ogt, %div3A, %broadcast_in_dim3A_63 : vector<8x2040xf32>
    %jit3A = arith.constant 0 : i32
    %broadcast_in_dim3A_107 = vector.broadcast %jit3A : i32 to vector<8x2040xi32>
    %select_n3A = arith.select %gt3A, %broadcast_in_dim3A_107, %broadcast_in_dim3A_65 : vector<8x2040xi1>, vector<8x2040xi32>
    %max3A_108 = arith.maximumf %div3A, %broadcast_in_dim3A_63 : vector<8x2040xf32>
    %reduce_max3A = vector.shape_cast %div3A : vector<8x2040xf32> to vector<1x8x2040xf32>
    %reduce_max3A_109 = arith.constant dense<0xFF800000> : vector<1xf32>
    %reduce_max3A_110 = vector.multi_reduction <maximumf>, %reduce_max3A, %reduce_max3A_109 [1, 2] : vector<1x8x2040xf32> to vector<1xf32>
    %reduce_max3A_111 = vector.shape_cast %reduce_max3A_110 : vector<1xf32> to vector<1x1x1xf32>
    %reduce_max3A_112 = vector.extract %reduce_max3A_111[0, 0, 0] : f32 from vector<1x1x1xf32>
    %eq3A = vector.broadcast %reduce_max3A_112 : f32 to vector<8x2040xf32>
    %eq3A_113 = arith.cmpf oeq, %div3A, %eq3A : vector<8x2040xf32>
    %jit3A_114 = arith.constant 16320 : i32
    %broadcast_in_dim3A_115 = vector.broadcast %jit3A_114 : i32 to vector<8x2040xi32>
    %select_n3A_116 = arith.select %eq3A_113, %add3A_62, %broadcast_in_dim3A_115 : vector<8x2040xi1>, vector<8x2040xi32>
    %reduce_min3A = vector.shape_cast %select_n3A_116 : vector<8x2040xi32> to vector<1x8x2040xi32>
    %reduce_min3A_117 = arith.constant dense<2147483647> : vector<1xi32>
    %reduce_min3A_118 = vector.multi_reduction <minsi>, %reduce_min3A, %reduce_min3A_117 [1, 2] : vector<1x8x2040xi32> to vector<1xi32>
    %reduce_min3A_119 = vector.shape_cast %reduce_min3A_118 : vector<1xi32> to vector<1x1x1xi32>
    %reduce_min3A_120 = vector.extract %reduce_min3A_119[0, 0, 0] : i32 from vector<1x1x1xi32>
    %get3A_121 = arith.constant 0 : index
    %get3A_122 = arith.constant 1 : index
    %get3A_123 = arith.constant 0 : index
    %get3A_124 = vector.load %arg1[%get3A_121, %get3A_122, %get3A_123] : memref<1x16x4xf32, #tpu.memory_space<vmem>>, vector<1x1x1xf32>
    %get3A_125 = vector.extract %get3A_124[0, 0, 0] : f32 from vector<1x1x1xf32>
    %get3A_126 = arith.constant 0 : index
    %get3A_127 = arith.constant 1 : index
    %get3A_128 = arith.constant 1 : index
    %get3A_129 = vector.load %arg1[%get3A_126, %get3A_127, %get3A_128] : memref<1x16x4xf32, #tpu.memory_space<vmem>>, vector<1x1x1xf32>
    %get3A_130 = vector.extract %get3A_129[0, 0, 0] : f32 from vector<1x1x1xf32>
    %get3A_131 = arith.constant 0 : index
    %get3A_132 = arith.constant 1 : index
    %get3A_133 = arith.constant 2 : index
    %get3A_134 = vector.load %arg1[%get3A_131, %get3A_132, %get3A_133] : memref<1x16x4xf32, #tpu.memory_space<vmem>>, vector<1x1x1xf32>
    %get3A_135 = vector.extract %get3A_134[0, 0, 0] : f32 from vector<1x1x1xf32>
    %get3A_136 = arith.constant 0 : index
    %get3A_137 = arith.constant 1 : index
    %get3A_138 = arith.constant 3 : index
    %get3A_139 = vector.load %arg1[%get3A_136, %get3A_137, %get3A_138] : memref<1x16x4xf32, #tpu.memory_space<vmem>>, vector<1x1x1xf32>
    %get3A_140 = vector.extract %get3A_139[0, 0, 0] : f32 from vector<1x1x1xf32>
    %sub3A_141 = arith.subf %get3A_135, %get3A_125 : f32
    %sub3A_142 = arith.subf %get3A_140, %get3A_130 : f32
    %mul3A_143 = arith.mulf %sub3A_141, %sub3A_142 : f32
    %min3A_144 = vector.broadcast %get3A_135 : f32 to vector<8x2040xf32>
    %min3A_145 = arith.minimumf %add3A_50, %min3A_144 : vector<8x2040xf32>
    %max3A_146 = vector.broadcast %get3A_125 : f32 to vector<8x2040xf32>
    %max3A_147 = arith.maximumf %sub3A, %max3A_146 : vector<8x2040xf32>
    %sub3A_148 = arith.subf %min3A_145, %max3A_147 : vector<8x2040xf32>
    %max3A_149 = arith.constant 0.000000e+00 : f32
    %max3A_150 = vector.broadcast %max3A_149 : f32 to vector<8x2040xf32>
    %max3A_151 = arith.maximumf %sub3A_148, %max3A_150 : vector<8x2040xf32>
    %min3A_152 = vector.broadcast %get3A_140 : f32 to vector<8x2040xf32>
    %min3A_153 = arith.minimumf %add3A_54, %min3A_152 : vector<8x2040xf32>
    %max3A_154 = vector.broadcast %get3A_130 : f32 to vector<8x2040xf32>
    %max3A_155 = arith.maximumf %sub3A_46, %max3A_154 : vector<8x2040xf32>
    %sub3A_156 = arith.subf %min3A_153, %max3A_155 : vector<8x2040xf32>
    %max3A_157 = arith.constant 0.000000e+00 : f32
    %max3A_158 = vector.broadcast %max3A_157 : f32 to vector<8x2040xf32>
    %max3A_159 = arith.maximumf %sub3A_156, %max3A_158 : vector<8x2040xf32>
    %mul3A_160 = arith.mulf %max3A_151, %max3A_159 : vector<8x2040xf32>
    %add3A_161 = vector.broadcast %mul3A_143 : f32 to vector<8x2040xf32>
    %add3A_162 = arith.addf %add3A_161, %mul3A_57 : vector<8x2040xf32>
    %sub3A_163 = arith.subf %add3A_162, %mul3A_160 : vector<8x2040xf32>
    %div3A_164 = arith.divf %mul3A_160, %sub3A_163 : vector<8x2040xf32>
    %gt3A_165 = arith.cmpf ogt, %div3A_164, %max3A_108 : vector<8x2040xf32>
    %jit3A_166 = arith.constant 1 : i32
    %broadcast_in_dim3A_167 = vector.broadcast %jit3A_166 : i32 to vector<8x2040xi32>
    %select_n3A_168 = arith.select %gt3A_165, %broadcast_in_dim3A_167, %select_n3A : vector<8x2040xi1>, vector<8x2040xi32>
    %max3A_169 = arith.maximumf %div3A_164, %max3A_108 : vector<8x2040xf32>
    %reduce_max3A_170 = vector.shape_cast %div3A_164 : vector<8x2040xf32> to vector<1x8x2040xf32>
    %reduce_max3A_171 = arith.constant dense<0xFF800000> : vector<1xf32>
    %reduce_max3A_172 = vector.multi_reduction <maximumf>, %reduce_max3A_170, %reduce_max3A_171 [1, 2] : vector<1x8x2040xf32> to vector<1xf32>
    %reduce_max3A_173 = vector.shape_cast %reduce_max3A_172 : vector<1xf32> to vector<1x1x1xf32>
    %reduce_max3A_174 = vector.extract %reduce_max3A_173[0, 0, 0] : f32 from vector<1x1x1xf32>
    %eq3A_175 = vector.broadcast %reduce_max3A_174 : f32 to vector<8x2040xf32>
    %eq3A_176 = arith.cmpf oeq, %div3A_164, %eq3A_175 : vector<8x2040xf32>
    %jit3A_177 = arith.constant 16320 : i32
    %broadcast_in_dim3A_178 = vector.broadcast %jit3A_177 : i32 to vector<8x2040xi32>
    %select_n3A_179 = arith.select %eq3A_176, %add3A_62, %broadcast_in_dim3A_178 : vector<8x2040xi1>, vector<8x2040xi32>
    %reduce_min3A_180 = vector.shape_cast %select_n3A_179 : vector<8x2040xi32> to vector<1x8x2040xi32>
    %reduce_min3A_181 = arith.constant dense<2147483647> : vector<1xi32>
    %reduce_min3A_182 = vector.multi_reduction <minsi>, %reduce_min3A_180, %reduce_min3A_181 [1, 2] : vector<1x8x2040xi32> to vector<1xi32>
    %reduce_min3A_183 = vector.shape_cast %reduce_min3A_182 : vector<1xi32> to vector<1x1x1xi32>
    %reduce_min3A_184 = vector.extract %reduce_min3A_183[0, 0, 0] : i32 from vector<1x1x1xi32>
    %get3A_185 = arith.constant 0 : index
    %get3A_186 = arith.constant 2 : index
    %get3A_187 = arith.constant 0 : index
    %get3A_188 = vector.load %arg1[%get3A_185, %get3A_186, %get3A_187] : memref<1x16x4xf32, #tpu.memory_space<vmem>>, vector<1x1x1xf32>
    %get3A_189 = vector.extract %get3A_188[0, 0, 0] : f32 from vector<1x1x1xf32>
    %get3A_190 = arith.constant 0 : index
    %get3A_191 = arith.constant 2 : index
    %get3A_192 = arith.constant 1 : index
    %get3A_193 = vector.load %arg1[%get3A_190, %get3A_191, %get3A_192] : memref<1x16x4xf32, #tpu.memory_space<vmem>>, vector<1x1x1xf32>
    %get3A_194 = vector.extract %get3A_193[0, 0, 0] : f32 from vector<1x1x1xf32>
    %get3A_195 = arith.constant 0 : index
    %get3A_196 = arith.constant 2 : index
    %get3A_197 = arith.constant 2 : index
    %get3A_198 = vector.load %arg1[%get3A_195, %get3A_196, %get3A_197] : memref<1x16x4xf32, #tpu.memory_space<vmem>>, vector<1x1x1xf32>
    %get3A_199 = vector.extract %get3A_198[0, 0, 0] : f32 from vector<1x1x1xf32>
    %get3A_200 = arith.constant 0 : index
    %get3A_201 = arith.constant 2 : index
    %get3A_202 = arith.constant 3 : index
    %get3A_203 = vector.load %arg1[%get3A_200, %get3A_201, %get3A_202] : memref<1x16x4xf32, #tpu.memory_space<vmem>>, vector<1x1x1xf32>
    %get3A_204 = vector.extract %get3A_203[0, 0, 0] : f32 from vector<1x1x1xf32>
    %sub3A_205 = arith.subf %get3A_199, %get3A_189 : f32
    %sub3A_206 = arith.subf %get3A_204, %get3A_194 : f32
    %mul3A_207 = arith.mulf %sub3A_205, %sub3A_206 : f32
    %min3A_208 = vector.broadcast %get3A_199 : f32 to vector<8x2040xf32>
    %min3A_209 = arith.minimumf %add3A_50, %min3A_208 : vector<8x2040xf32>
    %max3A_210 = vector.broadcast %get3A_189 : f32 to vector<8x2040xf32>
    %max3A_211 = arith.maximumf %sub3A, %max3A_210 : vector<8x2040xf32>
    %sub3A_212 = arith.subf %min3A_209, %max3A_211 : vector<8x2040xf32>
    %max3A_213 = arith.constant 0.000000e+00 : f32
    %max3A_214 = vector.broadcast %max3A_213 : f32 to vector<8x2040xf32>
    %max3A_215 = arith.maximumf %sub3A_212, %max3A_214 : vector<8x2040xf32>
    %min3A_216 = vector.broadcast %get3A_204 : f32 to vector<8x2040xf32>
    %min3A_217 = arith.minimumf %add3A_54, %min3A_216 : vector<8x2040xf32>
    %max3A_218 = vector.broadcast %get3A_194 : f32 to vector<8x2040xf32>
    %max3A_219 = arith.maximumf %sub3A_46, %max3A_218 : vector<8x2040xf32>
    %sub3A_220 = arith.subf %min3A_217, %max3A_219 : vector<8x2040xf32>
    %max3A_221 = arith.constant 0.000000e+00 : f32
    %max3A_222 = vector.broadcast %max3A_221 : f32 to vector<8x2040xf32>
    %max3A_223 = arith.maximumf %sub3A_220, %max3A_222 : vector<8x2040xf32>
    %mul3A_224 = arith.mulf %max3A_215, %max3A_223 : vector<8x2040xf32>
    %add3A_225 = vector.broadcast %mul3A_207 : f32 to vector<8x2040xf32>
    %add3A_226 = arith.addf %add3A_225, %mul3A_57 : vector<8x2040xf32>
    %sub3A_227 = arith.subf %add3A_226, %mul3A_224 : vector<8x2040xf32>
    %div3A_228 = arith.divf %mul3A_224, %sub3A_227 : vector<8x2040xf32>
    %gt3A_229 = arith.cmpf ogt, %div3A_228, %max3A_169 : vector<8x2040xf32>
    %jit3A_230 = arith.constant 2 : i32
    %broadcast_in_dim3A_231 = vector.broadcast %jit3A_230 : i32 to vector<8x2040xi32>
    %select_n3A_232 = arith.select %gt3A_229, %broadcast_in_dim3A_231, %select_n3A_168 : vector<8x2040xi1>, vector<8x2040xi32>
    %max3A_233 = arith.maximumf %div3A_228, %max3A_169 : vector<8x2040xf32>
    %reduce_max3A_234 = vector.shape_cast %div3A_228 : vector<8x2040xf32> to vector<1x8x2040xf32>
    %reduce_max3A_235 = arith.constant dense<0xFF800000> : vector<1xf32>
    %reduce_max3A_236 = vector.multi_reduction <maximumf>, %reduce_max3A_234, %reduce_max3A_235 [1, 2] : vector<1x8x2040xf32> to vector<1xf32>
    %reduce_max3A_237 = vector.shape_cast %reduce_max3A_236 : vector<1xf32> to vector<1x1x1xf32>
    %reduce_max3A_238 = vector.extract %reduce_max3A_237[0, 0, 0] : f32 from vector<1x1x1xf32>
    %eq3A_239 = vector.broadcast %reduce_max3A_238 : f32 to vector<8x2040xf32>
    %eq3A_240 = arith.cmpf oeq, %div3A_228, %eq3A_239 : vector<8x2040xf32>
    %jit3A_241 = arith.constant 16320 : i32
    %broadcast_in_dim3A_242 = vector.broadcast %jit3A_241 : i32 to vector<8x2040xi32>
    %select_n3A_243 = arith.select %eq3A_240, %add3A_62, %broadcast_in_dim3A_242 : vector<8x2040xi1>, vector<8x2040xi32>
    %reduce_min3A_244 = vector.shape_cast %select_n3A_243 : vector<8x2040xi32> to vector<1x8x2040xi32>
    %reduce_min3A_245 = arith.constant dense<2147483647> : vector<1xi32>
    %reduce_min3A_246 = vector.multi_reduction <minsi>, %reduce_min3A_244, %reduce_min3A_245 [1, 2] : vector<1x8x2040xi32> to vector<1xi32>
    %reduce_min3A_247 = vector.shape_cast %reduce_min3A_246 : vector<1xi32> to vector<1x1x1xi32>
    %reduce_min3A_248 = vector.extract %reduce_min3A_247[0, 0, 0] : i32 from vector<1x1x1xi32>
    %get3A_249 = arith.constant 0 : index
    %get3A_250 = arith.constant 3 : index
    %get3A_251 = arith.constant 0 : index
    %get3A_252 = vector.load %arg1[%get3A_249, %get3A_250, %get3A_251] : memref<1x16x4xf32, #tpu.memory_space<vmem>>, vector<1x1x1xf32>
    %get3A_253 = vector.extract %get3A_252[0, 0, 0] : f32 from vector<1x1x1xf32>
    %get3A_254 = arith.constant 0 : index
    %get3A_255 = arith.constant 3 : index
    %get3A_256 = arith.constant 1 : index
    %get3A_257 = vector.load %arg1[%get3A_254, %get3A_255, %get3A_256] : memref<1x16x4xf32, #tpu.memory_space<vmem>>, vector<1x1x1xf32>
    %get3A_258 = vector.extract %get3A_257[0, 0, 0] : f32 from vector<1x1x1xf32>
    %get3A_259 = arith.constant 0 : index
    %get3A_260 = arith.constant 3 : index
    %get3A_261 = arith.constant 2 : index
    %get3A_262 = vector.load %arg1[%get3A_259, %get3A_260, %get3A_261] : memref<1x16x4xf32, #tpu.memory_space<vmem>>, vector<1x1x1xf32>
    %get3A_263 = vector.extract %get3A_262[0, 0, 0] : f32 from vector<1x1x1xf32>
    %get3A_264 = arith.constant 0 : index
    %get3A_265 = arith.constant 3 : index
    %get3A_266 = arith.constant 3 : index
    %get3A_267 = vector.load %arg1[%get3A_264, %get3A_265, %get3A_266] : memref<1x16x4xf32, #tpu.memory_space<vmem>>, vector<1x1x1xf32>
    %get3A_268 = vector.extract %get3A_267[0, 0, 0] : f32 from vector<1x1x1xf32>
    %sub3A_269 = arith.subf %get3A_263, %get3A_253 : f32
    %sub3A_270 = arith.subf %get3A_268, %get3A_258 : f32
    %mul3A_271 = arith.mulf %sub3A_269, %sub3A_270 : f32
    %min3A_272 = vector.broadcast %get3A_263 : f32 to vector<8x2040xf32>
    %min3A_273 = arith.minimumf %add3A_50, %min3A_272 : vector<8x2040xf32>
    %max3A_274 = vector.broadcast %get3A_253 : f32 to vector<8x2040xf32>
    %max3A_275 = arith.maximumf %sub3A, %max3A_274 : vector<8x2040xf32>
    %sub3A_276 = arith.subf %min3A_273, %max3A_275 : vector<8x2040xf32>
    %max3A_277 = arith.constant 0.000000e+00 : f32
    %max3A_278 = vector.broadcast %max3A_277 : f32 to vector<8x2040xf32>
    %max3A_279 = arith.maximumf %sub3A_276, %max3A_278 : vector<8x2040xf32>
    %min3A_280 = vector.broadcast %get3A_268 : f32 to vector<8x2040xf32>
    %min3A_281 = arith.minimumf %add3A_54, %min3A_280 : vector<8x2040xf32>
    %max3A_282 = vector.broadcast %get3A_258 : f32 to vector<8x2040xf32>
    %max3A_283 = arith.maximumf %sub3A_46, %max3A_282 : vector<8x2040xf32>
    %sub3A_284 = arith.subf %min3A_281, %max3A_283 : vector<8x2040xf32>
    %max3A_285 = arith.constant 0.000000e+00 : f32
    %max3A_286 = vector.broadcast %max3A_285 : f32 to vector<8x2040xf32>
    %max3A_287 = arith.maximumf %sub3A_284, %max3A_286 : vector<8x2040xf32>
    %mul3A_288 = arith.mulf %max3A_279, %max3A_287 : vector<8x2040xf32>
    %add3A_289 = vector.broadcast %mul3A_271 : f32 to vector<8x2040xf32>
    %add3A_290 = arith.addf %add3A_289, %mul3A_57 : vector<8x2040xf32>
    %sub3A_291 = arith.subf %add3A_290, %mul3A_288 : vector<8x2040xf32>
    %div3A_292 = arith.divf %mul3A_288, %sub3A_291 : vector<8x2040xf32>
    %gt3A_293 = arith.cmpf ogt, %div3A_292, %max3A_233 : vector<8x2040xf32>
    %jit3A_294 = arith.constant 3 : i32
    %broadcast_in_dim3A_295 = vector.broadcast %jit3A_294 : i32 to vector<8x2040xi32>
    %select_n3A_296 = arith.select %gt3A_293, %broadcast_in_dim3A_295, %select_n3A_232 : vector<8x2040xi1>, vector<8x2040xi32>
    %max3A_297 = arith.maximumf %div3A_292, %max3A_233 : vector<8x2040xf32>
    %reduce_max3A_298 = vector.shape_cast %div3A_292 : vector<8x2040xf32> to vector<1x8x2040xf32>
    %reduce_max3A_299 = arith.constant dense<0xFF800000> : vector<1xf32>
    %reduce_max3A_300 = vector.multi_reduction <maximumf>, %reduce_max3A_298, %reduce_max3A_299 [1, 2] : vector<1x8x2040xf32> to vector<1xf32>
    %reduce_max3A_301 = vector.shape_cast %reduce_max3A_300 : vector<1xf32> to vector<1x1x1xf32>
    %reduce_max3A_302 = vector.extract %reduce_max3A_301[0, 0, 0] : f32 from vector<1x1x1xf32>
    %eq3A_303 = vector.broadcast %reduce_max3A_302 : f32 to vector<8x2040xf32>
    %eq3A_304 = arith.cmpf oeq, %div3A_292, %eq3A_303 : vector<8x2040xf32>
    %jit3A_305 = arith.constant 16320 : i32
    %broadcast_in_dim3A_306 = vector.broadcast %jit3A_305 : i32 to vector<8x2040xi32>
    %select_n3A_307 = arith.select %eq3A_304, %add3A_62, %broadcast_in_dim3A_306 : vector<8x2040xi1>, vector<8x2040xi32>
    %reduce_min3A_308 = vector.shape_cast %select_n3A_307 : vector<8x2040xi32> to vector<1x8x2040xi32>
    %reduce_min3A_309 = arith.constant dense<2147483647> : vector<1xi32>
    %reduce_min3A_310 = vector.multi_reduction <minsi>, %reduce_min3A_308, %reduce_min3A_309 [1, 2] : vector<1x8x2040xi32> to vector<1xi32>
    %reduce_min3A_311 = vector.shape_cast %reduce_min3A_310 : vector<1xi32> to vector<1x1x1xi32>
    %reduce_min3A_312 = vector.extract %reduce_min3A_311[0, 0, 0] : i32 from vector<1x1x1xi32>
    %get3A_313 = arith.constant 0 : index
    %get3A_314 = arith.constant 4 : index
    %get3A_315 = arith.constant 0 : index
    %get3A_316 = vector.load %arg1[%get3A_313, %get3A_314, %get3A_315] : memref<1x16x4xf32, #tpu.memory_space<vmem>>, vector<1x1x1xf32>
    %get3A_317 = vector.extract %get3A_316[0, 0, 0] : f32 from vector<1x1x1xf32>
    %get3A_318 = arith.constant 0 : index
    %get3A_319 = arith.constant 4 : index
    %get3A_320 = arith.constant 1 : index
    %get3A_321 = vector.load %arg1[%get3A_318, %get3A_319, %get3A_320] : memref<1x16x4xf32, #tpu.memory_space<vmem>>, vector<1x1x1xf32>
    %get3A_322 = vector.extract %get3A_321[0, 0, 0] : f32 from vector<1x1x1xf32>
    %get3A_323 = arith.constant 0 : index
    %get3A_324 = arith.constant 4 : index
    %get3A_325 = arith.constant 2 : index
    %get3A_326 = vector.load %arg1[%get3A_323, %get3A_324, %get3A_325] : memref<1x16x4xf32, #tpu.memory_space<vmem>>, vector<1x1x1xf32>
    %get3A_327 = vector.extract %get3A_326[0, 0, 0] : f32 from vector<1x1x1xf32>
    %get3A_328 = arith.constant 0 : index
    %get3A_329 = arith.constant 4 : index
    %get3A_330 = arith.constant 3 : index
    %get3A_331 = vector.load %arg1[%get3A_328, %get3A_329, %get3A_330] : memref<1x16x4xf32, #tpu.memory_space<vmem>>, vector<1x1x1xf32>
    %get3A_332 = vector.extract %get3A_331[0, 0, 0] : f32 from vector<1x1x1xf32>
    %sub3A_333 = arith.subf %get3A_327, %get3A_317 : f32
    %sub3A_334 = arith.subf %get3A_332, %get3A_322 : f32
    %mul3A_335 = arith.mulf %sub3A_333, %sub3A_334 : f32
    %min3A_336 = vector.broadcast %get3A_327 : f32 to vector<8x2040xf32>
    %min3A_337 = arith.minimumf %add3A_50, %min3A_336 : vector<8x2040xf32>
    %max3A_338 = vector.broadcast %get3A_317 : f32 to vector<8x2040xf32>
    %max3A_339 = arith.maximumf %sub3A, %max3A_338 : vector<8x2040xf32>
    %sub3A_340 = arith.subf %min3A_337, %max3A_339 : vector<8x2040xf32>
    %max3A_341 = arith.constant 0.000000e+00 : f32
    %max3A_342 = vector.broadcast %max3A_341 : f32 to vector<8x2040xf32>
    %max3A_343 = arith.maximumf %sub3A_340, %max3A_342 : vector<8x2040xf32>
    %min3A_344 = vector.broadcast %get3A_332 : f32 to vector<8x2040xf32>
    %min3A_345 = arith.minimumf %add3A_54, %min3A_344 : vector<8x2040xf32>
    %max3A_346 = vector.broadcast %get3A_322 : f32 to vector<8x2040xf32>
    %max3A_347 = arith.maximumf %sub3A_46, %max3A_346 : vector<8x2040xf32>
    %sub3A_348 = arith.subf %min3A_345, %max3A_347 : vector<8x2040xf32>
    %max3A_349 = arith.constant 0.000000e+00 : f32
    %max3A_350 = vector.broadcast %max3A_349 : f32 to vector<8x2040xf32>
    %max3A_351 = arith.maximumf %sub3A_348, %max3A_350 : vector<8x2040xf32>
    %mul3A_352 = arith.mulf %max3A_343, %max3A_351 : vector<8x2040xf32>
    %add3A_353 = vector.broadcast %mul3A_335 : f32 to vector<8x2040xf32>
    %add3A_354 = arith.addf %add3A_353, %mul3A_57 : vector<8x2040xf32>
    %sub3A_355 = arith.subf %add3A_354, %mul3A_352 : vector<8x2040xf32>
    %div3A_356 = arith.divf %mul3A_352, %sub3A_355 : vector<8x2040xf32>
    %gt3A_357 = arith.cmpf ogt, %div3A_356, %max3A_297 : vector<8x2040xf32>
    %jit3A_358 = arith.constant 4 : i32
    %broadcast_in_dim3A_359 = vector.broadcast %jit3A_358 : i32 to vector<8x2040xi32>
    %select_n3A_360 = arith.select %gt3A_357, %broadcast_in_dim3A_359, %select_n3A_296 : vector<8x2040xi1>, vector<8x2040xi32>
    %max3A_361 = arith.maximumf %div3A_356, %max3A_297 : vector<8x2040xf32>
    %reduce_max3A_362 = vector.shape_cast %div3A_356 : vector<8x2040xf32> to vector<1x8x2040xf32>
    %reduce_max3A_363 = arith.constant dense<0xFF800000> : vector<1xf32>
    %reduce_max3A_364 = vector.multi_reduction <maximumf>, %reduce_max3A_362, %reduce_max3A_363 [1, 2] : vector<1x8x2040xf32> to vector<1xf32>
    %reduce_max3A_365 = vector.shape_cast %reduce_max3A_364 : vector<1xf32> to vector<1x1x1xf32>
    %reduce_max3A_366 = vector.extract %reduce_max3A_365[0, 0, 0] : f32 from vector<1x1x1xf32>
    %eq3A_367 = vector.broadcast %reduce_max3A_366 : f32 to vector<8x2040xf32>
    %eq3A_368 = arith.cmpf oeq, %div3A_356, %eq3A_367 : vector<8x2040xf32>
    %jit3A_369 = arith.constant 16320 : i32
    %broadcast_in_dim3A_370 = vector.broadcast %jit3A_369 : i32 to vector<8x2040xi32>
    %select_n3A_371 = arith.select %eq3A_368, %add3A_62, %broadcast_in_dim3A_370 : vector<8x2040xi1>, vector<8x2040xi32>
    %reduce_min3A_372 = vector.shape_cast %select_n3A_371 : vector<8x2040xi32> to vector<1x8x2040xi32>
    %reduce_min3A_373 = arith.constant dense<2147483647> : vector<1xi32>
    %reduce_min3A_374 = vector.multi_reduction <minsi>, %reduce_min3A_372, %reduce_min3A_373 [1, 2] : vector<1x8x2040xi32> to vector<1xi32>
    %reduce_min3A_375 = vector.shape_cast %reduce_min3A_374 : vector<1xi32> to vector<1x1x1xi32>
    %reduce_min3A_376 = vector.extract %reduce_min3A_375[0, 0, 0] : i32 from vector<1x1x1xi32>
    %get3A_377 = arith.constant 0 : index
    %get3A_378 = arith.constant 5 : index
    %get3A_379 = arith.constant 0 : index
    %get3A_380 = vector.load %arg1[%get3A_377, %get3A_378, %get3A_379] : memref<1x16x4xf32, #tpu.memory_space<vmem>>, vector<1x1x1xf32>
    %get3A_381 = vector.extract %get3A_380[0, 0, 0] : f32 from vector<1x1x1xf32>
    %get3A_382 = arith.constant 0 : index
    %get3A_383 = arith.constant 5 : index
    %get3A_384 = arith.constant 1 : index
    %get3A_385 = vector.load %arg1[%get3A_382, %get3A_383, %get3A_384] : memref<1x16x4xf32, #tpu.memory_space<vmem>>, vector<1x1x1xf32>
    %get3A_386 = vector.extract %get3A_385[0, 0, 0] : f32 from vector<1x1x1xf32>
    %get3A_387 = arith.constant 0 : index
    %get3A_388 = arith.constant 5 : index
    %get3A_389 = arith.constant 2 : index
    %get3A_390 = vector.load %arg1[%get3A_387, %get3A_388, %get3A_389] : memref<1x16x4xf32, #tpu.memory_space<vmem>>, vector<1x1x1xf32>
    %get3A_391 = vector.extract %get3A_390[0, 0, 0] : f32 from vector<1x1x1xf32>
    %get3A_392 = arith.constant 0 : index
    %get3A_393 = arith.constant 5 : index
    %get3A_394 = arith.constant 3 : index
    %get3A_395 = vector.load %arg1[%get3A_392, %get3A_393, %get3A_394] : memref<1x16x4xf32, #tpu.memory_space<vmem>>, vector<1x1x1xf32>
    %get3A_396 = vector.extract %get3A_395[0, 0, 0] : f32 from vector<1x1x1xf32>
    %sub3A_397 = arith.subf %get3A_391, %get3A_381 : f32
    %sub3A_398 = arith.subf %get3A_396, %get3A_386 : f32
    %mul3A_399 = arith.mulf %sub3A_397, %sub3A_398 : f32
    %min3A_400 = vector.broadcast %get3A_391 : f32 to vector<8x2040xf32>
    %min3A_401 = arith.minimumf %add3A_50, %min3A_400 : vector<8x2040xf32>
    %max3A_402 = vector.broadcast %get3A_381 : f32 to vector<8x2040xf32>
    %max3A_403 = arith.maximumf %sub3A, %max3A_402 : vector<8x2040xf32>
    %sub3A_404 = arith.subf %min3A_401, %max3A_403 : vector<8x2040xf32>
    %max3A_405 = arith.constant 0.000000e+00 : f32
    %max3A_406 = vector.broadcast %max3A_405 : f32 to vector<8x2040xf32>
    %max3A_407 = arith.maximumf %sub3A_404, %max3A_406 : vector<8x2040xf32>
    %min3A_408 = vector.broadcast %get3A_396 : f32 to vector<8x2040xf32>
    %min3A_409 = arith.minimumf %add3A_54, %min3A_408 : vector<8x2040xf32>
    %max3A_410 = vector.broadcast %get3A_386 : f32 to vector<8x2040xf32>
    %max3A_411 = arith.maximumf %sub3A_46, %max3A_410 : vector<8x2040xf32>
    %sub3A_412 = arith.subf %min3A_409, %max3A_411 : vector<8x2040xf32>
    %max3A_413 = arith.constant 0.000000e+00 : f32
    %max3A_414 = vector.broadcast %max3A_413 : f32 to vector<8x2040xf32>
    %max3A_415 = arith.maximumf %sub3A_412, %max3A_414 : vector<8x2040xf32>
    %mul3A_416 = arith.mulf %max3A_407, %max3A_415 : vector<8x2040xf32>
    %add3A_417 = vector.broadcast %mul3A_399 : f32 to vector<8x2040xf32>
    %add3A_418 = arith.addf %add3A_417, %mul3A_57 : vector<8x2040xf32>
    %sub3A_419 = arith.subf %add3A_418, %mul3A_416 : vector<8x2040xf32>
    %div3A_420 = arith.divf %mul3A_416, %sub3A_419 : vector<8x2040xf32>
    %gt3A_421 = arith.cmpf ogt, %div3A_420, %max3A_361 : vector<8x2040xf32>
    %jit3A_422 = arith.constant 5 : i32
    %broadcast_in_dim3A_423 = vector.broadcast %jit3A_422 : i32 to vector<8x2040xi32>
    %select_n3A_424 = arith.select %gt3A_421, %broadcast_in_dim3A_423, %select_n3A_360 : vector<8x2040xi1>, vector<8x2040xi32>
    %max3A_425 = arith.maximumf %div3A_420, %max3A_361 : vector<8x2040xf32>
    %reduce_max3A_426 = vector.shape_cast %div3A_420 : vector<8x2040xf32> to vector<1x8x2040xf32>
    %reduce_max3A_427 = arith.constant dense<0xFF800000> : vector<1xf32>
    %reduce_max3A_428 = vector.multi_reduction <maximumf>, %reduce_max3A_426, %reduce_max3A_427 [1, 2] : vector<1x8x2040xf32> to vector<1xf32>
    %reduce_max3A_429 = vector.shape_cast %reduce_max3A_428 : vector<1xf32> to vector<1x1x1xf32>
    %reduce_max3A_430 = vector.extract %reduce_max3A_429[0, 0, 0] : f32 from vector<1x1x1xf32>
    %eq3A_431 = vector.broadcast %reduce_max3A_430 : f32 to vector<8x2040xf32>
    %eq3A_432 = arith.cmpf oeq, %div3A_420, %eq3A_431 : vector<8x2040xf32>
    %jit3A_433 = arith.constant 16320 : i32
    %broadcast_in_dim3A_434 = vector.broadcast %jit3A_433 : i32 to vector<8x2040xi32>
    %select_n3A_435 = arith.select %eq3A_432, %add3A_62, %broadcast_in_dim3A_434 : vector<8x2040xi1>, vector<8x2040xi32>
    %reduce_min3A_436 = vector.shape_cast %select_n3A_435 : vector<8x2040xi32> to vector<1x8x2040xi32>
    %reduce_min3A_437 = arith.constant dense<2147483647> : vector<1xi32>
    %reduce_min3A_438 = vector.multi_reduction <minsi>, %reduce_min3A_436, %reduce_min3A_437 [1, 2] : vector<1x8x2040xi32> to vector<1xi32>
    %reduce_min3A_439 = vector.shape_cast %reduce_min3A_438 : vector<1xi32> to vector<1x1x1xi32>
    %reduce_min3A_440 = vector.extract %reduce_min3A_439[0, 0, 0] : i32 from vector<1x1x1xi32>
    %get3A_441 = arith.constant 0 : index
    %get3A_442 = arith.constant 6 : index
    %get3A_443 = arith.constant 0 : index
    %get3A_444 = vector.load %arg1[%get3A_441, %get3A_442, %get3A_443] : memref<1x16x4xf32, #tpu.memory_space<vmem>>, vector<1x1x1xf32>
    %get3A_445 = vector.extract %get3A_444[0, 0, 0] : f32 from vector<1x1x1xf32>
    %get3A_446 = arith.constant 0 : index
    %get3A_447 = arith.constant 6 : index
    %get3A_448 = arith.constant 1 : index
    %get3A_449 = vector.load %arg1[%get3A_446, %get3A_447, %get3A_448] : memref<1x16x4xf32, #tpu.memory_space<vmem>>, vector<1x1x1xf32>
    %get3A_450 = vector.extract %get3A_449[0, 0, 0] : f32 from vector<1x1x1xf32>
    %get3A_451 = arith.constant 0 : index
    %get3A_452 = arith.constant 6 : index
    %get3A_453 = arith.constant 2 : index
    %get3A_454 = vector.load %arg1[%get3A_451, %get3A_452, %get3A_453] : memref<1x16x4xf32, #tpu.memory_space<vmem>>, vector<1x1x1xf32>
    %get3A_455 = vector.extract %get3A_454[0, 0, 0] : f32 from vector<1x1x1xf32>
    %get3A_456 = arith.constant 0 : index
    %get3A_457 = arith.constant 6 : index
    %get3A_458 = arith.constant 3 : index
    %get3A_459 = vector.load %arg1[%get3A_456, %get3A_457, %get3A_458] : memref<1x16x4xf32, #tpu.memory_space<vmem>>, vector<1x1x1xf32>
    %get3A_460 = vector.extract %get3A_459[0, 0, 0] : f32 from vector<1x1x1xf32>
    %sub3A_461 = arith.subf %get3A_455, %get3A_445 : f32
    %sub3A_462 = arith.subf %get3A_460, %get3A_450 : f32
    %mul3A_463 = arith.mulf %sub3A_461, %sub3A_462 : f32
    %min3A_464 = vector.broadcast %get3A_455 : f32 to vector<8x2040xf32>
    %min3A_465 = arith.minimumf %add3A_50, %min3A_464 : vector<8x2040xf32>
    %max3A_466 = vector.broadcast %get3A_445 : f32 to vector<8x2040xf32>
    %max3A_467 = arith.maximumf %sub3A, %max3A_466 : vector<8x2040xf32>
    %sub3A_468 = arith.subf %min3A_465, %max3A_467 : vector<8x2040xf32>
    %max3A_469 = arith.constant 0.000000e+00 : f32
    %max3A_470 = vector.broadcast %max3A_469 : f32 to vector<8x2040xf32>
    %max3A_471 = arith.maximumf %sub3A_468, %max3A_470 : vector<8x2040xf32>
    %min3A_472 = vector.broadcast %get3A_460 : f32 to vector<8x2040xf32>
    %min3A_473 = arith.minimumf %add3A_54, %min3A_472 : vector<8x2040xf32>
    %max3A_474 = vector.broadcast %get3A_450 : f32 to vector<8x2040xf32>
    %max3A_475 = arith.maximumf %sub3A_46, %max3A_474 : vector<8x2040xf32>
    %sub3A_476 = arith.subf %min3A_473, %max3A_475 : vector<8x2040xf32>
    %max3A_477 = arith.constant 0.000000e+00 : f32
    %max3A_478 = vector.broadcast %max3A_477 : f32 to vector<8x2040xf32>
    %max3A_479 = arith.maximumf %sub3A_476, %max3A_478 : vector<8x2040xf32>
    %mul3A_480 = arith.mulf %max3A_471, %max3A_479 : vector<8x2040xf32>
    %add3A_481 = vector.broadcast %mul3A_463 : f32 to vector<8x2040xf32>
    %add3A_482 = arith.addf %add3A_481, %mul3A_57 : vector<8x2040xf32>
    %sub3A_483 = arith.subf %add3A_482, %mul3A_480 : vector<8x2040xf32>
    %div3A_484 = arith.divf %mul3A_480, %sub3A_483 : vector<8x2040xf32>
    %gt3A_485 = arith.cmpf ogt, %div3A_484, %max3A_425 : vector<8x2040xf32>
    %jit3A_486 = arith.constant 6 : i32
    %broadcast_in_dim3A_487 = vector.broadcast %jit3A_486 : i32 to vector<8x2040xi32>
    %select_n3A_488 = arith.select %gt3A_485, %broadcast_in_dim3A_487, %select_n3A_424 : vector<8x2040xi1>, vector<8x2040xi32>
    %max3A_489 = arith.maximumf %div3A_484, %max3A_425 : vector<8x2040xf32>
    %reduce_max3A_490 = vector.shape_cast %div3A_484 : vector<8x2040xf32> to vector<1x8x2040xf32>
    %reduce_max3A_491 = arith.constant dense<0xFF800000> : vector<1xf32>
    %reduce_max3A_492 = vector.multi_reduction <maximumf>, %reduce_max3A_490, %reduce_max3A_491 [1, 2] : vector<1x8x2040xf32> to vector<1xf32>
    %reduce_max3A_493 = vector.shape_cast %reduce_max3A_492 : vector<1xf32> to vector<1x1x1xf32>
    %reduce_max3A_494 = vector.extract %reduce_max3A_493[0, 0, 0] : f32 from vector<1x1x1xf32>
    %eq3A_495 = vector.broadcast %reduce_max3A_494 : f32 to vector<8x2040xf32>
    %eq3A_496 = arith.cmpf oeq, %div3A_484, %eq3A_495 : vector<8x2040xf32>
    %jit3A_497 = arith.constant 16320 : i32
    %broadcast_in_dim3A_498 = vector.broadcast %jit3A_497 : i32 to vector<8x2040xi32>
    %select_n3A_499 = arith.select %eq3A_496, %add3A_62, %broadcast_in_dim3A_498 : vector<8x2040xi1>, vector<8x2040xi32>
    %reduce_min3A_500 = vector.shape_cast %select_n3A_499 : vector<8x2040xi32> to vector<1x8x2040xi32>
    %reduce_min3A_501 = arith.constant dense<2147483647> : vector<1xi32>
    %reduce_min3A_502 = vector.multi_reduction <minsi>, %reduce_min3A_500, %reduce_min3A_501 [1, 2] : vector<1x8x2040xi32> to vector<1xi32>
    %reduce_min3A_503 = vector.shape_cast %reduce_min3A_502 : vector<1xi32> to vector<1x1x1xi32>
    %reduce_min3A_504 = vector.extract %reduce_min3A_503[0, 0, 0] : i32 from vector<1x1x1xi32>
    %get3A_505 = arith.constant 0 : index
    %get3A_506 = arith.constant 7 : index
    %get3A_507 = arith.constant 0 : index
    %get3A_508 = vector.load %arg1[%get3A_505, %get3A_506, %get3A_507] : memref<1x16x4xf32, #tpu.memory_space<vmem>>, vector<1x1x1xf32>
    %get3A_509 = vector.extract %get3A_508[0, 0, 0] : f32 from vector<1x1x1xf32>
    %get3A_510 = arith.constant 0 : index
    %get3A_511 = arith.constant 7 : index
    %get3A_512 = arith.constant 1 : index
    %get3A_513 = vector.load %arg1[%get3A_510, %get3A_511, %get3A_512] : memref<1x16x4xf32, #tpu.memory_space<vmem>>, vector<1x1x1xf32>
    %get3A_514 = vector.extract %get3A_513[0, 0, 0] : f32 from vector<1x1x1xf32>
    %get3A_515 = arith.constant 0 : index
    %get3A_516 = arith.constant 7 : index
    %get3A_517 = arith.constant 2 : index
    %get3A_518 = vector.load %arg1[%get3A_515, %get3A_516, %get3A_517] : memref<1x16x4xf32, #tpu.memory_space<vmem>>, vector<1x1x1xf32>
    %get3A_519 = vector.extract %get3A_518[0, 0, 0] : f32 from vector<1x1x1xf32>
    %get3A_520 = arith.constant 0 : index
    %get3A_521 = arith.constant 7 : index
    %get3A_522 = arith.constant 3 : index
    %get3A_523 = vector.load %arg1[%get3A_520, %get3A_521, %get3A_522] : memref<1x16x4xf32, #tpu.memory_space<vmem>>, vector<1x1x1xf32>
    %get3A_524 = vector.extract %get3A_523[0, 0, 0] : f32 from vector<1x1x1xf32>
    %sub3A_525 = arith.subf %get3A_519, %get3A_509 : f32
    %sub3A_526 = arith.subf %get3A_524, %get3A_514 : f32
    %mul3A_527 = arith.mulf %sub3A_525, %sub3A_526 : f32
    %min3A_528 = vector.broadcast %get3A_519 : f32 to vector<8x2040xf32>
    %min3A_529 = arith.minimumf %add3A_50, %min3A_528 : vector<8x2040xf32>
    %max3A_530 = vector.broadcast %get3A_509 : f32 to vector<8x2040xf32>
    %max3A_531 = arith.maximumf %sub3A, %max3A_530 : vector<8x2040xf32>
    %sub3A_532 = arith.subf %min3A_529, %max3A_531 : vector<8x2040xf32>
    %max3A_533 = arith.constant 0.000000e+00 : f32
    %max3A_534 = vector.broadcast %max3A_533 : f32 to vector<8x2040xf32>
    %max3A_535 = arith.maximumf %sub3A_532, %max3A_534 : vector<8x2040xf32>
    %min3A_536 = vector.broadcast %get3A_524 : f32 to vector<8x2040xf32>
    %min3A_537 = arith.minimumf %add3A_54, %min3A_536 : vector<8x2040xf32>
    %max3A_538 = vector.broadcast %get3A_514 : f32 to vector<8x2040xf32>
    %max3A_539 = arith.maximumf %sub3A_46, %max3A_538 : vector<8x2040xf32>
    %sub3A_540 = arith.subf %min3A_537, %max3A_539 : vector<8x2040xf32>
    %max3A_541 = arith.constant 0.000000e+00 : f32
    %max3A_542 = vector.broadcast %max3A_541 : f32 to vector<8x2040xf32>
    %max3A_543 = arith.maximumf %sub3A_540, %max3A_542 : vector<8x2040xf32>
    %mul3A_544 = arith.mulf %max3A_535, %max3A_543 : vector<8x2040xf32>
    %add3A_545 = vector.broadcast %mul3A_527 : f32 to vector<8x2040xf32>
    %add3A_546 = arith.addf %add3A_545, %mul3A_57 : vector<8x2040xf32>
    %sub3A_547 = arith.subf %add3A_546, %mul3A_544 : vector<8x2040xf32>
    %div3A_548 = arith.divf %mul3A_544, %sub3A_547 : vector<8x2040xf32>
    %gt3A_549 = arith.cmpf ogt, %div3A_548, %max3A_489 : vector<8x2040xf32>
    %jit3A_550 = arith.constant 7 : i32
    %broadcast_in_dim3A_551 = vector.broadcast %jit3A_550 : i32 to vector<8x2040xi32>
    %select_n3A_552 = arith.select %gt3A_549, %broadcast_in_dim3A_551, %select_n3A_488 : vector<8x2040xi1>, vector<8x2040xi32>
    %max3A_553 = arith.maximumf %div3A_548, %max3A_489 : vector<8x2040xf32>
    %reduce_max3A_554 = vector.shape_cast %div3A_548 : vector<8x2040xf32> to vector<1x8x2040xf32>
    %reduce_max3A_555 = arith.constant dense<0xFF800000> : vector<1xf32>
    %reduce_max3A_556 = vector.multi_reduction <maximumf>, %reduce_max3A_554, %reduce_max3A_555 [1, 2] : vector<1x8x2040xf32> to vector<1xf32>
    %reduce_max3A_557 = vector.shape_cast %reduce_max3A_556 : vector<1xf32> to vector<1x1x1xf32>
    %reduce_max3A_558 = vector.extract %reduce_max3A_557[0, 0, 0] : f32 from vector<1x1x1xf32>
    %eq3A_559 = vector.broadcast %reduce_max3A_558 : f32 to vector<8x2040xf32>
    %eq3A_560 = arith.cmpf oeq, %div3A_548, %eq3A_559 : vector<8x2040xf32>
    %jit3A_561 = arith.constant 16320 : i32
    %broadcast_in_dim3A_562 = vector.broadcast %jit3A_561 : i32 to vector<8x2040xi32>
    %select_n3A_563 = arith.select %eq3A_560, %add3A_62, %broadcast_in_dim3A_562 : vector<8x2040xi1>, vector<8x2040xi32>
    %reduce_min3A_564 = vector.shape_cast %select_n3A_563 : vector<8x2040xi32> to vector<1x8x2040xi32>
    %reduce_min3A_565 = arith.constant dense<2147483647> : vector<1xi32>
    %reduce_min3A_566 = vector.multi_reduction <minsi>, %reduce_min3A_564, %reduce_min3A_565 [1, 2] : vector<1x8x2040xi32> to vector<1xi32>
    %reduce_min3A_567 = vector.shape_cast %reduce_min3A_566 : vector<1xi32> to vector<1x1x1xi32>
    %reduce_min3A_568 = vector.extract %reduce_min3A_567[0, 0, 0] : i32 from vector<1x1x1xi32>
    %get3A_569 = arith.constant 0 : index
    %get3A_570 = arith.constant 8 : index
    %get3A_571 = arith.constant 0 : index
    %get3A_572 = vector.load %arg1[%get3A_569, %get3A_570, %get3A_571] : memref<1x16x4xf32, #tpu.memory_space<vmem>>, vector<1x1x1xf32>
    %get3A_573 = vector.extract %get3A_572[0, 0, 0] : f32 from vector<1x1x1xf32>
    %get3A_574 = arith.constant 0 : index
    %get3A_575 = arith.constant 8 : index
    %get3A_576 = arith.constant 1 : index
    %get3A_577 = vector.load %arg1[%get3A_574, %get3A_575, %get3A_576] : memref<1x16x4xf32, #tpu.memory_space<vmem>>, vector<1x1x1xf32>
    %get3A_578 = vector.extract %get3A_577[0, 0, 0] : f32 from vector<1x1x1xf32>
    %get3A_579 = arith.constant 0 : index
    %get3A_580 = arith.constant 8 : index
    %get3A_581 = arith.constant 2 : index
    %get3A_582 = vector.load %arg1[%get3A_579, %get3A_580, %get3A_581] : memref<1x16x4xf32, #tpu.memory_space<vmem>>, vector<1x1x1xf32>
    %get3A_583 = vector.extract %get3A_582[0, 0, 0] : f32 from vector<1x1x1xf32>
    %get3A_584 = arith.constant 0 : index
    %get3A_585 = arith.constant 8 : index
    %get3A_586 = arith.constant 3 : index
    %get3A_587 = vector.load %arg1[%get3A_584, %get3A_585, %get3A_586] : memref<1x16x4xf32, #tpu.memory_space<vmem>>, vector<1x1x1xf32>
    %get3A_588 = vector.extract %get3A_587[0, 0, 0] : f32 from vector<1x1x1xf32>
    %sub3A_589 = arith.subf %get3A_583, %get3A_573 : f32
    %sub3A_590 = arith.subf %get3A_588, %get3A_578 : f32
    %mul3A_591 = arith.mulf %sub3A_589, %sub3A_590 : f32
    %min3A_592 = vector.broadcast %get3A_583 : f32 to vector<8x2040xf32>
    %min3A_593 = arith.minimumf %add3A_50, %min3A_592 : vector<8x2040xf32>
    %max3A_594 = vector.broadcast %get3A_573 : f32 to vector<8x2040xf32>
    %max3A_595 = arith.maximumf %sub3A, %max3A_594 : vector<8x2040xf32>
    %sub3A_596 = arith.subf %min3A_593, %max3A_595 : vector<8x2040xf32>
    %max3A_597 = arith.constant 0.000000e+00 : f32
    %max3A_598 = vector.broadcast %max3A_597 : f32 to vector<8x2040xf32>
    %max3A_599 = arith.maximumf %sub3A_596, %max3A_598 : vector<8x2040xf32>
    %min3A_600 = vector.broadcast %get3A_588 : f32 to vector<8x2040xf32>
    %min3A_601 = arith.minimumf %add3A_54, %min3A_600 : vector<8x2040xf32>
    %max3A_602 = vector.broadcast %get3A_578 : f32 to vector<8x2040xf32>
    %max3A_603 = arith.maximumf %sub3A_46, %max3A_602 : vector<8x2040xf32>
    %sub3A_604 = arith.subf %min3A_601, %max3A_603 : vector<8x2040xf32>
    %max3A_605 = arith.constant 0.000000e+00 : f32
    %max3A_606 = vector.broadcast %max3A_605 : f32 to vector<8x2040xf32>
    %max3A_607 = arith.maximumf %sub3A_604, %max3A_606 : vector<8x2040xf32>
    %mul3A_608 = arith.mulf %max3A_599, %max3A_607 : vector<8x2040xf32>
    %add3A_609 = vector.broadcast %mul3A_591 : f32 to vector<8x2040xf32>
    %add3A_610 = arith.addf %add3A_609, %mul3A_57 : vector<8x2040xf32>
    %sub3A_611 = arith.subf %add3A_610, %mul3A_608 : vector<8x2040xf32>
    %div3A_612 = arith.divf %mul3A_608, %sub3A_611 : vector<8x2040xf32>
    %gt3A_613 = arith.cmpf ogt, %div3A_612, %max3A_553 : vector<8x2040xf32>
    %jit3A_614 = arith.constant 8 : i32
    %broadcast_in_dim3A_615 = vector.broadcast %jit3A_614 : i32 to vector<8x2040xi32>
    %select_n3A_616 = arith.select %gt3A_613, %broadcast_in_dim3A_615, %select_n3A_552 : vector<8x2040xi1>, vector<8x2040xi32>
    %max3A_617 = arith.maximumf %div3A_612, %max3A_553 : vector<8x2040xf32>
    %reduce_max3A_618 = vector.shape_cast %div3A_612 : vector<8x2040xf32> to vector<1x8x2040xf32>
    %reduce_max3A_619 = arith.constant dense<0xFF800000> : vector<1xf32>
    %reduce_max3A_620 = vector.multi_reduction <maximumf>, %reduce_max3A_618, %reduce_max3A_619 [1, 2] : vector<1x8x2040xf32> to vector<1xf32>
    %reduce_max3A_621 = vector.shape_cast %reduce_max3A_620 : vector<1xf32> to vector<1x1x1xf32>
    %reduce_max3A_622 = vector.extract %reduce_max3A_621[0, 0, 0] : f32 from vector<1x1x1xf32>
    %eq3A_623 = vector.broadcast %reduce_max3A_622 : f32 to vector<8x2040xf32>
    %eq3A_624 = arith.cmpf oeq, %div3A_612, %eq3A_623 : vector<8x2040xf32>
    %jit3A_625 = arith.constant 16320 : i32
    %broadcast_in_dim3A_626 = vector.broadcast %jit3A_625 : i32 to vector<8x2040xi32>
    %select_n3A_627 = arith.select %eq3A_624, %add3A_62, %broadcast_in_dim3A_626 : vector<8x2040xi1>, vector<8x2040xi32>
    %reduce_min3A_628 = vector.shape_cast %select_n3A_627 : vector<8x2040xi32> to vector<1x8x2040xi32>
    %reduce_min3A_629 = arith.constant dense<2147483647> : vector<1xi32>
    %reduce_min3A_630 = vector.multi_reduction <minsi>, %reduce_min3A_628, %reduce_min3A_629 [1, 2] : vector<1x8x2040xi32> to vector<1xi32>
    %reduce_min3A_631 = vector.shape_cast %reduce_min3A_630 : vector<1xi32> to vector<1x1x1xi32>
    %reduce_min3A_632 = vector.extract %reduce_min3A_631[0, 0, 0] : i32 from vector<1x1x1xi32>
    %get3A_633 = arith.constant 0 : index
    %get3A_634 = arith.constant 9 : index
    %get3A_635 = arith.constant 0 : index
    %get3A_636 = vector.load %arg1[%get3A_633, %get3A_634, %get3A_635] : memref<1x16x4xf32, #tpu.memory_space<vmem>>, vector<1x1x1xf32>
    %get3A_637 = vector.extract %get3A_636[0, 0, 0] : f32 from vector<1x1x1xf32>
    %get3A_638 = arith.constant 0 : index
    %get3A_639 = arith.constant 9 : index
    %get3A_640 = arith.constant 1 : index
    %get3A_641 = vector.load %arg1[%get3A_638, %get3A_639, %get3A_640] : memref<1x16x4xf32, #tpu.memory_space<vmem>>, vector<1x1x1xf32>
    %get3A_642 = vector.extract %get3A_641[0, 0, 0] : f32 from vector<1x1x1xf32>
    %get3A_643 = arith.constant 0 : index
    %get3A_644 = arith.constant 9 : index
    %get3A_645 = arith.constant 2 : index
    %get3A_646 = vector.load %arg1[%get3A_643, %get3A_644, %get3A_645] : memref<1x16x4xf32, #tpu.memory_space<vmem>>, vector<1x1x1xf32>
    %get3A_647 = vector.extract %get3A_646[0, 0, 0] : f32 from vector<1x1x1xf32>
    %get3A_648 = arith.constant 0 : index
    %get3A_649 = arith.constant 9 : index
    %get3A_650 = arith.constant 3 : index
    %get3A_651 = vector.load %arg1[%get3A_648, %get3A_649, %get3A_650] : memref<1x16x4xf32, #tpu.memory_space<vmem>>, vector<1x1x1xf32>
    %get3A_652 = vector.extract %get3A_651[0, 0, 0] : f32 from vector<1x1x1xf32>
    %sub3A_653 = arith.subf %get3A_647, %get3A_637 : f32
    %sub3A_654 = arith.subf %get3A_652, %get3A_642 : f32
    %mul3A_655 = arith.mulf %sub3A_653, %sub3A_654 : f32
    %min3A_656 = vector.broadcast %get3A_647 : f32 to vector<8x2040xf32>
    %min3A_657 = arith.minimumf %add3A_50, %min3A_656 : vector<8x2040xf32>
    %max3A_658 = vector.broadcast %get3A_637 : f32 to vector<8x2040xf32>
    %max3A_659 = arith.maximumf %sub3A, %max3A_658 : vector<8x2040xf32>
    %sub3A_660 = arith.subf %min3A_657, %max3A_659 : vector<8x2040xf32>
    %max3A_661 = arith.constant 0.000000e+00 : f32
    %max3A_662 = vector.broadcast %max3A_661 : f32 to vector<8x2040xf32>
    %max3A_663 = arith.maximumf %sub3A_660, %max3A_662 : vector<8x2040xf32>
    %min3A_664 = vector.broadcast %get3A_652 : f32 to vector<8x2040xf32>
    %min3A_665 = arith.minimumf %add3A_54, %min3A_664 : vector<8x2040xf32>
    %max3A_666 = vector.broadcast %get3A_642 : f32 to vector<8x2040xf32>
    %max3A_667 = arith.maximumf %sub3A_46, %max3A_666 : vector<8x2040xf32>
    %sub3A_668 = arith.subf %min3A_665, %max3A_667 : vector<8x2040xf32>
    %max3A_669 = arith.constant 0.000000e+00 : f32
    %max3A_670 = vector.broadcast %max3A_669 : f32 to vector<8x2040xf32>
    %max3A_671 = arith.maximumf %sub3A_668, %max3A_670 : vector<8x2040xf32>
    %mul3A_672 = arith.mulf %max3A_663, %max3A_671 : vector<8x2040xf32>
    %add3A_673 = vector.broadcast %mul3A_655 : f32 to vector<8x2040xf32>
    %add3A_674 = arith.addf %add3A_673, %mul3A_57 : vector<8x2040xf32>
    %sub3A_675 = arith.subf %add3A_674, %mul3A_672 : vector<8x2040xf32>
    %div3A_676 = arith.divf %mul3A_672, %sub3A_675 : vector<8x2040xf32>
    %gt3A_677 = arith.cmpf ogt, %div3A_676, %max3A_617 : vector<8x2040xf32>
    %jit3A_678 = arith.constant 9 : i32
    %broadcast_in_dim3A_679 = vector.broadcast %jit3A_678 : i32 to vector<8x2040xi32>
    %select_n3A_680 = arith.select %gt3A_677, %broadcast_in_dim3A_679, %select_n3A_616 : vector<8x2040xi1>, vector<8x2040xi32>
    %max3A_681 = arith.maximumf %div3A_676, %max3A_617 : vector<8x2040xf32>
    %reduce_max3A_682 = vector.shape_cast %div3A_676 : vector<8x2040xf32> to vector<1x8x2040xf32>
    %reduce_max3A_683 = arith.constant dense<0xFF800000> : vector<1xf32>
    %reduce_max3A_684 = vector.multi_reduction <maximumf>, %reduce_max3A_682, %reduce_max3A_683 [1, 2] : vector<1x8x2040xf32> to vector<1xf32>
    %reduce_max3A_685 = vector.shape_cast %reduce_max3A_684 : vector<1xf32> to vector<1x1x1xf32>
    %reduce_max3A_686 = vector.extract %reduce_max3A_685[0, 0, 0] : f32 from vector<1x1x1xf32>
    %eq3A_687 = vector.broadcast %reduce_max3A_686 : f32 to vector<8x2040xf32>
    %eq3A_688 = arith.cmpf oeq, %div3A_676, %eq3A_687 : vector<8x2040xf32>
    %jit3A_689 = arith.constant 16320 : i32
    %broadcast_in_dim3A_690 = vector.broadcast %jit3A_689 : i32 to vector<8x2040xi32>
    %select_n3A_691 = arith.select %eq3A_688, %add3A_62, %broadcast_in_dim3A_690 : vector<8x2040xi1>, vector<8x2040xi32>
    %reduce_min3A_692 = vector.shape_cast %select_n3A_691 : vector<8x2040xi32> to vector<1x8x2040xi32>
    %reduce_min3A_693 = arith.constant dense<2147483647> : vector<1xi32>
    %reduce_min3A_694 = vector.multi_reduction <minsi>, %reduce_min3A_692, %reduce_min3A_693 [1, 2] : vector<1x8x2040xi32> to vector<1xi32>
    %reduce_min3A_695 = vector.shape_cast %reduce_min3A_694 : vector<1xi32> to vector<1x1x1xi32>
    %reduce_min3A_696 = vector.extract %reduce_min3A_695[0, 0, 0] : i32 from vector<1x1x1xi32>
    %get3A_697 = arith.constant 0 : index
    %get3A_698 = arith.constant 10 : index
    %get3A_699 = arith.constant 0 : index
    %get3A_700 = vector.load %arg1[%get3A_697, %get3A_698, %get3A_699] : memref<1x16x4xf32, #tpu.memory_space<vmem>>, vector<1x1x1xf32>
    %get3A_701 = vector.extract %get3A_700[0, 0, 0] : f32 from vector<1x1x1xf32>
    %get3A_702 = arith.constant 0 : index
    %get3A_703 = arith.constant 10 : index
    %get3A_704 = arith.constant 1 : index
    %get3A_705 = vector.load %arg1[%get3A_702, %get3A_703, %get3A_704] : memref<1x16x4xf32, #tpu.memory_space<vmem>>, vector<1x1x1xf32>
    %get3A_706 = vector.extract %get3A_705[0, 0, 0] : f32 from vector<1x1x1xf32>
    %get3A_707 = arith.constant 0 : index
    %get3A_708 = arith.constant 10 : index
    %get3A_709 = arith.constant 2 : index
    %get3A_710 = vector.load %arg1[%get3A_707, %get3A_708, %get3A_709] : memref<1x16x4xf32, #tpu.memory_space<vmem>>, vector<1x1x1xf32>
    %get3A_711 = vector.extract %get3A_710[0, 0, 0] : f32 from vector<1x1x1xf32>
    %get3A_712 = arith.constant 0 : index
    %get3A_713 = arith.constant 10 : index
    %get3A_714 = arith.constant 3 : index
    %get3A_715 = vector.load %arg1[%get3A_712, %get3A_713, %get3A_714] : memref<1x16x4xf32, #tpu.memory_space<vmem>>, vector<1x1x1xf32>
    %get3A_716 = vector.extract %get3A_715[0, 0, 0] : f32 from vector<1x1x1xf32>
    %sub3A_717 = arith.subf %get3A_711, %get3A_701 : f32
    %sub3A_718 = arith.subf %get3A_716, %get3A_706 : f32
    %mul3A_719 = arith.mulf %sub3A_717, %sub3A_718 : f32
    %min3A_720 = vector.broadcast %get3A_711 : f32 to vector<8x2040xf32>
    %min3A_721 = arith.minimumf %add3A_50, %min3A_720 : vector<8x2040xf32>
    %max3A_722 = vector.broadcast %get3A_701 : f32 to vector<8x2040xf32>
    %max3A_723 = arith.maximumf %sub3A, %max3A_722 : vector<8x2040xf32>
    %sub3A_724 = arith.subf %min3A_721, %max3A_723 : vector<8x2040xf32>
    %max3A_725 = arith.constant 0.000000e+00 : f32
    %max3A_726 = vector.broadcast %max3A_725 : f32 to vector<8x2040xf32>
    %max3A_727 = arith.maximumf %sub3A_724, %max3A_726 : vector<8x2040xf32>
    %min3A_728 = vector.broadcast %get3A_716 : f32 to vector<8x2040xf32>
    %min3A_729 = arith.minimumf %add3A_54, %min3A_728 : vector<8x2040xf32>
    %max3A_730 = vector.broadcast %get3A_706 : f32 to vector<8x2040xf32>
    %max3A_731 = arith.maximumf %sub3A_46, %max3A_730 : vector<8x2040xf32>
    %sub3A_732 = arith.subf %min3A_729, %max3A_731 : vector<8x2040xf32>
    %max3A_733 = arith.constant 0.000000e+00 : f32
    %max3A_734 = vector.broadcast %max3A_733 : f32 to vector<8x2040xf32>
    %max3A_735 = arith.maximumf %sub3A_732, %max3A_734 : vector<8x2040xf32>
    %mul3A_736 = arith.mulf %max3A_727, %max3A_735 : vector<8x2040xf32>
    %add3A_737 = vector.broadcast %mul3A_719 : f32 to vector<8x2040xf32>
    %add3A_738 = arith.addf %add3A_737, %mul3A_57 : vector<8x2040xf32>
    %sub3A_739 = arith.subf %add3A_738, %mul3A_736 : vector<8x2040xf32>
    %div3A_740 = arith.divf %mul3A_736, %sub3A_739 : vector<8x2040xf32>
    %gt3A_741 = arith.cmpf ogt, %div3A_740, %max3A_681 : vector<8x2040xf32>
    %jit3A_742 = arith.constant 10 : i32
    %broadcast_in_dim3A_743 = vector.broadcast %jit3A_742 : i32 to vector<8x2040xi32>
    %select_n3A_744 = arith.select %gt3A_741, %broadcast_in_dim3A_743, %select_n3A_680 : vector<8x2040xi1>, vector<8x2040xi32>
    %max3A_745 = arith.maximumf %div3A_740, %max3A_681 : vector<8x2040xf32>
    %reduce_max3A_746 = vector.shape_cast %div3A_740 : vector<8x2040xf32> to vector<1x8x2040xf32>
    %reduce_max3A_747 = arith.constant dense<0xFF800000> : vector<1xf32>
    %reduce_max3A_748 = vector.multi_reduction <maximumf>, %reduce_max3A_746, %reduce_max3A_747 [1, 2] : vector<1x8x2040xf32> to vector<1xf32>
    %reduce_max3A_749 = vector.shape_cast %reduce_max3A_748 : vector<1xf32> to vector<1x1x1xf32>
    %reduce_max3A_750 = vector.extract %reduce_max3A_749[0, 0, 0] : f32 from vector<1x1x1xf32>
    %eq3A_751 = vector.broadcast %reduce_max3A_750 : f32 to vector<8x2040xf32>
    %eq3A_752 = arith.cmpf oeq, %div3A_740, %eq3A_751 : vector<8x2040xf32>
    %jit3A_753 = arith.constant 16320 : i32
    %broadcast_in_dim3A_754 = vector.broadcast %jit3A_753 : i32 to vector<8x2040xi32>
    %select_n3A_755 = arith.select %eq3A_752, %add3A_62, %broadcast_in_dim3A_754 : vector<8x2040xi1>, vector<8x2040xi32>
    %reduce_min3A_756 = vector.shape_cast %select_n3A_755 : vector<8x2040xi32> to vector<1x8x2040xi32>
    %reduce_min3A_757 = arith.constant dense<2147483647> : vector<1xi32>
    %reduce_min3A_758 = vector.multi_reduction <minsi>, %reduce_min3A_756, %reduce_min3A_757 [1, 2] : vector<1x8x2040xi32> to vector<1xi32>
    %reduce_min3A_759 = vector.shape_cast %reduce_min3A_758 : vector<1xi32> to vector<1x1x1xi32>
    %reduce_min3A_760 = vector.extract %reduce_min3A_759[0, 0, 0] : i32 from vector<1x1x1xi32>
    %get3A_761 = arith.constant 0 : index
    %get3A_762 = arith.constant 11 : index
    %get3A_763 = arith.constant 0 : index
    %get3A_764 = vector.load %arg1[%get3A_761, %get3A_762, %get3A_763] : memref<1x16x4xf32, #tpu.memory_space<vmem>>, vector<1x1x1xf32>
    %get3A_765 = vector.extract %get3A_764[0, 0, 0] : f32 from vector<1x1x1xf32>
    %get3A_766 = arith.constant 0 : index
    %get3A_767 = arith.constant 11 : index
    %get3A_768 = arith.constant 1 : index
    %get3A_769 = vector.load %arg1[%get3A_766, %get3A_767, %get3A_768] : memref<1x16x4xf32, #tpu.memory_space<vmem>>, vector<1x1x1xf32>
    %get3A_770 = vector.extract %get3A_769[0, 0, 0] : f32 from vector<1x1x1xf32>
    %get3A_771 = arith.constant 0 : index
    %get3A_772 = arith.constant 11 : index
    %get3A_773 = arith.constant 2 : index
    %get3A_774 = vector.load %arg1[%get3A_771, %get3A_772, %get3A_773] : memref<1x16x4xf32, #tpu.memory_space<vmem>>, vector<1x1x1xf32>
    %get3A_775 = vector.extract %get3A_774[0, 0, 0] : f32 from vector<1x1x1xf32>
    %get3A_776 = arith.constant 0 : index
    %get3A_777 = arith.constant 11 : index
    %get3A_778 = arith.constant 3 : index
    %get3A_779 = vector.load %arg1[%get3A_776, %get3A_777, %get3A_778] : memref<1x16x4xf32, #tpu.memory_space<vmem>>, vector<1x1x1xf32>
    %get3A_780 = vector.extract %get3A_779[0, 0, 0] : f32 from vector<1x1x1xf32>
    %sub3A_781 = arith.subf %get3A_775, %get3A_765 : f32
    %sub3A_782 = arith.subf %get3A_780, %get3A_770 : f32
    %mul3A_783 = arith.mulf %sub3A_781, %sub3A_782 : f32
    %min3A_784 = vector.broadcast %get3A_775 : f32 to vector<8x2040xf32>
    %min3A_785 = arith.minimumf %add3A_50, %min3A_784 : vector<8x2040xf32>
    %max3A_786 = vector.broadcast %get3A_765 : f32 to vector<8x2040xf32>
    %max3A_787 = arith.maximumf %sub3A, %max3A_786 : vector<8x2040xf32>
    %sub3A_788 = arith.subf %min3A_785, %max3A_787 : vector<8x2040xf32>
    %max3A_789 = arith.constant 0.000000e+00 : f32
    %max3A_790 = vector.broadcast %max3A_789 : f32 to vector<8x2040xf32>
    %max3A_791 = arith.maximumf %sub3A_788, %max3A_790 : vector<8x2040xf32>
    %min3A_792 = vector.broadcast %get3A_780 : f32 to vector<8x2040xf32>
    %min3A_793 = arith.minimumf %add3A_54, %min3A_792 : vector<8x2040xf32>
    %max3A_794 = vector.broadcast %get3A_770 : f32 to vector<8x2040xf32>
    %max3A_795 = arith.maximumf %sub3A_46, %max3A_794 : vector<8x2040xf32>
    %sub3A_796 = arith.subf %min3A_793, %max3A_795 : vector<8x2040xf32>
    %max3A_797 = arith.constant 0.000000e+00 : f32
    %max3A_798 = vector.broadcast %max3A_797 : f32 to vector<8x2040xf32>
    %max3A_799 = arith.maximumf %sub3A_796, %max3A_798 : vector<8x2040xf32>
    %mul3A_800 = arith.mulf %max3A_791, %max3A_799 : vector<8x2040xf32>
    %add3A_801 = vector.broadcast %mul3A_783 : f32 to vector<8x2040xf32>
    %add3A_802 = arith.addf %add3A_801, %mul3A_57 : vector<8x2040xf32>
    %sub3A_803 = arith.subf %add3A_802, %mul3A_800 : vector<8x2040xf32>
    %div3A_804 = arith.divf %mul3A_800, %sub3A_803 : vector<8x2040xf32>
    %gt3A_805 = arith.cmpf ogt, %div3A_804, %max3A_745 : vector<8x2040xf32>
    %jit3A_806 = arith.constant 11 : i32
    %broadcast_in_dim3A_807 = vector.broadcast %jit3A_806 : i32 to vector<8x2040xi32>
    %select_n3A_808 = arith.select %gt3A_805, %broadcast_in_dim3A_807, %select_n3A_744 : vector<8x2040xi1>, vector<8x2040xi32>
    %max3A_809 = arith.maximumf %div3A_804, %max3A_745 : vector<8x2040xf32>
    %reduce_max3A_810 = vector.shape_cast %div3A_804 : vector<8x2040xf32> to vector<1x8x2040xf32>
    %reduce_max3A_811 = arith.constant dense<0xFF800000> : vector<1xf32>
    %reduce_max3A_812 = vector.multi_reduction <maximumf>, %reduce_max3A_810, %reduce_max3A_811 [1, 2] : vector<1x8x2040xf32> to vector<1xf32>
    %reduce_max3A_813 = vector.shape_cast %reduce_max3A_812 : vector<1xf32> to vector<1x1x1xf32>
    %reduce_max3A_814 = vector.extract %reduce_max3A_813[0, 0, 0] : f32 from vector<1x1x1xf32>
    %eq3A_815 = vector.broadcast %reduce_max3A_814 : f32 to vector<8x2040xf32>
    %eq3A_816 = arith.cmpf oeq, %div3A_804, %eq3A_815 : vector<8x2040xf32>
    %jit3A_817 = arith.constant 16320 : i32
    %broadcast_in_dim3A_818 = vector.broadcast %jit3A_817 : i32 to vector<8x2040xi32>
    %select_n3A_819 = arith.select %eq3A_816, %add3A_62, %broadcast_in_dim3A_818 : vector<8x2040xi1>, vector<8x2040xi32>
    %reduce_min3A_820 = vector.shape_cast %select_n3A_819 : vector<8x2040xi32> to vector<1x8x2040xi32>
    %reduce_min3A_821 = arith.constant dense<2147483647> : vector<1xi32>
    %reduce_min3A_822 = vector.multi_reduction <minsi>, %reduce_min3A_820, %reduce_min3A_821 [1, 2] : vector<1x8x2040xi32> to vector<1xi32>
    %reduce_min3A_823 = vector.shape_cast %reduce_min3A_822 : vector<1xi32> to vector<1x1x1xi32>
    %reduce_min3A_824 = vector.extract %reduce_min3A_823[0, 0, 0] : i32 from vector<1x1x1xi32>
    %get3A_825 = arith.constant 0 : index
    %get3A_826 = arith.constant 12 : index
    %get3A_827 = arith.constant 0 : index
    %get3A_828 = vector.load %arg1[%get3A_825, %get3A_826, %get3A_827] : memref<1x16x4xf32, #tpu.memory_space<vmem>>, vector<1x1x1xf32>
    %get3A_829 = vector.extract %get3A_828[0, 0, 0] : f32 from vector<1x1x1xf32>
    %get3A_830 = arith.constant 0 : index
    %get3A_831 = arith.constant 12 : index
    %get3A_832 = arith.constant 1 : index
    %get3A_833 = vector.load %arg1[%get3A_830, %get3A_831, %get3A_832] : memref<1x16x4xf32, #tpu.memory_space<vmem>>, vector<1x1x1xf32>
    %get3A_834 = vector.extract %get3A_833[0, 0, 0] : f32 from vector<1x1x1xf32>
    %get3A_835 = arith.constant 0 : index
    %get3A_836 = arith.constant 12 : index
    %get3A_837 = arith.constant 2 : index
    %get3A_838 = vector.load %arg1[%get3A_835, %get3A_836, %get3A_837] : memref<1x16x4xf32, #tpu.memory_space<vmem>>, vector<1x1x1xf32>
    %get3A_839 = vector.extract %get3A_838[0, 0, 0] : f32 from vector<1x1x1xf32>
    %get3A_840 = arith.constant 0 : index
    %get3A_841 = arith.constant 12 : index
    %get3A_842 = arith.constant 3 : index
    %get3A_843 = vector.load %arg1[%get3A_840, %get3A_841, %get3A_842] : memref<1x16x4xf32, #tpu.memory_space<vmem>>, vector<1x1x1xf32>
    %get3A_844 = vector.extract %get3A_843[0, 0, 0] : f32 from vector<1x1x1xf32>
    %sub3A_845 = arith.subf %get3A_839, %get3A_829 : f32
    %sub3A_846 = arith.subf %get3A_844, %get3A_834 : f32
    %mul3A_847 = arith.mulf %sub3A_845, %sub3A_846 : f32
    %min3A_848 = vector.broadcast %get3A_839 : f32 to vector<8x2040xf32>
    %min3A_849 = arith.minimumf %add3A_50, %min3A_848 : vector<8x2040xf32>
    %max3A_850 = vector.broadcast %get3A_829 : f32 to vector<8x2040xf32>
    %max3A_851 = arith.maximumf %sub3A, %max3A_850 : vector<8x2040xf32>
    %sub3A_852 = arith.subf %min3A_849, %max3A_851 : vector<8x2040xf32>
    %max3A_853 = arith.constant 0.000000e+00 : f32
    %max3A_854 = vector.broadcast %max3A_853 : f32 to vector<8x2040xf32>
    %max3A_855 = arith.maximumf %sub3A_852, %max3A_854 : vector<8x2040xf32>
    %min3A_856 = vector.broadcast %get3A_844 : f32 to vector<8x2040xf32>
    %min3A_857 = arith.minimumf %add3A_54, %min3A_856 : vector<8x2040xf32>
    %max3A_858 = vector.broadcast %get3A_834 : f32 to vector<8x2040xf32>
    %max3A_859 = arith.maximumf %sub3A_46, %max3A_858 : vector<8x2040xf32>
    %sub3A_860 = arith.subf %min3A_857, %max3A_859 : vector<8x2040xf32>
    %max3A_861 = arith.constant 0.000000e+00 : f32
    %max3A_862 = vector.broadcast %max3A_861 : f32 to vector<8x2040xf32>
    %max3A_863 = arith.maximumf %sub3A_860, %max3A_862 : vector<8x2040xf32>
    %mul3A_864 = arith.mulf %max3A_855, %max3A_863 : vector<8x2040xf32>
    %add3A_865 = vector.broadcast %mul3A_847 : f32 to vector<8x2040xf32>
    %add3A_866 = arith.addf %add3A_865, %mul3A_57 : vector<8x2040xf32>
    %sub3A_867 = arith.subf %add3A_866, %mul3A_864 : vector<8x2040xf32>
    %div3A_868 = arith.divf %mul3A_864, %sub3A_867 : vector<8x2040xf32>
    %gt3A_869 = arith.cmpf ogt, %div3A_868, %max3A_809 : vector<8x2040xf32>
    %jit3A_870 = arith.constant 12 : i32
    %broadcast_in_dim3A_871 = vector.broadcast %jit3A_870 : i32 to vector<8x2040xi32>
    %select_n3A_872 = arith.select %gt3A_869, %broadcast_in_dim3A_871, %select_n3A_808 : vector<8x2040xi1>, vector<8x2040xi32>
    %max3A_873 = arith.maximumf %div3A_868, %max3A_809 : vector<8x2040xf32>
    %reduce_max3A_874 = vector.shape_cast %div3A_868 : vector<8x2040xf32> to vector<1x8x2040xf32>
    %reduce_max3A_875 = arith.constant dense<0xFF800000> : vector<1xf32>
    %reduce_max3A_876 = vector.multi_reduction <maximumf>, %reduce_max3A_874, %reduce_max3A_875 [1, 2] : vector<1x8x2040xf32> to vector<1xf32>
    %reduce_max3A_877 = vector.shape_cast %reduce_max3A_876 : vector<1xf32> to vector<1x1x1xf32>
    %reduce_max3A_878 = vector.extract %reduce_max3A_877[0, 0, 0] : f32 from vector<1x1x1xf32>
    %eq3A_879 = vector.broadcast %reduce_max3A_878 : f32 to vector<8x2040xf32>
    %eq3A_880 = arith.cmpf oeq, %div3A_868, %eq3A_879 : vector<8x2040xf32>
    %jit3A_881 = arith.constant 16320 : i32
    %broadcast_in_dim3A_882 = vector.broadcast %jit3A_881 : i32 to vector<8x2040xi32>
    %select_n3A_883 = arith.select %eq3A_880, %add3A_62, %broadcast_in_dim3A_882 : vector<8x2040xi1>, vector<8x2040xi32>
    %reduce_min3A_884 = vector.shape_cast %select_n3A_883 : vector<8x2040xi32> to vector<1x8x2040xi32>
    %reduce_min3A_885 = arith.constant dense<2147483647> : vector<1xi32>
    %reduce_min3A_886 = vector.multi_reduction <minsi>, %reduce_min3A_884, %reduce_min3A_885 [1, 2] : vector<1x8x2040xi32> to vector<1xi32>
    %reduce_min3A_887 = vector.shape_cast %reduce_min3A_886 : vector<1xi32> to vector<1x1x1xi32>
    %reduce_min3A_888 = vector.extract %reduce_min3A_887[0, 0, 0] : i32 from vector<1x1x1xi32>
    %get3A_889 = arith.constant 0 : index
    %get3A_890 = arith.constant 13 : index
    %get3A_891 = arith.constant 0 : index
    %get3A_892 = vector.load %arg1[%get3A_889, %get3A_890, %get3A_891] : memref<1x16x4xf32, #tpu.memory_space<vmem>>, vector<1x1x1xf32>
    %get3A_893 = vector.extract %get3A_892[0, 0, 0] : f32 from vector<1x1x1xf32>
    %get3A_894 = arith.constant 0 : index
    %get3A_895 = arith.constant 13 : index
    %get3A_896 = arith.constant 1 : index
    %get3A_897 = vector.load %arg1[%get3A_894, %get3A_895, %get3A_896] : memref<1x16x4xf32, #tpu.memory_space<vmem>>, vector<1x1x1xf32>
    %get3A_898 = vector.extract %get3A_897[0, 0, 0] : f32 from vector<1x1x1xf32>
    %get3A_899 = arith.constant 0 : index
    %get3A_900 = arith.constant 13 : index
    %get3A_901 = arith.constant 2 : index
    %get3A_902 = vector.load %arg1[%get3A_899, %get3A_900, %get3A_901] : memref<1x16x4xf32, #tpu.memory_space<vmem>>, vector<1x1x1xf32>
    %get3A_903 = vector.extract %get3A_902[0, 0, 0] : f32 from vector<1x1x1xf32>
    %get3A_904 = arith.constant 0 : index
    %get3A_905 = arith.constant 13 : index
    %get3A_906 = arith.constant 3 : index
    %get3A_907 = vector.load %arg1[%get3A_904, %get3A_905, %get3A_906] : memref<1x16x4xf32, #tpu.memory_space<vmem>>, vector<1x1x1xf32>
    %get3A_908 = vector.extract %get3A_907[0, 0, 0] : f32 from vector<1x1x1xf32>
    %sub3A_909 = arith.subf %get3A_903, %get3A_893 : f32
    %sub3A_910 = arith.subf %get3A_908, %get3A_898 : f32
    %mul3A_911 = arith.mulf %sub3A_909, %sub3A_910 : f32
    %min3A_912 = vector.broadcast %get3A_903 : f32 to vector<8x2040xf32>
    %min3A_913 = arith.minimumf %add3A_50, %min3A_912 : vector<8x2040xf32>
    %max3A_914 = vector.broadcast %get3A_893 : f32 to vector<8x2040xf32>
    %max3A_915 = arith.maximumf %sub3A, %max3A_914 : vector<8x2040xf32>
    %sub3A_916 = arith.subf %min3A_913, %max3A_915 : vector<8x2040xf32>
    %max3A_917 = arith.constant 0.000000e+00 : f32
    %max3A_918 = vector.broadcast %max3A_917 : f32 to vector<8x2040xf32>
    %max3A_919 = arith.maximumf %sub3A_916, %max3A_918 : vector<8x2040xf32>
    %min3A_920 = vector.broadcast %get3A_908 : f32 to vector<8x2040xf32>
    %min3A_921 = arith.minimumf %add3A_54, %min3A_920 : vector<8x2040xf32>
    %max3A_922 = vector.broadcast %get3A_898 : f32 to vector<8x2040xf32>
    %max3A_923 = arith.maximumf %sub3A_46, %max3A_922 : vector<8x2040xf32>
    %sub3A_924 = arith.subf %min3A_921, %max3A_923 : vector<8x2040xf32>
    %max3A_925 = arith.constant 0.000000e+00 : f32
    %max3A_926 = vector.broadcast %max3A_925 : f32 to vector<8x2040xf32>
    %max3A_927 = arith.maximumf %sub3A_924, %max3A_926 : vector<8x2040xf32>
    %mul3A_928 = arith.mulf %max3A_919, %max3A_927 : vector<8x2040xf32>
    %add3A_929 = vector.broadcast %mul3A_911 : f32 to vector<8x2040xf32>
    %add3A_930 = arith.addf %add3A_929, %mul3A_57 : vector<8x2040xf32>
    %sub3A_931 = arith.subf %add3A_930, %mul3A_928 : vector<8x2040xf32>
    %div3A_932 = arith.divf %mul3A_928, %sub3A_931 : vector<8x2040xf32>
    %gt3A_933 = arith.cmpf ogt, %div3A_932, %max3A_873 : vector<8x2040xf32>
    %jit3A_934 = arith.constant 13 : i32
    %broadcast_in_dim3A_935 = vector.broadcast %jit3A_934 : i32 to vector<8x2040xi32>
    %select_n3A_936 = arith.select %gt3A_933, %broadcast_in_dim3A_935, %select_n3A_872 : vector<8x2040xi1>, vector<8x2040xi32>
    %max3A_937 = arith.maximumf %div3A_932, %max3A_873 : vector<8x2040xf32>
    %reduce_max3A_938 = vector.shape_cast %div3A_932 : vector<8x2040xf32> to vector<1x8x2040xf32>
    %reduce_max3A_939 = arith.constant dense<0xFF800000> : vector<1xf32>
    %reduce_max3A_940 = vector.multi_reduction <maximumf>, %reduce_max3A_938, %reduce_max3A_939 [1, 2] : vector<1x8x2040xf32> to vector<1xf32>
    %reduce_max3A_941 = vector.shape_cast %reduce_max3A_940 : vector<1xf32> to vector<1x1x1xf32>
    %reduce_max3A_942 = vector.extract %reduce_max3A_941[0, 0, 0] : f32 from vector<1x1x1xf32>
    %eq3A_943 = vector.broadcast %reduce_max3A_942 : f32 to vector<8x2040xf32>
    %eq3A_944 = arith.cmpf oeq, %div3A_932, %eq3A_943 : vector<8x2040xf32>
    %jit3A_945 = arith.constant 16320 : i32
    %broadcast_in_dim3A_946 = vector.broadcast %jit3A_945 : i32 to vector<8x2040xi32>
    %select_n3A_947 = arith.select %eq3A_944, %add3A_62, %broadcast_in_dim3A_946 : vector<8x2040xi1>, vector<8x2040xi32>
    %reduce_min3A_948 = vector.shape_cast %select_n3A_947 : vector<8x2040xi32> to vector<1x8x2040xi32>
    %reduce_min3A_949 = arith.constant dense<2147483647> : vector<1xi32>
    %reduce_min3A_950 = vector.multi_reduction <minsi>, %reduce_min3A_948, %reduce_min3A_949 [1, 2] : vector<1x8x2040xi32> to vector<1xi32>
    %reduce_min3A_951 = vector.shape_cast %reduce_min3A_950 : vector<1xi32> to vector<1x1x1xi32>
    %reduce_min3A_952 = vector.extract %reduce_min3A_951[0, 0, 0] : i32 from vector<1x1x1xi32>
    %get3A_953 = arith.constant 0 : index
    %get3A_954 = arith.constant 14 : index
    %get3A_955 = arith.constant 0 : index
    %get3A_956 = vector.load %arg1[%get3A_953, %get3A_954, %get3A_955] : memref<1x16x4xf32, #tpu.memory_space<vmem>>, vector<1x1x1xf32>
    %get3A_957 = vector.extract %get3A_956[0, 0, 0] : f32 from vector<1x1x1xf32>
    %get3A_958 = arith.constant 0 : index
    %get3A_959 = arith.constant 14 : index
    %get3A_960 = arith.constant 1 : index
    %get3A_961 = vector.load %arg1[%get3A_958, %get3A_959, %get3A_960] : memref<1x16x4xf32, #tpu.memory_space<vmem>>, vector<1x1x1xf32>
    %get3A_962 = vector.extract %get3A_961[0, 0, 0] : f32 from vector<1x1x1xf32>
    %get3A_963 = arith.constant 0 : index
    %get3A_964 = arith.constant 14 : index
    %get3A_965 = arith.constant 2 : index
    %get3A_966 = vector.load %arg1[%get3A_963, %get3A_964, %get3A_965] : memref<1x16x4xf32, #tpu.memory_space<vmem>>, vector<1x1x1xf32>
    %get3A_967 = vector.extract %get3A_966[0, 0, 0] : f32 from vector<1x1x1xf32>
    %get3A_968 = arith.constant 0 : index
    %get3A_969 = arith.constant 14 : index
    %get3A_970 = arith.constant 3 : index
    %get3A_971 = vector.load %arg1[%get3A_968, %get3A_969, %get3A_970] : memref<1x16x4xf32, #tpu.memory_space<vmem>>, vector<1x1x1xf32>
    %get3A_972 = vector.extract %get3A_971[0, 0, 0] : f32 from vector<1x1x1xf32>
    %sub3A_973 = arith.subf %get3A_967, %get3A_957 : f32
    %sub3A_974 = arith.subf %get3A_972, %get3A_962 : f32
    %mul3A_975 = arith.mulf %sub3A_973, %sub3A_974 : f32
    %min3A_976 = vector.broadcast %get3A_967 : f32 to vector<8x2040xf32>
    %min3A_977 = arith.minimumf %add3A_50, %min3A_976 : vector<8x2040xf32>
    %max3A_978 = vector.broadcast %get3A_957 : f32 to vector<8x2040xf32>
    %max3A_979 = arith.maximumf %sub3A, %max3A_978 : vector<8x2040xf32>
    %sub3A_980 = arith.subf %min3A_977, %max3A_979 : vector<8x2040xf32>
    %max3A_981 = arith.constant 0.000000e+00 : f32
    %max3A_982 = vector.broadcast %max3A_981 : f32 to vector<8x2040xf32>
    %max3A_983 = arith.maximumf %sub3A_980, %max3A_982 : vector<8x2040xf32>
    %min3A_984 = vector.broadcast %get3A_972 : f32 to vector<8x2040xf32>
    %min3A_985 = arith.minimumf %add3A_54, %min3A_984 : vector<8x2040xf32>
    %max3A_986 = vector.broadcast %get3A_962 : f32 to vector<8x2040xf32>
    %max3A_987 = arith.maximumf %sub3A_46, %max3A_986 : vector<8x2040xf32>
    %sub3A_988 = arith.subf %min3A_985, %max3A_987 : vector<8x2040xf32>
    %max3A_989 = arith.constant 0.000000e+00 : f32
    %max3A_990 = vector.broadcast %max3A_989 : f32 to vector<8x2040xf32>
    %max3A_991 = arith.maximumf %sub3A_988, %max3A_990 : vector<8x2040xf32>
    %mul3A_992 = arith.mulf %max3A_983, %max3A_991 : vector<8x2040xf32>
    %add3A_993 = vector.broadcast %mul3A_975 : f32 to vector<8x2040xf32>
    %add3A_994 = arith.addf %add3A_993, %mul3A_57 : vector<8x2040xf32>
    %sub3A_995 = arith.subf %add3A_994, %mul3A_992 : vector<8x2040xf32>
    %div3A_996 = arith.divf %mul3A_992, %sub3A_995 : vector<8x2040xf32>
    %gt3A_997 = arith.cmpf ogt, %div3A_996, %max3A_937 : vector<8x2040xf32>
    %jit3A_998 = arith.constant 14 : i32
    %broadcast_in_dim3A_999 = vector.broadcast %jit3A_998 : i32 to vector<8x2040xi32>
    %select_n3A_1000 = arith.select %gt3A_997, %broadcast_in_dim3A_999, %select_n3A_936 : vector<8x2040xi1>, vector<8x2040xi32>
    %max3A_1001 = arith.maximumf %div3A_996, %max3A_937 : vector<8x2040xf32>
    %reduce_max3A_1002 = vector.shape_cast %div3A_996 : vector<8x2040xf32> to vector<1x8x2040xf32>
    %reduce_max3A_1003 = arith.constant dense<0xFF800000> : vector<1xf32>
    %reduce_max3A_1004 = vector.multi_reduction <maximumf>, %reduce_max3A_1002, %reduce_max3A_1003 [1, 2] : vector<1x8x2040xf32> to vector<1xf32>
    %reduce_max3A_1005 = vector.shape_cast %reduce_max3A_1004 : vector<1xf32> to vector<1x1x1xf32>
    %reduce_max3A_1006 = vector.extract %reduce_max3A_1005[0, 0, 0] : f32 from vector<1x1x1xf32>
    %eq3A_1007 = vector.broadcast %reduce_max3A_1006 : f32 to vector<8x2040xf32>
    %eq3A_1008 = arith.cmpf oeq, %div3A_996, %eq3A_1007 : vector<8x2040xf32>
    %jit3A_1009 = arith.constant 16320 : i32
    %broadcast_in_dim3A_1010 = vector.broadcast %jit3A_1009 : i32 to vector<8x2040xi32>
    %select_n3A_1011 = arith.select %eq3A_1008, %add3A_62, %broadcast_in_dim3A_1010 : vector<8x2040xi1>, vector<8x2040xi32>
    %reduce_min3A_1012 = vector.shape_cast %select_n3A_1011 : vector<8x2040xi32> to vector<1x8x2040xi32>
    %reduce_min3A_1013 = arith.constant dense<2147483647> : vector<1xi32>
    %reduce_min3A_1014 = vector.multi_reduction <minsi>, %reduce_min3A_1012, %reduce_min3A_1013 [1, 2] : vector<1x8x2040xi32> to vector<1xi32>
    %reduce_min3A_1015 = vector.shape_cast %reduce_min3A_1014 : vector<1xi32> to vector<1x1x1xi32>
    %reduce_min3A_1016 = vector.extract %reduce_min3A_1015[0, 0, 0] : i32 from vector<1x1x1xi32>
    %get3A_1017 = arith.constant 0 : index
    %get3A_1018 = arith.constant 15 : index
    %get3A_1019 = arith.constant 0 : index
    %get3A_1020 = vector.load %arg1[%get3A_1017, %get3A_1018, %get3A_1019] : memref<1x16x4xf32, #tpu.memory_space<vmem>>, vector<1x1x1xf32>
    %get3A_1021 = vector.extract %get3A_1020[0, 0, 0] : f32 from vector<1x1x1xf32>
    %get3A_1022 = arith.constant 0 : index
    %get3A_1023 = arith.constant 15 : index
    %get3A_1024 = arith.constant 1 : index
    %get3A_1025 = vector.load %arg1[%get3A_1022, %get3A_1023, %get3A_1024] : memref<1x16x4xf32, #tpu.memory_space<vmem>>, vector<1x1x1xf32>
    %get3A_1026 = vector.extract %get3A_1025[0, 0, 0] : f32 from vector<1x1x1xf32>
    %get3A_1027 = arith.constant 0 : index
    %get3A_1028 = arith.constant 15 : index
    %get3A_1029 = arith.constant 2 : index
    %get3A_1030 = vector.load %arg1[%get3A_1027, %get3A_1028, %get3A_1029] : memref<1x16x4xf32, #tpu.memory_space<vmem>>, vector<1x1x1xf32>
    %get3A_1031 = vector.extract %get3A_1030[0, 0, 0] : f32 from vector<1x1x1xf32>
    %get3A_1032 = arith.constant 0 : index
    %get3A_1033 = arith.constant 15 : index
    %get3A_1034 = arith.constant 3 : index
    %get3A_1035 = vector.load %arg1[%get3A_1032, %get3A_1033, %get3A_1034] : memref<1x16x4xf32, #tpu.memory_space<vmem>>, vector<1x1x1xf32>
    %get3A_1036 = vector.extract %get3A_1035[0, 0, 0] : f32 from vector<1x1x1xf32>
    %sub3A_1037 = arith.subf %get3A_1031, %get3A_1021 : f32
    %sub3A_1038 = arith.subf %get3A_1036, %get3A_1026 : f32
    %mul3A_1039 = arith.mulf %sub3A_1037, %sub3A_1038 : f32
    %min3A_1040 = vector.broadcast %get3A_1031 : f32 to vector<8x2040xf32>
    %min3A_1041 = arith.minimumf %add3A_50, %min3A_1040 : vector<8x2040xf32>
    %max3A_1042 = vector.broadcast %get3A_1021 : f32 to vector<8x2040xf32>
    %max3A_1043 = arith.maximumf %sub3A, %max3A_1042 : vector<8x2040xf32>
    %sub3A_1044 = arith.subf %min3A_1041, %max3A_1043 : vector<8x2040xf32>
    %max3A_1045 = arith.constant 0.000000e+00 : f32
    %max3A_1046 = vector.broadcast %max3A_1045 : f32 to vector<8x2040xf32>
    %max3A_1047 = arith.maximumf %sub3A_1044, %max3A_1046 : vector<8x2040xf32>
    %min3A_1048 = vector.broadcast %get3A_1036 : f32 to vector<8x2040xf32>
    %min3A_1049 = arith.minimumf %add3A_54, %min3A_1048 : vector<8x2040xf32>
    %max3A_1050 = vector.broadcast %get3A_1026 : f32 to vector<8x2040xf32>
    %max3A_1051 = arith.maximumf %sub3A_46, %max3A_1050 : vector<8x2040xf32>
    %sub3A_1052 = arith.subf %min3A_1049, %max3A_1051 : vector<8x2040xf32>
    %max3A_1053 = arith.constant 0.000000e+00 : f32
    %max3A_1054 = vector.broadcast %max3A_1053 : f32 to vector<8x2040xf32>
    %max3A_1055 = arith.maximumf %sub3A_1052, %max3A_1054 : vector<8x2040xf32>
    %mul3A_1056 = arith.mulf %max3A_1047, %max3A_1055 : vector<8x2040xf32>
    %add3A_1057 = vector.broadcast %mul3A_1039 : f32 to vector<8x2040xf32>
    %add3A_1058 = arith.addf %add3A_1057, %mul3A_57 : vector<8x2040xf32>
    %sub3A_1059 = arith.subf %add3A_1058, %mul3A_1056 : vector<8x2040xf32>
    %div3A_1060 = arith.divf %mul3A_1056, %sub3A_1059 : vector<8x2040xf32>
    %gt3A_1061 = arith.cmpf ogt, %div3A_1060, %max3A_1001 : vector<8x2040xf32>
    %jit3A_1062 = arith.constant 15 : i32
    %broadcast_in_dim3A_1063 = vector.broadcast %jit3A_1062 : i32 to vector<8x2040xi32>
    %select_n3A_1064 = arith.select %gt3A_1061, %broadcast_in_dim3A_1063, %select_n3A_1000 : vector<8x2040xi1>, vector<8x2040xi32>
    %max3A_1065 = arith.maximumf %div3A_1060, %max3A_1001 : vector<8x2040xf32>
    %reduce_max3A_1066 = vector.shape_cast %div3A_1060 : vector<8x2040xf32> to vector<1x8x2040xf32>
    %reduce_max3A_1067 = arith.constant dense<0xFF800000> : vector<1xf32>
    %reduce_max3A_1068 = vector.multi_reduction <maximumf>, %reduce_max3A_1066, %reduce_max3A_1067 [1, 2] : vector<1x8x2040xf32> to vector<1xf32>
    %reduce_max3A_1069 = vector.shape_cast %reduce_max3A_1068 : vector<1xf32> to vector<1x1x1xf32>
    %reduce_max3A_1070 = vector.extract %reduce_max3A_1069[0, 0, 0] : f32 from vector<1x1x1xf32>
    %eq3A_1071 = vector.broadcast %reduce_max3A_1070 : f32 to vector<8x2040xf32>
    %eq3A_1072 = arith.cmpf oeq, %div3A_1060, %eq3A_1071 : vector<8x2040xf32>
    %jit3A_1073 = arith.constant 16320 : i32
    %broadcast_in_dim3A_1074 = vector.broadcast %jit3A_1073 : i32 to vector<8x2040xi32>
    %select_n3A_1075 = arith.select %eq3A_1072, %add3A_62, %broadcast_in_dim3A_1074 : vector<8x2040xi1>, vector<8x2040xi32>
    %reduce_min3A_1076 = vector.shape_cast %select_n3A_1075 : vector<8x2040xi32> to vector<1x8x2040xi32>
    %reduce_min3A_1077 = arith.constant dense<2147483647> : vector<1xi32>
    %reduce_min3A_1078 = vector.multi_reduction <minsi>, %reduce_min3A_1076, %reduce_min3A_1077 [1, 2] : vector<1x8x2040xi32> to vector<1xi32>
    %reduce_min3A_1079 = vector.shape_cast %reduce_min3A_1078 : vector<1xi32> to vector<1x1x1xi32>
    %reduce_min3A_1080 = vector.extract %reduce_min3A_1079[0, 0, 0] : i32 from vector<1x1x1xi32>
    %broadcast_in_dim3A_1081 = arith.constant 0 : i32
    %broadcast_in_dim3A_1082 = vector.broadcast %broadcast_in_dim3A_1081 : i32 to vector<8x2040xi32>
    %broadcast_in_dim3A_1083 = arith.constant 0.000000e+00 : f32
    %broadcast_in_dim3A_1084 = vector.broadcast %broadcast_in_dim3A_1083 : f32 to vector<8x2040xf32>
    %broadcast_in_dim3A_1085 = arith.constant 0.000000e+00 : f32
    %broadcast_in_dim3A_1086 = vector.broadcast %broadcast_in_dim3A_1085 : f32 to vector<8x2040xf32>
    %broadcast_in_dim3A_1087 = arith.constant 0.000000e+00 : f32
    %broadcast_in_dim3A_1088 = vector.broadcast %broadcast_in_dim3A_1087 : f32 to vector<8x2040xf32>
    %broadcast_in_dim3A_1089 = arith.constant 0.000000e+00 : f32
    %broadcast_in_dim3A_1090 = vector.broadcast %broadcast_in_dim3A_1089 : f32 to vector<8x2040xf32>
    %eq3A_1091 = arith.constant 0 : i32
    %eq3A_1092 = vector.broadcast %eq3A_1091 : i32 to vector<8x2040xi32>
    %eq3A_1093 = arith.cmpi eq, %select_n3A_1064, %eq3A_1092 : vector<8x2040xi32>
    %get3A_1094 = arith.constant 0 : index
    %get3A_1095 = arith.constant 0 : index
    %get3A_1096 = arith.constant 0 : index
    %get3A_1097 = vector.load %arg2[%get3A_1094, %get3A_1095, %get3A_1096] : memref<1x1x16xi32, #tpu.memory_space<vmem>>, vector<1x1x1xi32>
    %get3A_1098 = vector.extract %get3A_1097[0, 0, 0] : i32 from vector<1x1x1xi32>
    %broadcast_in_dim3A_1099 = vector.broadcast %get3A_1098 : i32 to vector<8x2040xi32>
    %select_n3A_1100 = arith.select %eq3A_1093, %broadcast_in_dim3A_1099, %broadcast_in_dim3A_1082 : vector<8x2040xi1>, vector<8x2040xi32>
    %get3A_1101 = arith.constant 0 : index
    %get3A_1102 = arith.constant 0 : index
    %get3A_1103 = arith.constant 0 : index
    %get3A_1104 = vector.load %arg1[%get3A_1101, %get3A_1102, %get3A_1103] : memref<1x16x4xf32, #tpu.memory_space<vmem>>, vector<1x1x1xf32>
    %get3A_1105 = vector.extract %get3A_1104[0, 0, 0] : f32 from vector<1x1x1xf32>
    %broadcast_in_dim3A_1106 = vector.broadcast %get3A_1105 : f32 to vector<8x2040xf32>
    %select_n3A_1107 = arith.select %eq3A_1093, %broadcast_in_dim3A_1106, %broadcast_in_dim3A_1084 : vector<8x2040xi1>, vector<8x2040xf32>
    %get3A_1108 = arith.constant 0 : index
    %get3A_1109 = arith.constant 0 : index
    %get3A_1110 = arith.constant 1 : index
    %get3A_1111 = vector.load %arg1[%get3A_1108, %get3A_1109, %get3A_1110] : memref<1x16x4xf32, #tpu.memory_space<vmem>>, vector<1x1x1xf32>
    %get3A_1112 = vector.extract %get3A_1111[0, 0, 0] : f32 from vector<1x1x1xf32>
    %broadcast_in_dim3A_1113 = vector.broadcast %get3A_1112 : f32 to vector<8x2040xf32>
    %select_n3A_1114 = arith.select %eq3A_1093, %broadcast_in_dim3A_1113, %broadcast_in_dim3A_1086 : vector<8x2040xi1>, vector<8x2040xf32>
    %get3A_1115 = arith.constant 0 : index
    %get3A_1116 = arith.constant 0 : index
    %get3A_1117 = arith.constant 2 : index
    %get3A_1118 = vector.load %arg1[%get3A_1115, %get3A_1116, %get3A_1117] : memref<1x16x4xf32, #tpu.memory_space<vmem>>, vector<1x1x1xf32>
    %get3A_1119 = vector.extract %get3A_1118[0, 0, 0] : f32 from vector<1x1x1xf32>
    %broadcast_in_dim3A_1120 = vector.broadcast %get3A_1119 : f32 to vector<8x2040xf32>
    %select_n3A_1121 = arith.select %eq3A_1093, %broadcast_in_dim3A_1120, %broadcast_in_dim3A_1088 : vector<8x2040xi1>, vector<8x2040xf32>
    %get3A_1122 = arith.constant 0 : index
    %get3A_1123 = arith.constant 0 : index
    %get3A_1124 = arith.constant 3 : index
    %get3A_1125 = vector.load %arg1[%get3A_1122, %get3A_1123, %get3A_1124] : memref<1x16x4xf32, #tpu.memory_space<vmem>>, vector<1x1x1xf32>
    %get3A_1126 = vector.extract %get3A_1125[0, 0, 0] : f32 from vector<1x1x1xf32>
    %broadcast_in_dim3A_1127 = vector.broadcast %get3A_1126 : f32 to vector<8x2040xf32>
    %select_n3A_1128 = arith.select %eq3A_1093, %broadcast_in_dim3A_1127, %broadcast_in_dim3A_1090 : vector<8x2040xi1>, vector<8x2040xf32>
    %eq3A_1129 = arith.constant 1 : i32
    %eq3A_1130 = vector.broadcast %eq3A_1129 : i32 to vector<8x2040xi32>
    %eq3A_1131 = arith.cmpi eq, %select_n3A_1064, %eq3A_1130 : vector<8x2040xi32>
    %get3A_1132 = arith.constant 0 : index
    %get3A_1133 = arith.constant 0 : index
    %get3A_1134 = arith.constant 1 : index
    %get3A_1135 = vector.load %arg2[%get3A_1132, %get3A_1133, %get3A_1134] : memref<1x1x16xi32, #tpu.memory_space<vmem>>, vector<1x1x1xi32>
    %get3A_1136 = vector.extract %get3A_1135[0, 0, 0] : i32 from vector<1x1x1xi32>
    %broadcast_in_dim3A_1137 = vector.broadcast %get3A_1136 : i32 to vector<8x2040xi32>
    %select_n3A_1138 = arith.select %eq3A_1131, %broadcast_in_dim3A_1137, %select_n3A_1100 : vector<8x2040xi1>, vector<8x2040xi32>
    %get3A_1139 = arith.constant 0 : index
    %get3A_1140 = arith.constant 1 : index
    %get3A_1141 = arith.constant 0 : index
    %get3A_1142 = vector.load %arg1[%get3A_1139, %get3A_1140, %get3A_1141] : memref<1x16x4xf32, #tpu.memory_space<vmem>>, vector<1x1x1xf32>
    %get3A_1143 = vector.extract %get3A_1142[0, 0, 0] : f32 from vector<1x1x1xf32>
    %broadcast_in_dim3A_1144 = vector.broadcast %get3A_1143 : f32 to vector<8x2040xf32>
    %select_n3A_1145 = arith.select %eq3A_1131, %broadcast_in_dim3A_1144, %select_n3A_1107 : vector<8x2040xi1>, vector<8x2040xf32>
    %get3A_1146 = arith.constant 0 : index
    %get3A_1147 = arith.constant 1 : index
    %get3A_1148 = arith.constant 1 : index
    %get3A_1149 = vector.load %arg1[%get3A_1146, %get3A_1147, %get3A_1148] : memref<1x16x4xf32, #tpu.memory_space<vmem>>, vector<1x1x1xf32>
    %get3A_1150 = vector.extract %get3A_1149[0, 0, 0] : f32 from vector<1x1x1xf32>
    %broadcast_in_dim3A_1151 = vector.broadcast %get3A_1150 : f32 to vector<8x2040xf32>
    %select_n3A_1152 = arith.select %eq3A_1131, %broadcast_in_dim3A_1151, %select_n3A_1114 : vector<8x2040xi1>, vector<8x2040xf32>
    %get3A_1153 = arith.constant 0 : index
    %get3A_1154 = arith.constant 1 : index
    %get3A_1155 = arith.constant 2 : index
    %get3A_1156 = vector.load %arg1[%get3A_1153, %get3A_1154, %get3A_1155] : memref<1x16x4xf32, #tpu.memory_space<vmem>>, vector<1x1x1xf32>
    %get3A_1157 = vector.extract %get3A_1156[0, 0, 0] : f32 from vector<1x1x1xf32>
    %broadcast_in_dim3A_1158 = vector.broadcast %get3A_1157 : f32 to vector<8x2040xf32>
    %select_n3A_1159 = arith.select %eq3A_1131, %broadcast_in_dim3A_1158, %select_n3A_1121 : vector<8x2040xi1>, vector<8x2040xf32>
    %get3A_1160 = arith.constant 0 : index
    %get3A_1161 = arith.constant 1 : index
    %get3A_1162 = arith.constant 3 : index
    %get3A_1163 = vector.load %arg1[%get3A_1160, %get3A_1161, %get3A_1162] : memref<1x16x4xf32, #tpu.memory_space<vmem>>, vector<1x1x1xf32>
    %get3A_1164 = vector.extract %get3A_1163[0, 0, 0] : f32 from vector<1x1x1xf32>
    %broadcast_in_dim3A_1165 = vector.broadcast %get3A_1164 : f32 to vector<8x2040xf32>
    %select_n3A_1166 = arith.select %eq3A_1131, %broadcast_in_dim3A_1165, %select_n3A_1128 : vector<8x2040xi1>, vector<8x2040xf32>
    %eq3A_1167 = arith.constant 2 : i32
    %eq3A_1168 = vector.broadcast %eq3A_1167 : i32 to vector<8x2040xi32>
    %eq3A_1169 = arith.cmpi eq, %select_n3A_1064, %eq3A_1168 : vector<8x2040xi32>
    %get3A_1170 = arith.constant 0 : index
    %get3A_1171 = arith.constant 0 : index
    %get3A_1172 = arith.constant 2 : index
    %get3A_1173 = vector.load %arg2[%get3A_1170, %get3A_1171, %get3A_1172] : memref<1x1x16xi32, #tpu.memory_space<vmem>>, vector<1x1x1xi32>
    %get3A_1174 = vector.extract %get3A_1173[0, 0, 0] : i32 from vector<1x1x1xi32>
    %broadcast_in_dim3A_1175 = vector.broadcast %get3A_1174 : i32 to vector<8x2040xi32>
    %select_n3A_1176 = arith.select %eq3A_1169, %broadcast_in_dim3A_1175, %select_n3A_1138 : vector<8x2040xi1>, vector<8x2040xi32>
    %get3A_1177 = arith.constant 0 : index
    %get3A_1178 = arith.constant 2 : index
    %get3A_1179 = arith.constant 0 : index
    %get3A_1180 = vector.load %arg1[%get3A_1177, %get3A_1178, %get3A_1179] : memref<1x16x4xf32, #tpu.memory_space<vmem>>, vector<1x1x1xf32>
    %get3A_1181 = vector.extract %get3A_1180[0, 0, 0] : f32 from vector<1x1x1xf32>
    %broadcast_in_dim3A_1182 = vector.broadcast %get3A_1181 : f32 to vector<8x2040xf32>
    %select_n3A_1183 = arith.select %eq3A_1169, %broadcast_in_dim3A_1182, %select_n3A_1145 : vector<8x2040xi1>, vector<8x2040xf32>
    %get3A_1184 = arith.constant 0 : index
    %get3A_1185 = arith.constant 2 : index
    %get3A_1186 = arith.constant 1 : index
    %get3A_1187 = vector.load %arg1[%get3A_1184, %get3A_1185, %get3A_1186] : memref<1x16x4xf32, #tpu.memory_space<vmem>>, vector<1x1x1xf32>
    %get3A_1188 = vector.extract %get3A_1187[0, 0, 0] : f32 from vector<1x1x1xf32>
    %broadcast_in_dim3A_1189 = vector.broadcast %get3A_1188 : f32 to vector<8x2040xf32>
    %select_n3A_1190 = arith.select %eq3A_1169, %broadcast_in_dim3A_1189, %select_n3A_1152 : vector<8x2040xi1>, vector<8x2040xf32>
    %get3A_1191 = arith.constant 0 : index
    %get3A_1192 = arith.constant 2 : index
    %get3A_1193 = arith.constant 2 : index
    %get3A_1194 = vector.load %arg1[%get3A_1191, %get3A_1192, %get3A_1193] : memref<1x16x4xf32, #tpu.memory_space<vmem>>, vector<1x1x1xf32>
    %get3A_1195 = vector.extract %get3A_1194[0, 0, 0] : f32 from vector<1x1x1xf32>
    %broadcast_in_dim3A_1196 = vector.broadcast %get3A_1195 : f32 to vector<8x2040xf32>
    %select_n3A_1197 = arith.select %eq3A_1169, %broadcast_in_dim3A_1196, %select_n3A_1159 : vector<8x2040xi1>, vector<8x2040xf32>
    %get3A_1198 = arith.constant 0 : index
    %get3A_1199 = arith.constant 2 : index
    %get3A_1200 = arith.constant 3 : index
    %get3A_1201 = vector.load %arg1[%get3A_1198, %get3A_1199, %get3A_1200] : memref<1x16x4xf32, #tpu.memory_space<vmem>>, vector<1x1x1xf32>
    %get3A_1202 = vector.extract %get3A_1201[0, 0, 0] : f32 from vector<1x1x1xf32>
    %broadcast_in_dim3A_1203 = vector.broadcast %get3A_1202 : f32 to vector<8x2040xf32>
    %select_n3A_1204 = arith.select %eq3A_1169, %broadcast_in_dim3A_1203, %select_n3A_1166 : vector<8x2040xi1>, vector<8x2040xf32>
    %eq3A_1205 = arith.constant 3 : i32
    %eq3A_1206 = vector.broadcast %eq3A_1205 : i32 to vector<8x2040xi32>
    %eq3A_1207 = arith.cmpi eq, %select_n3A_1064, %eq3A_1206 : vector<8x2040xi32>
    %get3A_1208 = arith.constant 0 : index
    %get3A_1209 = arith.constant 0 : index
    %get3A_1210 = arith.constant 3 : index
    %get3A_1211 = vector.load %arg2[%get3A_1208, %get3A_1209, %get3A_1210] : memref<1x1x16xi32, #tpu.memory_space<vmem>>, vector<1x1x1xi32>
    %get3A_1212 = vector.extract %get3A_1211[0, 0, 0] : i32 from vector<1x1x1xi32>
    %broadcast_in_dim3A_1213 = vector.broadcast %get3A_1212 : i32 to vector<8x2040xi32>
    %select_n3A_1214 = arith.select %eq3A_1207, %broadcast_in_dim3A_1213, %select_n3A_1176 : vector<8x2040xi1>, vector<8x2040xi32>
    %get3A_1215 = arith.constant 0 : index
    %get3A_1216 = arith.constant 3 : index
    %get3A_1217 = arith.constant 0 : index
    %get3A_1218 = vector.load %arg1[%get3A_1215, %get3A_1216, %get3A_1217] : memref<1x16x4xf32, #tpu.memory_space<vmem>>, vector<1x1x1xf32>
    %get3A_1219 = vector.extract %get3A_1218[0, 0, 0] : f32 from vector<1x1x1xf32>
    %broadcast_in_dim3A_1220 = vector.broadcast %get3A_1219 : f32 to vector<8x2040xf32>
    %select_n3A_1221 = arith.select %eq3A_1207, %broadcast_in_dim3A_1220, %select_n3A_1183 : vector<8x2040xi1>, vector<8x2040xf32>
    %get3A_1222 = arith.constant 0 : index
    %get3A_1223 = arith.constant 3 : index
    %get3A_1224 = arith.constant 1 : index
    %get3A_1225 = vector.load %arg1[%get3A_1222, %get3A_1223, %get3A_1224] : memref<1x16x4xf32, #tpu.memory_space<vmem>>, vector<1x1x1xf32>
    %get3A_1226 = vector.extract %get3A_1225[0, 0, 0] : f32 from vector<1x1x1xf32>
    %broadcast_in_dim3A_1227 = vector.broadcast %get3A_1226 : f32 to vector<8x2040xf32>
    %select_n3A_1228 = arith.select %eq3A_1207, %broadcast_in_dim3A_1227, %select_n3A_1190 : vector<8x2040xi1>, vector<8x2040xf32>
    %get3A_1229 = arith.constant 0 : index
    %get3A_1230 = arith.constant 3 : index
    %get3A_1231 = arith.constant 2 : index
    %get3A_1232 = vector.load %arg1[%get3A_1229, %get3A_1230, %get3A_1231] : memref<1x16x4xf32, #tpu.memory_space<vmem>>, vector<1x1x1xf32>
    %get3A_1233 = vector.extract %get3A_1232[0, 0, 0] : f32 from vector<1x1x1xf32>
    %broadcast_in_dim3A_1234 = vector.broadcast %get3A_1233 : f32 to vector<8x2040xf32>
    %select_n3A_1235 = arith.select %eq3A_1207, %broadcast_in_dim3A_1234, %select_n3A_1197 : vector<8x2040xi1>, vector<8x2040xf32>
    %get3A_1236 = arith.constant 0 : index
    %get3A_1237 = arith.constant 3 : index
    %get3A_1238 = arith.constant 3 : index
    %get3A_1239 = vector.load %arg1[%get3A_1236, %get3A_1237, %get3A_1238] : memref<1x16x4xf32, #tpu.memory_space<vmem>>, vector<1x1x1xf32>
    %get3A_1240 = vector.extract %get3A_1239[0, 0, 0] : f32 from vector<1x1x1xf32>
    %broadcast_in_dim3A_1241 = vector.broadcast %get3A_1240 : f32 to vector<8x2040xf32>
    %select_n3A_1242 = arith.select %eq3A_1207, %broadcast_in_dim3A_1241, %select_n3A_1204 : vector<8x2040xi1>, vector<8x2040xf32>
    %eq3A_1243 = arith.constant 4 : i32
    %eq3A_1244 = vector.broadcast %eq3A_1243 : i32 to vector<8x2040xi32>
    %eq3A_1245 = arith.cmpi eq, %select_n3A_1064, %eq3A_1244 : vector<8x2040xi32>
    %get3A_1246 = arith.constant 0 : index
    %get3A_1247 = arith.constant 0 : index
    %get3A_1248 = arith.constant 4 : index
    %get3A_1249 = vector.load %arg2[%get3A_1246, %get3A_1247, %get3A_1248] : memref<1x1x16xi32, #tpu.memory_space<vmem>>, vector<1x1x1xi32>
    %get3A_1250 = vector.extract %get3A_1249[0, 0, 0] : i32 from vector<1x1x1xi32>
    %broadcast_in_dim3A_1251 = vector.broadcast %get3A_1250 : i32 to vector<8x2040xi32>
    %select_n3A_1252 = arith.select %eq3A_1245, %broadcast_in_dim3A_1251, %select_n3A_1214 : vector<8x2040xi1>, vector<8x2040xi32>
    %get3A_1253 = arith.constant 0 : index
    %get3A_1254 = arith.constant 4 : index
    %get3A_1255 = arith.constant 0 : index
    %get3A_1256 = vector.load %arg1[%get3A_1253, %get3A_1254, %get3A_1255] : memref<1x16x4xf32, #tpu.memory_space<vmem>>, vector<1x1x1xf32>
    %get3A_1257 = vector.extract %get3A_1256[0, 0, 0] : f32 from vector<1x1x1xf32>
    %broadcast_in_dim3A_1258 = vector.broadcast %get3A_1257 : f32 to vector<8x2040xf32>
    %select_n3A_1259 = arith.select %eq3A_1245, %broadcast_in_dim3A_1258, %select_n3A_1221 : vector<8x2040xi1>, vector<8x2040xf32>
    %get3A_1260 = arith.constant 0 : index
    %get3A_1261 = arith.constant 4 : index
    %get3A_1262 = arith.constant 1 : index
    %get3A_1263 = vector.load %arg1[%get3A_1260, %get3A_1261, %get3A_1262] : memref<1x16x4xf32, #tpu.memory_space<vmem>>, vector<1x1x1xf32>
    %get3A_1264 = vector.extract %get3A_1263[0, 0, 0] : f32 from vector<1x1x1xf32>
    %broadcast_in_dim3A_1265 = vector.broadcast %get3A_1264 : f32 to vector<8x2040xf32>
    %select_n3A_1266 = arith.select %eq3A_1245, %broadcast_in_dim3A_1265, %select_n3A_1228 : vector<8x2040xi1>, vector<8x2040xf32>
    %get3A_1267 = arith.constant 0 : index
    %get3A_1268 = arith.constant 4 : index
    %get3A_1269 = arith.constant 2 : index
    %get3A_1270 = vector.load %arg1[%get3A_1267, %get3A_1268, %get3A_1269] : memref<1x16x4xf32, #tpu.memory_space<vmem>>, vector<1x1x1xf32>
    %get3A_1271 = vector.extract %get3A_1270[0, 0, 0] : f32 from vector<1x1x1xf32>
    %broadcast_in_dim3A_1272 = vector.broadcast %get3A_1271 : f32 to vector<8x2040xf32>
    %select_n3A_1273 = arith.select %eq3A_1245, %broadcast_in_dim3A_1272, %select_n3A_1235 : vector<8x2040xi1>, vector<8x2040xf32>
    %get3A_1274 = arith.constant 0 : index
    %get3A_1275 = arith.constant 4 : index
    %get3A_1276 = arith.constant 3 : index
    %get3A_1277 = vector.load %arg1[%get3A_1274, %get3A_1275, %get3A_1276] : memref<1x16x4xf32, #tpu.memory_space<vmem>>, vector<1x1x1xf32>
    %get3A_1278 = vector.extract %get3A_1277[0, 0, 0] : f32 from vector<1x1x1xf32>
    %broadcast_in_dim3A_1279 = vector.broadcast %get3A_1278 : f32 to vector<8x2040xf32>
    %select_n3A_1280 = arith.select %eq3A_1245, %broadcast_in_dim3A_1279, %select_n3A_1242 : vector<8x2040xi1>, vector<8x2040xf32>
    %eq3A_1281 = arith.constant 5 : i32
    %eq3A_1282 = vector.broadcast %eq3A_1281 : i32 to vector<8x2040xi32>
    %eq3A_1283 = arith.cmpi eq, %select_n3A_1064, %eq3A_1282 : vector<8x2040xi32>
    %get3A_1284 = arith.constant 0 : index
    %get3A_1285 = arith.constant 0 : index
    %get3A_1286 = arith.constant 5 : index
    %get3A_1287 = vector.load %arg2[%get3A_1284, %get3A_1285, %get3A_1286] : memref<1x1x16xi32, #tpu.memory_space<vmem>>, vector<1x1x1xi32>
    %get3A_1288 = vector.extract %get3A_1287[0, 0, 0] : i32 from vector<1x1x1xi32>
    %broadcast_in_dim3A_1289 = vector.broadcast %get3A_1288 : i32 to vector<8x2040xi32>
    %select_n3A_1290 = arith.select %eq3A_1283, %broadcast_in_dim3A_1289, %select_n3A_1252 : vector<8x2040xi1>, vector<8x2040xi32>
    %get3A_1291 = arith.constant 0 : index
    %get3A_1292 = arith.constant 5 : index
    %get3A_1293 = arith.constant 0 : index
    %get3A_1294 = vector.load %arg1[%get3A_1291, %get3A_1292, %get3A_1293] : memref<1x16x4xf32, #tpu.memory_space<vmem>>, vector<1x1x1xf32>
    %get3A_1295 = vector.extract %get3A_1294[0, 0, 0] : f32 from vector<1x1x1xf32>
    %broadcast_in_dim3A_1296 = vector.broadcast %get3A_1295 : f32 to vector<8x2040xf32>
    %select_n3A_1297 = arith.select %eq3A_1283, %broadcast_in_dim3A_1296, %select_n3A_1259 : vector<8x2040xi1>, vector<8x2040xf32>
    %get3A_1298 = arith.constant 0 : index
    %get3A_1299 = arith.constant 5 : index
    %get3A_1300 = arith.constant 1 : index
    %get3A_1301 = vector.load %arg1[%get3A_1298, %get3A_1299, %get3A_1300] : memref<1x16x4xf32, #tpu.memory_space<vmem>>, vector<1x1x1xf32>
    %get3A_1302 = vector.extract %get3A_1301[0, 0, 0] : f32 from vector<1x1x1xf32>
    %broadcast_in_dim3A_1303 = vector.broadcast %get3A_1302 : f32 to vector<8x2040xf32>
    %select_n3A_1304 = arith.select %eq3A_1283, %broadcast_in_dim3A_1303, %select_n3A_1266 : vector<8x2040xi1>, vector<8x2040xf32>
    %get3A_1305 = arith.constant 0 : index
    %get3A_1306 = arith.constant 5 : index
    %get3A_1307 = arith.constant 2 : index
    %get3A_1308 = vector.load %arg1[%get3A_1305, %get3A_1306, %get3A_1307] : memref<1x16x4xf32, #tpu.memory_space<vmem>>, vector<1x1x1xf32>
    %get3A_1309 = vector.extract %get3A_1308[0, 0, 0] : f32 from vector<1x1x1xf32>
    %broadcast_in_dim3A_1310 = vector.broadcast %get3A_1309 : f32 to vector<8x2040xf32>
    %select_n3A_1311 = arith.select %eq3A_1283, %broadcast_in_dim3A_1310, %select_n3A_1273 : vector<8x2040xi1>, vector<8x2040xf32>
    %get3A_1312 = arith.constant 0 : index
    %get3A_1313 = arith.constant 5 : index
    %get3A_1314 = arith.constant 3 : index
    %get3A_1315 = vector.load %arg1[%get3A_1312, %get3A_1313, %get3A_1314] : memref<1x16x4xf32, #tpu.memory_space<vmem>>, vector<1x1x1xf32>
    %get3A_1316 = vector.extract %get3A_1315[0, 0, 0] : f32 from vector<1x1x1xf32>
    %broadcast_in_dim3A_1317 = vector.broadcast %get3A_1316 : f32 to vector<8x2040xf32>
    %select_n3A_1318 = arith.select %eq3A_1283, %broadcast_in_dim3A_1317, %select_n3A_1280 : vector<8x2040xi1>, vector<8x2040xf32>
    %eq3A_1319 = arith.constant 6 : i32
    %eq3A_1320 = vector.broadcast %eq3A_1319 : i32 to vector<8x2040xi32>
    %eq3A_1321 = arith.cmpi eq, %select_n3A_1064, %eq3A_1320 : vector<8x2040xi32>
    %get3A_1322 = arith.constant 0 : index
    %get3A_1323 = arith.constant 0 : index
    %get3A_1324 = arith.constant 6 : index
    %get3A_1325 = vector.load %arg2[%get3A_1322, %get3A_1323, %get3A_1324] : memref<1x1x16xi32, #tpu.memory_space<vmem>>, vector<1x1x1xi32>
    %get3A_1326 = vector.extract %get3A_1325[0, 0, 0] : i32 from vector<1x1x1xi32>
    %broadcast_in_dim3A_1327 = vector.broadcast %get3A_1326 : i32 to vector<8x2040xi32>
    %select_n3A_1328 = arith.select %eq3A_1321, %broadcast_in_dim3A_1327, %select_n3A_1290 : vector<8x2040xi1>, vector<8x2040xi32>
    %get3A_1329 = arith.constant 0 : index
    %get3A_1330 = arith.constant 6 : index
    %get3A_1331 = arith.constant 0 : index
    %get3A_1332 = vector.load %arg1[%get3A_1329, %get3A_1330, %get3A_1331] : memref<1x16x4xf32, #tpu.memory_space<vmem>>, vector<1x1x1xf32>
    %get3A_1333 = vector.extract %get3A_1332[0, 0, 0] : f32 from vector<1x1x1xf32>
    %broadcast_in_dim3A_1334 = vector.broadcast %get3A_1333 : f32 to vector<8x2040xf32>
    %select_n3A_1335 = arith.select %eq3A_1321, %broadcast_in_dim3A_1334, %select_n3A_1297 : vector<8x2040xi1>, vector<8x2040xf32>
    %get3A_1336 = arith.constant 0 : index
    %get3A_1337 = arith.constant 6 : index
    %get3A_1338 = arith.constant 1 : index
    %get3A_1339 = vector.load %arg1[%get3A_1336, %get3A_1337, %get3A_1338] : memref<1x16x4xf32, #tpu.memory_space<vmem>>, vector<1x1x1xf32>
    %get3A_1340 = vector.extract %get3A_1339[0, 0, 0] : f32 from vector<1x1x1xf32>
    %broadcast_in_dim3A_1341 = vector.broadcast %get3A_1340 : f32 to vector<8x2040xf32>
    %select_n3A_1342 = arith.select %eq3A_1321, %broadcast_in_dim3A_1341, %select_n3A_1304 : vector<8x2040xi1>, vector<8x2040xf32>
    %get3A_1343 = arith.constant 0 : index
    %get3A_1344 = arith.constant 6 : index
    %get3A_1345 = arith.constant 2 : index
    %get3A_1346 = vector.load %arg1[%get3A_1343, %get3A_1344, %get3A_1345] : memref<1x16x4xf32, #tpu.memory_space<vmem>>, vector<1x1x1xf32>
    %get3A_1347 = vector.extract %get3A_1346[0, 0, 0] : f32 from vector<1x1x1xf32>
    %broadcast_in_dim3A_1348 = vector.broadcast %get3A_1347 : f32 to vector<8x2040xf32>
    %select_n3A_1349 = arith.select %eq3A_1321, %broadcast_in_dim3A_1348, %select_n3A_1311 : vector<8x2040xi1>, vector<8x2040xf32>
    %get3A_1350 = arith.constant 0 : index
    %get3A_1351 = arith.constant 6 : index
    %get3A_1352 = arith.constant 3 : index
    %get3A_1353 = vector.load %arg1[%get3A_1350, %get3A_1351, %get3A_1352] : memref<1x16x4xf32, #tpu.memory_space<vmem>>, vector<1x1x1xf32>
    %get3A_1354 = vector.extract %get3A_1353[0, 0, 0] : f32 from vector<1x1x1xf32>
    %broadcast_in_dim3A_1355 = vector.broadcast %get3A_1354 : f32 to vector<8x2040xf32>
    %select_n3A_1356 = arith.select %eq3A_1321, %broadcast_in_dim3A_1355, %select_n3A_1318 : vector<8x2040xi1>, vector<8x2040xf32>
    %eq3A_1357 = arith.constant 7 : i32
    %eq3A_1358 = vector.broadcast %eq3A_1357 : i32 to vector<8x2040xi32>
    %eq3A_1359 = arith.cmpi eq, %select_n3A_1064, %eq3A_1358 : vector<8x2040xi32>
    %get3A_1360 = arith.constant 0 : index
    %get3A_1361 = arith.constant 0 : index
    %get3A_1362 = arith.constant 7 : index
    %get3A_1363 = vector.load %arg2[%get3A_1360, %get3A_1361, %get3A_1362] : memref<1x1x16xi32, #tpu.memory_space<vmem>>, vector<1x1x1xi32>
    %get3A_1364 = vector.extract %get3A_1363[0, 0, 0] : i32 from vector<1x1x1xi32>
    %broadcast_in_dim3A_1365 = vector.broadcast %get3A_1364 : i32 to vector<8x2040xi32>
    %select_n3A_1366 = arith.select %eq3A_1359, %broadcast_in_dim3A_1365, %select_n3A_1328 : vector<8x2040xi1>, vector<8x2040xi32>
    %get3A_1367 = arith.constant 0 : index
    %get3A_1368 = arith.constant 7 : index
    %get3A_1369 = arith.constant 0 : index
    %get3A_1370 = vector.load %arg1[%get3A_1367, %get3A_1368, %get3A_1369] : memref<1x16x4xf32, #tpu.memory_space<vmem>>, vector<1x1x1xf32>
    %get3A_1371 = vector.extract %get3A_1370[0, 0, 0] : f32 from vector<1x1x1xf32>
    %broadcast_in_dim3A_1372 = vector.broadcast %get3A_1371 : f32 to vector<8x2040xf32>
    %select_n3A_1373 = arith.select %eq3A_1359, %broadcast_in_dim3A_1372, %select_n3A_1335 : vector<8x2040xi1>, vector<8x2040xf32>
    %get3A_1374 = arith.constant 0 : index
    %get3A_1375 = arith.constant 7 : index
    %get3A_1376 = arith.constant 1 : index
    %get3A_1377 = vector.load %arg1[%get3A_1374, %get3A_1375, %get3A_1376] : memref<1x16x4xf32, #tpu.memory_space<vmem>>, vector<1x1x1xf32>
    %get3A_1378 = vector.extract %get3A_1377[0, 0, 0] : f32 from vector<1x1x1xf32>
    %broadcast_in_dim3A_1379 = vector.broadcast %get3A_1378 : f32 to vector<8x2040xf32>
    %select_n3A_1380 = arith.select %eq3A_1359, %broadcast_in_dim3A_1379, %select_n3A_1342 : vector<8x2040xi1>, vector<8x2040xf32>
    %get3A_1381 = arith.constant 0 : index
    %get3A_1382 = arith.constant 7 : index
    %get3A_1383 = arith.constant 2 : index
    %get3A_1384 = vector.load %arg1[%get3A_1381, %get3A_1382, %get3A_1383] : memref<1x16x4xf32, #tpu.memory_space<vmem>>, vector<1x1x1xf32>
    %get3A_1385 = vector.extract %get3A_1384[0, 0, 0] : f32 from vector<1x1x1xf32>
    %broadcast_in_dim3A_1386 = vector.broadcast %get3A_1385 : f32 to vector<8x2040xf32>
    %select_n3A_1387 = arith.select %eq3A_1359, %broadcast_in_dim3A_1386, %select_n3A_1349 : vector<8x2040xi1>, vector<8x2040xf32>
    %get3A_1388 = arith.constant 0 : index
    %get3A_1389 = arith.constant 7 : index
    %get3A_1390 = arith.constant 3 : index
    %get3A_1391 = vector.load %arg1[%get3A_1388, %get3A_1389, %get3A_1390] : memref<1x16x4xf32, #tpu.memory_space<vmem>>, vector<1x1x1xf32>
    %get3A_1392 = vector.extract %get3A_1391[0, 0, 0] : f32 from vector<1x1x1xf32>
    %broadcast_in_dim3A_1393 = vector.broadcast %get3A_1392 : f32 to vector<8x2040xf32>
    %select_n3A_1394 = arith.select %eq3A_1359, %broadcast_in_dim3A_1393, %select_n3A_1356 : vector<8x2040xi1>, vector<8x2040xf32>
    %eq3A_1395 = arith.constant 8 : i32
    %eq3A_1396 = vector.broadcast %eq3A_1395 : i32 to vector<8x2040xi32>
    %eq3A_1397 = arith.cmpi eq, %select_n3A_1064, %eq3A_1396 : vector<8x2040xi32>
    %get3A_1398 = arith.constant 0 : index
    %get3A_1399 = arith.constant 0 : index
    %get3A_1400 = arith.constant 8 : index
    %get3A_1401 = vector.load %arg2[%get3A_1398, %get3A_1399, %get3A_1400] : memref<1x1x16xi32, #tpu.memory_space<vmem>>, vector<1x1x1xi32>
    %get3A_1402 = vector.extract %get3A_1401[0, 0, 0] : i32 from vector<1x1x1xi32>
    %broadcast_in_dim3A_1403 = vector.broadcast %get3A_1402 : i32 to vector<8x2040xi32>
    %select_n3A_1404 = arith.select %eq3A_1397, %broadcast_in_dim3A_1403, %select_n3A_1366 : vector<8x2040xi1>, vector<8x2040xi32>
    %get3A_1405 = arith.constant 0 : index
    %get3A_1406 = arith.constant 8 : index
    %get3A_1407 = arith.constant 0 : index
    %get3A_1408 = vector.load %arg1[%get3A_1405, %get3A_1406, %get3A_1407] : memref<1x16x4xf32, #tpu.memory_space<vmem>>, vector<1x1x1xf32>
    %get3A_1409 = vector.extract %get3A_1408[0, 0, 0] : f32 from vector<1x1x1xf32>
    %broadcast_in_dim3A_1410 = vector.broadcast %get3A_1409 : f32 to vector<8x2040xf32>
    %select_n3A_1411 = arith.select %eq3A_1397, %broadcast_in_dim3A_1410, %select_n3A_1373 : vector<8x2040xi1>, vector<8x2040xf32>
    %get3A_1412 = arith.constant 0 : index
    %get3A_1413 = arith.constant 8 : index
    %get3A_1414 = arith.constant 1 : index
    %get3A_1415 = vector.load %arg1[%get3A_1412, %get3A_1413, %get3A_1414] : memref<1x16x4xf32, #tpu.memory_space<vmem>>, vector<1x1x1xf32>
    %get3A_1416 = vector.extract %get3A_1415[0, 0, 0] : f32 from vector<1x1x1xf32>
    %broadcast_in_dim3A_1417 = vector.broadcast %get3A_1416 : f32 to vector<8x2040xf32>
    %select_n3A_1418 = arith.select %eq3A_1397, %broadcast_in_dim3A_1417, %select_n3A_1380 : vector<8x2040xi1>, vector<8x2040xf32>
    %get3A_1419 = arith.constant 0 : index
    %get3A_1420 = arith.constant 8 : index
    %get3A_1421 = arith.constant 2 : index
    %get3A_1422 = vector.load %arg1[%get3A_1419, %get3A_1420, %get3A_1421] : memref<1x16x4xf32, #tpu.memory_space<vmem>>, vector<1x1x1xf32>
    %get3A_1423 = vector.extract %get3A_1422[0, 0, 0] : f32 from vector<1x1x1xf32>
    %broadcast_in_dim3A_1424 = vector.broadcast %get3A_1423 : f32 to vector<8x2040xf32>
    %select_n3A_1425 = arith.select %eq3A_1397, %broadcast_in_dim3A_1424, %select_n3A_1387 : vector<8x2040xi1>, vector<8x2040xf32>
    %get3A_1426 = arith.constant 0 : index
    %get3A_1427 = arith.constant 8 : index
    %get3A_1428 = arith.constant 3 : index
    %get3A_1429 = vector.load %arg1[%get3A_1426, %get3A_1427, %get3A_1428] : memref<1x16x4xf32, #tpu.memory_space<vmem>>, vector<1x1x1xf32>
    %get3A_1430 = vector.extract %get3A_1429[0, 0, 0] : f32 from vector<1x1x1xf32>
    %broadcast_in_dim3A_1431 = vector.broadcast %get3A_1430 : f32 to vector<8x2040xf32>
    %select_n3A_1432 = arith.select %eq3A_1397, %broadcast_in_dim3A_1431, %select_n3A_1394 : vector<8x2040xi1>, vector<8x2040xf32>
    %eq3A_1433 = arith.constant 9 : i32
    %eq3A_1434 = vector.broadcast %eq3A_1433 : i32 to vector<8x2040xi32>
    %eq3A_1435 = arith.cmpi eq, %select_n3A_1064, %eq3A_1434 : vector<8x2040xi32>
    %get3A_1436 = arith.constant 0 : index
    %get3A_1437 = arith.constant 0 : index
    %get3A_1438 = arith.constant 9 : index
    %get3A_1439 = vector.load %arg2[%get3A_1436, %get3A_1437, %get3A_1438] : memref<1x1x16xi32, #tpu.memory_space<vmem>>, vector<1x1x1xi32>
    %get3A_1440 = vector.extract %get3A_1439[0, 0, 0] : i32 from vector<1x1x1xi32>
    %broadcast_in_dim3A_1441 = vector.broadcast %get3A_1440 : i32 to vector<8x2040xi32>
    %select_n3A_1442 = arith.select %eq3A_1435, %broadcast_in_dim3A_1441, %select_n3A_1404 : vector<8x2040xi1>, vector<8x2040xi32>
    %get3A_1443 = arith.constant 0 : index
    %get3A_1444 = arith.constant 9 : index
    %get3A_1445 = arith.constant 0 : index
    %get3A_1446 = vector.load %arg1[%get3A_1443, %get3A_1444, %get3A_1445] : memref<1x16x4xf32, #tpu.memory_space<vmem>>, vector<1x1x1xf32>
    %get3A_1447 = vector.extract %get3A_1446[0, 0, 0] : f32 from vector<1x1x1xf32>
    %broadcast_in_dim3A_1448 = vector.broadcast %get3A_1447 : f32 to vector<8x2040xf32>
    %select_n3A_1449 = arith.select %eq3A_1435, %broadcast_in_dim3A_1448, %select_n3A_1411 : vector<8x2040xi1>, vector<8x2040xf32>
    %get3A_1450 = arith.constant 0 : index
    %get3A_1451 = arith.constant 9 : index
    %get3A_1452 = arith.constant 1 : index
    %get3A_1453 = vector.load %arg1[%get3A_1450, %get3A_1451, %get3A_1452] : memref<1x16x4xf32, #tpu.memory_space<vmem>>, vector<1x1x1xf32>
    %get3A_1454 = vector.extract %get3A_1453[0, 0, 0] : f32 from vector<1x1x1xf32>
    %broadcast_in_dim3A_1455 = vector.broadcast %get3A_1454 : f32 to vector<8x2040xf32>
    %select_n3A_1456 = arith.select %eq3A_1435, %broadcast_in_dim3A_1455, %select_n3A_1418 : vector<8x2040xi1>, vector<8x2040xf32>
    %get3A_1457 = arith.constant 0 : index
    %get3A_1458 = arith.constant 9 : index
    %get3A_1459 = arith.constant 2 : index
    %get3A_1460 = vector.load %arg1[%get3A_1457, %get3A_1458, %get3A_1459] : memref<1x16x4xf32, #tpu.memory_space<vmem>>, vector<1x1x1xf32>
    %get3A_1461 = vector.extract %get3A_1460[0, 0, 0] : f32 from vector<1x1x1xf32>
    %broadcast_in_dim3A_1462 = vector.broadcast %get3A_1461 : f32 to vector<8x2040xf32>
    %select_n3A_1463 = arith.select %eq3A_1435, %broadcast_in_dim3A_1462, %select_n3A_1425 : vector<8x2040xi1>, vector<8x2040xf32>
    %get3A_1464 = arith.constant 0 : index
    %get3A_1465 = arith.constant 9 : index
    %get3A_1466 = arith.constant 3 : index
    %get3A_1467 = vector.load %arg1[%get3A_1464, %get3A_1465, %get3A_1466] : memref<1x16x4xf32, #tpu.memory_space<vmem>>, vector<1x1x1xf32>
    %get3A_1468 = vector.extract %get3A_1467[0, 0, 0] : f32 from vector<1x1x1xf32>
    %broadcast_in_dim3A_1469 = vector.broadcast %get3A_1468 : f32 to vector<8x2040xf32>
    %select_n3A_1470 = arith.select %eq3A_1435, %broadcast_in_dim3A_1469, %select_n3A_1432 : vector<8x2040xi1>, vector<8x2040xf32>
    %eq3A_1471 = arith.constant 10 : i32
    %eq3A_1472 = vector.broadcast %eq3A_1471 : i32 to vector<8x2040xi32>
    %eq3A_1473 = arith.cmpi eq, %select_n3A_1064, %eq3A_1472 : vector<8x2040xi32>
    %get3A_1474 = arith.constant 0 : index
    %get3A_1475 = arith.constant 0 : index
    %get3A_1476 = arith.constant 10 : index
    %get3A_1477 = vector.load %arg2[%get3A_1474, %get3A_1475, %get3A_1476] : memref<1x1x16xi32, #tpu.memory_space<vmem>>, vector<1x1x1xi32>
    %get3A_1478 = vector.extract %get3A_1477[0, 0, 0] : i32 from vector<1x1x1xi32>
    %broadcast_in_dim3A_1479 = vector.broadcast %get3A_1478 : i32 to vector<8x2040xi32>
    %select_n3A_1480 = arith.select %eq3A_1473, %broadcast_in_dim3A_1479, %select_n3A_1442 : vector<8x2040xi1>, vector<8x2040xi32>
    %get3A_1481 = arith.constant 0 : index
    %get3A_1482 = arith.constant 10 : index
    %get3A_1483 = arith.constant 0 : index
    %get3A_1484 = vector.load %arg1[%get3A_1481, %get3A_1482, %get3A_1483] : memref<1x16x4xf32, #tpu.memory_space<vmem>>, vector<1x1x1xf32>
    %get3A_1485 = vector.extract %get3A_1484[0, 0, 0] : f32 from vector<1x1x1xf32>
    %broadcast_in_dim3A_1486 = vector.broadcast %get3A_1485 : f32 to vector<8x2040xf32>
    %select_n3A_1487 = arith.select %eq3A_1473, %broadcast_in_dim3A_1486, %select_n3A_1449 : vector<8x2040xi1>, vector<8x2040xf32>
    %get3A_1488 = arith.constant 0 : index
    %get3A_1489 = arith.constant 10 : index
    %get3A_1490 = arith.constant 1 : index
    %get3A_1491 = vector.load %arg1[%get3A_1488, %get3A_1489, %get3A_1490] : memref<1x16x4xf32, #tpu.memory_space<vmem>>, vector<1x1x1xf32>
    %get3A_1492 = vector.extract %get3A_1491[0, 0, 0] : f32 from vector<1x1x1xf32>
    %broadcast_in_dim3A_1493 = vector.broadcast %get3A_1492 : f32 to vector<8x2040xf32>
    %select_n3A_1494 = arith.select %eq3A_1473, %broadcast_in_dim3A_1493, %select_n3A_1456 : vector<8x2040xi1>, vector<8x2040xf32>
    %get3A_1495 = arith.constant 0 : index
    %get3A_1496 = arith.constant 10 : index
    %get3A_1497 = arith.constant 2 : index
    %get3A_1498 = vector.load %arg1[%get3A_1495, %get3A_1496, %get3A_1497] : memref<1x16x4xf32, #tpu.memory_space<vmem>>, vector<1x1x1xf32>
    %get3A_1499 = vector.extract %get3A_1498[0, 0, 0] : f32 from vector<1x1x1xf32>
    %broadcast_in_dim3A_1500 = vector.broadcast %get3A_1499 : f32 to vector<8x2040xf32>
    %select_n3A_1501 = arith.select %eq3A_1473, %broadcast_in_dim3A_1500, %select_n3A_1463 : vector<8x2040xi1>, vector<8x2040xf32>
    %get3A_1502 = arith.constant 0 : index
    %get3A_1503 = arith.constant 10 : index
    %get3A_1504 = arith.constant 3 : index
    %get3A_1505 = vector.load %arg1[%get3A_1502, %get3A_1503, %get3A_1504] : memref<1x16x4xf32, #tpu.memory_space<vmem>>, vector<1x1x1xf32>
    %get3A_1506 = vector.extract %get3A_1505[0, 0, 0] : f32 from vector<1x1x1xf32>
    %broadcast_in_dim3A_1507 = vector.broadcast %get3A_1506 : f32 to vector<8x2040xf32>
    %select_n3A_1508 = arith.select %eq3A_1473, %broadcast_in_dim3A_1507, %select_n3A_1470 : vector<8x2040xi1>, vector<8x2040xf32>
    %eq3A_1509 = arith.constant 11 : i32
    %eq3A_1510 = vector.broadcast %eq3A_1509 : i32 to vector<8x2040xi32>
    %eq3A_1511 = arith.cmpi eq, %select_n3A_1064, %eq3A_1510 : vector<8x2040xi32>
    %get3A_1512 = arith.constant 0 : index
    %get3A_1513 = arith.constant 0 : index
    %get3A_1514 = arith.constant 11 : index
    %get3A_1515 = vector.load %arg2[%get3A_1512, %get3A_1513, %get3A_1514] : memref<1x1x16xi32, #tpu.memory_space<vmem>>, vector<1x1x1xi32>
    %get3A_1516 = vector.extract %get3A_1515[0, 0, 0] : i32 from vector<1x1x1xi32>
    %broadcast_in_dim3A_1517 = vector.broadcast %get3A_1516 : i32 to vector<8x2040xi32>
    %select_n3A_1518 = arith.select %eq3A_1511, %broadcast_in_dim3A_1517, %select_n3A_1480 : vector<8x2040xi1>, vector<8x2040xi32>
    %get3A_1519 = arith.constant 0 : index
    %get3A_1520 = arith.constant 11 : index
    %get3A_1521 = arith.constant 0 : index
    %get3A_1522 = vector.load %arg1[%get3A_1519, %get3A_1520, %get3A_1521] : memref<1x16x4xf32, #tpu.memory_space<vmem>>, vector<1x1x1xf32>
    %get3A_1523 = vector.extract %get3A_1522[0, 0, 0] : f32 from vector<1x1x1xf32>
    %broadcast_in_dim3A_1524 = vector.broadcast %get3A_1523 : f32 to vector<8x2040xf32>
    %select_n3A_1525 = arith.select %eq3A_1511, %broadcast_in_dim3A_1524, %select_n3A_1487 : vector<8x2040xi1>, vector<8x2040xf32>
    %get3A_1526 = arith.constant 0 : index
    %get3A_1527 = arith.constant 11 : index
    %get3A_1528 = arith.constant 1 : index
    %get3A_1529 = vector.load %arg1[%get3A_1526, %get3A_1527, %get3A_1528] : memref<1x16x4xf32, #tpu.memory_space<vmem>>, vector<1x1x1xf32>
    %get3A_1530 = vector.extract %get3A_1529[0, 0, 0] : f32 from vector<1x1x1xf32>
    %broadcast_in_dim3A_1531 = vector.broadcast %get3A_1530 : f32 to vector<8x2040xf32>
    %select_n3A_1532 = arith.select %eq3A_1511, %broadcast_in_dim3A_1531, %select_n3A_1494 : vector<8x2040xi1>, vector<8x2040xf32>
    %get3A_1533 = arith.constant 0 : index
    %get3A_1534 = arith.constant 11 : index
    %get3A_1535 = arith.constant 2 : index
    %get3A_1536 = vector.load %arg1[%get3A_1533, %get3A_1534, %get3A_1535] : memref<1x16x4xf32, #tpu.memory_space<vmem>>, vector<1x1x1xf32>
    %get3A_1537 = vector.extract %get3A_1536[0, 0, 0] : f32 from vector<1x1x1xf32>
    %broadcast_in_dim3A_1538 = vector.broadcast %get3A_1537 : f32 to vector<8x2040xf32>
    %select_n3A_1539 = arith.select %eq3A_1511, %broadcast_in_dim3A_1538, %select_n3A_1501 : vector<8x2040xi1>, vector<8x2040xf32>
    %get3A_1540 = arith.constant 0 : index
    %get3A_1541 = arith.constant 11 : index
    %get3A_1542 = arith.constant 3 : index
    %get3A_1543 = vector.load %arg1[%get3A_1540, %get3A_1541, %get3A_1542] : memref<1x16x4xf32, #tpu.memory_space<vmem>>, vector<1x1x1xf32>
    %get3A_1544 = vector.extract %get3A_1543[0, 0, 0] : f32 from vector<1x1x1xf32>
    %broadcast_in_dim3A_1545 = vector.broadcast %get3A_1544 : f32 to vector<8x2040xf32>
    %select_n3A_1546 = arith.select %eq3A_1511, %broadcast_in_dim3A_1545, %select_n3A_1508 : vector<8x2040xi1>, vector<8x2040xf32>
    %eq3A_1547 = arith.constant 12 : i32
    %eq3A_1548 = vector.broadcast %eq3A_1547 : i32 to vector<8x2040xi32>
    %eq3A_1549 = arith.cmpi eq, %select_n3A_1064, %eq3A_1548 : vector<8x2040xi32>
    %get3A_1550 = arith.constant 0 : index
    %get3A_1551 = arith.constant 0 : index
    %get3A_1552 = arith.constant 12 : index
    %get3A_1553 = vector.load %arg2[%get3A_1550, %get3A_1551, %get3A_1552] : memref<1x1x16xi32, #tpu.memory_space<vmem>>, vector<1x1x1xi32>
    %get3A_1554 = vector.extract %get3A_1553[0, 0, 0] : i32 from vector<1x1x1xi32>
    %broadcast_in_dim3A_1555 = vector.broadcast %get3A_1554 : i32 to vector<8x2040xi32>
    %select_n3A_1556 = arith.select %eq3A_1549, %broadcast_in_dim3A_1555, %select_n3A_1518 : vector<8x2040xi1>, vector<8x2040xi32>
    %get3A_1557 = arith.constant 0 : index
    %get3A_1558 = arith.constant 12 : index
    %get3A_1559 = arith.constant 0 : index
    %get3A_1560 = vector.load %arg1[%get3A_1557, %get3A_1558, %get3A_1559] : memref<1x16x4xf32, #tpu.memory_space<vmem>>, vector<1x1x1xf32>
    %get3A_1561 = vector.extract %get3A_1560[0, 0, 0] : f32 from vector<1x1x1xf32>
    %broadcast_in_dim3A_1562 = vector.broadcast %get3A_1561 : f32 to vector<8x2040xf32>
    %select_n3A_1563 = arith.select %eq3A_1549, %broadcast_in_dim3A_1562, %select_n3A_1525 : vector<8x2040xi1>, vector<8x2040xf32>
    %get3A_1564 = arith.constant 0 : index
    %get3A_1565 = arith.constant 12 : index
    %get3A_1566 = arith.constant 1 : index
    %get3A_1567 = vector.load %arg1[%get3A_1564, %get3A_1565, %get3A_1566] : memref<1x16x4xf32, #tpu.memory_space<vmem>>, vector<1x1x1xf32>
    %get3A_1568 = vector.extract %get3A_1567[0, 0, 0] : f32 from vector<1x1x1xf32>
    %broadcast_in_dim3A_1569 = vector.broadcast %get3A_1568 : f32 to vector<8x2040xf32>
    %select_n3A_1570 = arith.select %eq3A_1549, %broadcast_in_dim3A_1569, %select_n3A_1532 : vector<8x2040xi1>, vector<8x2040xf32>
    %get3A_1571 = arith.constant 0 : index
    %get3A_1572 = arith.constant 12 : index
    %get3A_1573 = arith.constant 2 : index
    %get3A_1574 = vector.load %arg1[%get3A_1571, %get3A_1572, %get3A_1573] : memref<1x16x4xf32, #tpu.memory_space<vmem>>, vector<1x1x1xf32>
    %get3A_1575 = vector.extract %get3A_1574[0, 0, 0] : f32 from vector<1x1x1xf32>
    %broadcast_in_dim3A_1576 = vector.broadcast %get3A_1575 : f32 to vector<8x2040xf32>
    %select_n3A_1577 = arith.select %eq3A_1549, %broadcast_in_dim3A_1576, %select_n3A_1539 : vector<8x2040xi1>, vector<8x2040xf32>
    %get3A_1578 = arith.constant 0 : index
    %get3A_1579 = arith.constant 12 : index
    %get3A_1580 = arith.constant 3 : index
    %get3A_1581 = vector.load %arg1[%get3A_1578, %get3A_1579, %get3A_1580] : memref<1x16x4xf32, #tpu.memory_space<vmem>>, vector<1x1x1xf32>
    %get3A_1582 = vector.extract %get3A_1581[0, 0, 0] : f32 from vector<1x1x1xf32>
    %broadcast_in_dim3A_1583 = vector.broadcast %get3A_1582 : f32 to vector<8x2040xf32>
    %select_n3A_1584 = arith.select %eq3A_1549, %broadcast_in_dim3A_1583, %select_n3A_1546 : vector<8x2040xi1>, vector<8x2040xf32>
    %eq3A_1585 = arith.constant 13 : i32
    %eq3A_1586 = vector.broadcast %eq3A_1585 : i32 to vector<8x2040xi32>
    %eq3A_1587 = arith.cmpi eq, %select_n3A_1064, %eq3A_1586 : vector<8x2040xi32>
    %get3A_1588 = arith.constant 0 : index
    %get3A_1589 = arith.constant 0 : index
    %get3A_1590 = arith.constant 13 : index
    %get3A_1591 = vector.load %arg2[%get3A_1588, %get3A_1589, %get3A_1590] : memref<1x1x16xi32, #tpu.memory_space<vmem>>, vector<1x1x1xi32>
    %get3A_1592 = vector.extract %get3A_1591[0, 0, 0] : i32 from vector<1x1x1xi32>
    %broadcast_in_dim3A_1593 = vector.broadcast %get3A_1592 : i32 to vector<8x2040xi32>
    %select_n3A_1594 = arith.select %eq3A_1587, %broadcast_in_dim3A_1593, %select_n3A_1556 : vector<8x2040xi1>, vector<8x2040xi32>
    %get3A_1595 = arith.constant 0 : index
    %get3A_1596 = arith.constant 13 : index
    %get3A_1597 = arith.constant 0 : index
    %get3A_1598 = vector.load %arg1[%get3A_1595, %get3A_1596, %get3A_1597] : memref<1x16x4xf32, #tpu.memory_space<vmem>>, vector<1x1x1xf32>
    %get3A_1599 = vector.extract %get3A_1598[0, 0, 0] : f32 from vector<1x1x1xf32>
    %broadcast_in_dim3A_1600 = vector.broadcast %get3A_1599 : f32 to vector<8x2040xf32>
    %select_n3A_1601 = arith.select %eq3A_1587, %broadcast_in_dim3A_1600, %select_n3A_1563 : vector<8x2040xi1>, vector<8x2040xf32>
    %get3A_1602 = arith.constant 0 : index
    %get3A_1603 = arith.constant 13 : index
    %get3A_1604 = arith.constant 1 : index
    %get3A_1605 = vector.load %arg1[%get3A_1602, %get3A_1603, %get3A_1604] : memref<1x16x4xf32, #tpu.memory_space<vmem>>, vector<1x1x1xf32>
    %get3A_1606 = vector.extract %get3A_1605[0, 0, 0] : f32 from vector<1x1x1xf32>
    %broadcast_in_dim3A_1607 = vector.broadcast %get3A_1606 : f32 to vector<8x2040xf32>
    %select_n3A_1608 = arith.select %eq3A_1587, %broadcast_in_dim3A_1607, %select_n3A_1570 : vector<8x2040xi1>, vector<8x2040xf32>
    %get3A_1609 = arith.constant 0 : index
    %get3A_1610 = arith.constant 13 : index
    %get3A_1611 = arith.constant 2 : index
    %get3A_1612 = vector.load %arg1[%get3A_1609, %get3A_1610, %get3A_1611] : memref<1x16x4xf32, #tpu.memory_space<vmem>>, vector<1x1x1xf32>
    %get3A_1613 = vector.extract %get3A_1612[0, 0, 0] : f32 from vector<1x1x1xf32>
    %broadcast_in_dim3A_1614 = vector.broadcast %get3A_1613 : f32 to vector<8x2040xf32>
    %select_n3A_1615 = arith.select %eq3A_1587, %broadcast_in_dim3A_1614, %select_n3A_1577 : vector<8x2040xi1>, vector<8x2040xf32>
    %get3A_1616 = arith.constant 0 : index
    %get3A_1617 = arith.constant 13 : index
    %get3A_1618 = arith.constant 3 : index
    %get3A_1619 = vector.load %arg1[%get3A_1616, %get3A_1617, %get3A_1618] : memref<1x16x4xf32, #tpu.memory_space<vmem>>, vector<1x1x1xf32>
    %get3A_1620 = vector.extract %get3A_1619[0, 0, 0] : f32 from vector<1x1x1xf32>
    %broadcast_in_dim3A_1621 = vector.broadcast %get3A_1620 : f32 to vector<8x2040xf32>
    %select_n3A_1622 = arith.select %eq3A_1587, %broadcast_in_dim3A_1621, %select_n3A_1584 : vector<8x2040xi1>, vector<8x2040xf32>
    %eq3A_1623 = arith.constant 14 : i32
    %eq3A_1624 = vector.broadcast %eq3A_1623 : i32 to vector<8x2040xi32>
    %eq3A_1625 = arith.cmpi eq, %select_n3A_1064, %eq3A_1624 : vector<8x2040xi32>
    %get3A_1626 = arith.constant 0 : index
    %get3A_1627 = arith.constant 0 : index
    %get3A_1628 = arith.constant 14 : index
    %get3A_1629 = vector.load %arg2[%get3A_1626, %get3A_1627, %get3A_1628] : memref<1x1x16xi32, #tpu.memory_space<vmem>>, vector<1x1x1xi32>
    %get3A_1630 = vector.extract %get3A_1629[0, 0, 0] : i32 from vector<1x1x1xi32>
    %broadcast_in_dim3A_1631 = vector.broadcast %get3A_1630 : i32 to vector<8x2040xi32>
    %select_n3A_1632 = arith.select %eq3A_1625, %broadcast_in_dim3A_1631, %select_n3A_1594 : vector<8x2040xi1>, vector<8x2040xi32>
    %get3A_1633 = arith.constant 0 : index
    %get3A_1634 = arith.constant 14 : index
    %get3A_1635 = arith.constant 0 : index
    %get3A_1636 = vector.load %arg1[%get3A_1633, %get3A_1634, %get3A_1635] : memref<1x16x4xf32, #tpu.memory_space<vmem>>, vector<1x1x1xf32>
    %get3A_1637 = vector.extract %get3A_1636[0, 0, 0] : f32 from vector<1x1x1xf32>
    %broadcast_in_dim3A_1638 = vector.broadcast %get3A_1637 : f32 to vector<8x2040xf32>
    %select_n3A_1639 = arith.select %eq3A_1625, %broadcast_in_dim3A_1638, %select_n3A_1601 : vector<8x2040xi1>, vector<8x2040xf32>
    %get3A_1640 = arith.constant 0 : index
    %get3A_1641 = arith.constant 14 : index
    %get3A_1642 = arith.constant 1 : index
    %get3A_1643 = vector.load %arg1[%get3A_1640, %get3A_1641, %get3A_1642] : memref<1x16x4xf32, #tpu.memory_space<vmem>>, vector<1x1x1xf32>
    %get3A_1644 = vector.extract %get3A_1643[0, 0, 0] : f32 from vector<1x1x1xf32>
    %broadcast_in_dim3A_1645 = vector.broadcast %get3A_1644 : f32 to vector<8x2040xf32>
    %select_n3A_1646 = arith.select %eq3A_1625, %broadcast_in_dim3A_1645, %select_n3A_1608 : vector<8x2040xi1>, vector<8x2040xf32>
    %get3A_1647 = arith.constant 0 : index
    %get3A_1648 = arith.constant 14 : index
    %get3A_1649 = arith.constant 2 : index
    %get3A_1650 = vector.load %arg1[%get3A_1647, %get3A_1648, %get3A_1649] : memref<1x16x4xf32, #tpu.memory_space<vmem>>, vector<1x1x1xf32>
    %get3A_1651 = vector.extract %get3A_1650[0, 0, 0] : f32 from vector<1x1x1xf32>
    %broadcast_in_dim3A_1652 = vector.broadcast %get3A_1651 : f32 to vector<8x2040xf32>
    %select_n3A_1653 = arith.select %eq3A_1625, %broadcast_in_dim3A_1652, %select_n3A_1615 : vector<8x2040xi1>, vector<8x2040xf32>
    %get3A_1654 = arith.constant 0 : index
    %get3A_1655 = arith.constant 14 : index
    %get3A_1656 = arith.constant 3 : index
    %get3A_1657 = vector.load %arg1[%get3A_1654, %get3A_1655, %get3A_1656] : memref<1x16x4xf32, #tpu.memory_space<vmem>>, vector<1x1x1xf32>
    %get3A_1658 = vector.extract %get3A_1657[0, 0, 0] : f32 from vector<1x1x1xf32>
    %broadcast_in_dim3A_1659 = vector.broadcast %get3A_1658 : f32 to vector<8x2040xf32>
    %select_n3A_1660 = arith.select %eq3A_1625, %broadcast_in_dim3A_1659, %select_n3A_1622 : vector<8x2040xi1>, vector<8x2040xf32>
    %eq3A_1661 = arith.constant 15 : i32
    %eq3A_1662 = vector.broadcast %eq3A_1661 : i32 to vector<8x2040xi32>
    %eq3A_1663 = arith.cmpi eq, %select_n3A_1064, %eq3A_1662 : vector<8x2040xi32>
    %get3A_1664 = arith.constant 0 : index
    %get3A_1665 = arith.constant 0 : index
    %get3A_1666 = arith.constant 15 : index
    %get3A_1667 = vector.load %arg2[%get3A_1664, %get3A_1665, %get3A_1666] : memref<1x1x16xi32, #tpu.memory_space<vmem>>, vector<1x1x1xi32>
    %get3A_1668 = vector.extract %get3A_1667[0, 0, 0] : i32 from vector<1x1x1xi32>
    %broadcast_in_dim3A_1669 = vector.broadcast %get3A_1668 : i32 to vector<8x2040xi32>
    %select_n3A_1670 = arith.select %eq3A_1663, %broadcast_in_dim3A_1669, %select_n3A_1632 : vector<8x2040xi1>, vector<8x2040xi32>
    %get3A_1671 = arith.constant 0 : index
    %get3A_1672 = arith.constant 15 : index
    %get3A_1673 = arith.constant 0 : index
    %get3A_1674 = vector.load %arg1[%get3A_1671, %get3A_1672, %get3A_1673] : memref<1x16x4xf32, #tpu.memory_space<vmem>>, vector<1x1x1xf32>
    %get3A_1675 = vector.extract %get3A_1674[0, 0, 0] : f32 from vector<1x1x1xf32>
    %broadcast_in_dim3A_1676 = vector.broadcast %get3A_1675 : f32 to vector<8x2040xf32>
    %select_n3A_1677 = arith.select %eq3A_1663, %broadcast_in_dim3A_1676, %select_n3A_1639 : vector<8x2040xi1>, vector<8x2040xf32>
    %get3A_1678 = arith.constant 0 : index
    %get3A_1679 = arith.constant 15 : index
    %get3A_1680 = arith.constant 1 : index
    %get3A_1681 = vector.load %arg1[%get3A_1678, %get3A_1679, %get3A_1680] : memref<1x16x4xf32, #tpu.memory_space<vmem>>, vector<1x1x1xf32>
    %get3A_1682 = vector.extract %get3A_1681[0, 0, 0] : f32 from vector<1x1x1xf32>
    %broadcast_in_dim3A_1683 = vector.broadcast %get3A_1682 : f32 to vector<8x2040xf32>
    %select_n3A_1684 = arith.select %eq3A_1663, %broadcast_in_dim3A_1683, %select_n3A_1646 : vector<8x2040xi1>, vector<8x2040xf32>
    %get3A_1685 = arith.constant 0 : index
    %get3A_1686 = arith.constant 15 : index
    %get3A_1687 = arith.constant 2 : index
    %get3A_1688 = vector.load %arg1[%get3A_1685, %get3A_1686, %get3A_1687] : memref<1x16x4xf32, #tpu.memory_space<vmem>>, vector<1x1x1xf32>
    %get3A_1689 = vector.extract %get3A_1688[0, 0, 0] : f32 from vector<1x1x1xf32>
    %broadcast_in_dim3A_1690 = vector.broadcast %get3A_1689 : f32 to vector<8x2040xf32>
    %select_n3A_1691 = arith.select %eq3A_1663, %broadcast_in_dim3A_1690, %select_n3A_1653 : vector<8x2040xi1>, vector<8x2040xf32>
    %get3A_1692 = arith.constant 0 : index
    %get3A_1693 = arith.constant 15 : index
    %get3A_1694 = arith.constant 3 : index
    %get3A_1695 = vector.load %arg1[%get3A_1692, %get3A_1693, %get3A_1694] : memref<1x16x4xf32, #tpu.memory_space<vmem>>, vector<1x1x1xf32>
    %get3A_1696 = vector.extract %get3A_1695[0, 0, 0] : f32 from vector<1x1x1xf32>
    %broadcast_in_dim3A_1697 = vector.broadcast %get3A_1696 : f32 to vector<8x2040xf32>
    %select_n3A_1698 = arith.select %eq3A_1663, %broadcast_in_dim3A_1697, %select_n3A_1660 : vector<8x2040xi1>, vector<8x2040xf32>
    %lt3A = arith.constant 5.000000e-01 : f32
    %lt3A_1699 = vector.broadcast %lt3A : f32 to vector<8x2040xf32>
    %lt3A_1700 = arith.cmpf olt, %max3A_1065, %lt3A_1699 : vector<8x2040xf32>
    %jit3A_1701 = arith.constant 0 : i32
    %broadcast_in_dim3A_1702 = vector.broadcast %jit3A_1701 : i32 to vector<8x2040xi32>
    %select_n3A_1703 = arith.select %lt3A_1700, %broadcast_in_dim3A_1702, %select_n3A_1670 : vector<8x2040xi1>, vector<8x2040xi32>
    %eq3A_1704 = vector.broadcast %reduce_min3A_120 : i32 to vector<8x2040xi32>
    %eq3A_1705 = arith.cmpi eq, %add3A_62, %eq3A_1704 : vector<8x2040xi32>
    %get3A_1706 = arith.constant 0 : index
    %get3A_1707 = arith.constant 0 : index
    %get3A_1708 = arith.constant 0 : index
    %get3A_1709 = vector.load %arg2[%get3A_1706, %get3A_1707, %get3A_1708] : memref<1x1x16xi32, #tpu.memory_space<vmem>>, vector<1x1x1xi32>
    %get3A_1710 = vector.extract %get3A_1709[0, 0, 0] : i32 from vector<1x1x1xi32>
    %broadcast_in_dim3A_1711 = vector.broadcast %get3A_1710 : i32 to vector<8x2040xi32>
    %select_n3A_1712 = arith.select %eq3A_1705, %broadcast_in_dim3A_1711, %select_n3A_1703 : vector<8x2040xi1>, vector<8x2040xi32>
    %get3A_1713 = arith.constant 0 : index
    %get3A_1714 = arith.constant 0 : index
    %get3A_1715 = arith.constant 0 : index
    %get3A_1716 = vector.load %arg1[%get3A_1713, %get3A_1714, %get3A_1715] : memref<1x16x4xf32, #tpu.memory_space<vmem>>, vector<1x1x1xf32>
    %get3A_1717 = vector.extract %get3A_1716[0, 0, 0] : f32 from vector<1x1x1xf32>
    %broadcast_in_dim3A_1718 = vector.broadcast %get3A_1717 : f32 to vector<8x2040xf32>
    %select_n3A_1719 = arith.select %eq3A_1705, %broadcast_in_dim3A_1718, %select_n3A_1677 : vector<8x2040xi1>, vector<8x2040xf32>
    %get3A_1720 = arith.constant 0 : index
    %get3A_1721 = arith.constant 0 : index
    %get3A_1722 = arith.constant 1 : index
    %get3A_1723 = vector.load %arg1[%get3A_1720, %get3A_1721, %get3A_1722] : memref<1x16x4xf32, #tpu.memory_space<vmem>>, vector<1x1x1xf32>
    %get3A_1724 = vector.extract %get3A_1723[0, 0, 0] : f32 from vector<1x1x1xf32>
    %broadcast_in_dim3A_1725 = vector.broadcast %get3A_1724 : f32 to vector<8x2040xf32>
    %select_n3A_1726 = arith.select %eq3A_1705, %broadcast_in_dim3A_1725, %select_n3A_1684 : vector<8x2040xi1>, vector<8x2040xf32>
    %get3A_1727 = arith.constant 0 : index
    %get3A_1728 = arith.constant 0 : index
    %get3A_1729 = arith.constant 2 : index
    %get3A_1730 = vector.load %arg1[%get3A_1727, %get3A_1728, %get3A_1729] : memref<1x16x4xf32, #tpu.memory_space<vmem>>, vector<1x1x1xf32>
    %get3A_1731 = vector.extract %get3A_1730[0, 0, 0] : f32 from vector<1x1x1xf32>
    %broadcast_in_dim3A_1732 = vector.broadcast %get3A_1731 : f32 to vector<8x2040xf32>
    %select_n3A_1733 = arith.select %eq3A_1705, %broadcast_in_dim3A_1732, %select_n3A_1691 : vector<8x2040xi1>, vector<8x2040xf32>
    %get3A_1734 = arith.constant 0 : index
    %get3A_1735 = arith.constant 0 : index
    %get3A_1736 = arith.constant 3 : index
    %get3A_1737 = vector.load %arg1[%get3A_1734, %get3A_1735, %get3A_1736] : memref<1x16x4xf32, #tpu.memory_space<vmem>>, vector<1x1x1xf32>
    %get3A_1738 = vector.extract %get3A_1737[0, 0, 0] : f32 from vector<1x1x1xf32>
    %broadcast_in_dim3A_1739 = vector.broadcast %get3A_1738 : f32 to vector<8x2040xf32>
    %select_n3A_1740 = arith.select %eq3A_1705, %broadcast_in_dim3A_1739, %select_n3A_1698 : vector<8x2040xi1>, vector<8x2040xf32>
    %eq3A_1741 = vector.broadcast %reduce_min3A_184 : i32 to vector<8x2040xi32>
    %eq3A_1742 = arith.cmpi eq, %add3A_62, %eq3A_1741 : vector<8x2040xi32>
    %get3A_1743 = arith.constant 0 : index
    %get3A_1744 = arith.constant 0 : index
    %get3A_1745 = arith.constant 1 : index
    %get3A_1746 = vector.load %arg2[%get3A_1743, %get3A_1744, %get3A_1745] : memref<1x1x16xi32, #tpu.memory_space<vmem>>, vector<1x1x1xi32>
    %get3A_1747 = vector.extract %get3A_1746[0, 0, 0] : i32 from vector<1x1x1xi32>
    %broadcast_in_dim3A_1748 = vector.broadcast %get3A_1747 : i32 to vector<8x2040xi32>
    %select_n3A_1749 = arith.select %eq3A_1742, %broadcast_in_dim3A_1748, %select_n3A_1712 : vector<8x2040xi1>, vector<8x2040xi32>
    %get3A_1750 = arith.constant 0 : index
    %get3A_1751 = arith.constant 1 : index
    %get3A_1752 = arith.constant 0 : index
    %get3A_1753 = vector.load %arg1[%get3A_1750, %get3A_1751, %get3A_1752] : memref<1x16x4xf32, #tpu.memory_space<vmem>>, vector<1x1x1xf32>
    %get3A_1754 = vector.extract %get3A_1753[0, 0, 0] : f32 from vector<1x1x1xf32>
    %broadcast_in_dim3A_1755 = vector.broadcast %get3A_1754 : f32 to vector<8x2040xf32>
    %select_n3A_1756 = arith.select %eq3A_1742, %broadcast_in_dim3A_1755, %select_n3A_1719 : vector<8x2040xi1>, vector<8x2040xf32>
    %get3A_1757 = arith.constant 0 : index
    %get3A_1758 = arith.constant 1 : index
    %get3A_1759 = arith.constant 1 : index
    %get3A_1760 = vector.load %arg1[%get3A_1757, %get3A_1758, %get3A_1759] : memref<1x16x4xf32, #tpu.memory_space<vmem>>, vector<1x1x1xf32>
    %get3A_1761 = vector.extract %get3A_1760[0, 0, 0] : f32 from vector<1x1x1xf32>
    %broadcast_in_dim3A_1762 = vector.broadcast %get3A_1761 : f32 to vector<8x2040xf32>
    %select_n3A_1763 = arith.select %eq3A_1742, %broadcast_in_dim3A_1762, %select_n3A_1726 : vector<8x2040xi1>, vector<8x2040xf32>
    %get3A_1764 = arith.constant 0 : index
    %get3A_1765 = arith.constant 1 : index
    %get3A_1766 = arith.constant 2 : index
    %get3A_1767 = vector.load %arg1[%get3A_1764, %get3A_1765, %get3A_1766] : memref<1x16x4xf32, #tpu.memory_space<vmem>>, vector<1x1x1xf32>
    %get3A_1768 = vector.extract %get3A_1767[0, 0, 0] : f32 from vector<1x1x1xf32>
    %broadcast_in_dim3A_1769 = vector.broadcast %get3A_1768 : f32 to vector<8x2040xf32>
    %select_n3A_1770 = arith.select %eq3A_1742, %broadcast_in_dim3A_1769, %select_n3A_1733 : vector<8x2040xi1>, vector<8x2040xf32>
    %get3A_1771 = arith.constant 0 : index
    %get3A_1772 = arith.constant 1 : index
    %get3A_1773 = arith.constant 3 : index
    %get3A_1774 = vector.load %arg1[%get3A_1771, %get3A_1772, %get3A_1773] : memref<1x16x4xf32, #tpu.memory_space<vmem>>, vector<1x1x1xf32>
    %get3A_1775 = vector.extract %get3A_1774[0, 0, 0] : f32 from vector<1x1x1xf32>
    %broadcast_in_dim3A_1776 = vector.broadcast %get3A_1775 : f32 to vector<8x2040xf32>
    %select_n3A_1777 = arith.select %eq3A_1742, %broadcast_in_dim3A_1776, %select_n3A_1740 : vector<8x2040xi1>, vector<8x2040xf32>
    %eq3A_1778 = vector.broadcast %reduce_min3A_248 : i32 to vector<8x2040xi32>
    %eq3A_1779 = arith.cmpi eq, %add3A_62, %eq3A_1778 : vector<8x2040xi32>
    %get3A_1780 = arith.constant 0 : index
    %get3A_1781 = arith.constant 0 : index
    %get3A_1782 = arith.constant 2 : index
    %get3A_1783 = vector.load %arg2[%get3A_1780, %get3A_1781, %get3A_1782] : memref<1x1x16xi32, #tpu.memory_space<vmem>>, vector<1x1x1xi32>
    %get3A_1784 = vector.extract %get3A_1783[0, 0, 0] : i32 from vector<1x1x1xi32>
    %broadcast_in_dim3A_1785 = vector.broadcast %get3A_1784 : i32 to vector<8x2040xi32>
    %select_n3A_1786 = arith.select %eq3A_1779, %broadcast_in_dim3A_1785, %select_n3A_1749 : vector<8x2040xi1>, vector<8x2040xi32>
    %get3A_1787 = arith.constant 0 : index
    %get3A_1788 = arith.constant 2 : index
    %get3A_1789 = arith.constant 0 : index
    %get3A_1790 = vector.load %arg1[%get3A_1787, %get3A_1788, %get3A_1789] : memref<1x16x4xf32, #tpu.memory_space<vmem>>, vector<1x1x1xf32>
    %get3A_1791 = vector.extract %get3A_1790[0, 0, 0] : f32 from vector<1x1x1xf32>
    %broadcast_in_dim3A_1792 = vector.broadcast %get3A_1791 : f32 to vector<8x2040xf32>
    %select_n3A_1793 = arith.select %eq3A_1779, %broadcast_in_dim3A_1792, %select_n3A_1756 : vector<8x2040xi1>, vector<8x2040xf32>
    %get3A_1794 = arith.constant 0 : index
    %get3A_1795 = arith.constant 2 : index
    %get3A_1796 = arith.constant 1 : index
    %get3A_1797 = vector.load %arg1[%get3A_1794, %get3A_1795, %get3A_1796] : memref<1x16x4xf32, #tpu.memory_space<vmem>>, vector<1x1x1xf32>
    %get3A_1798 = vector.extract %get3A_1797[0, 0, 0] : f32 from vector<1x1x1xf32>
    %broadcast_in_dim3A_1799 = vector.broadcast %get3A_1798 : f32 to vector<8x2040xf32>
    %select_n3A_1800 = arith.select %eq3A_1779, %broadcast_in_dim3A_1799, %select_n3A_1763 : vector<8x2040xi1>, vector<8x2040xf32>
    %get3A_1801 = arith.constant 0 : index
    %get3A_1802 = arith.constant 2 : index
    %get3A_1803 = arith.constant 2 : index
    %get3A_1804 = vector.load %arg1[%get3A_1801, %get3A_1802, %get3A_1803] : memref<1x16x4xf32, #tpu.memory_space<vmem>>, vector<1x1x1xf32>
    %get3A_1805 = vector.extract %get3A_1804[0, 0, 0] : f32 from vector<1x1x1xf32>
    %broadcast_in_dim3A_1806 = vector.broadcast %get3A_1805 : f32 to vector<8x2040xf32>
    %select_n3A_1807 = arith.select %eq3A_1779, %broadcast_in_dim3A_1806, %select_n3A_1770 : vector<8x2040xi1>, vector<8x2040xf32>
    %get3A_1808 = arith.constant 0 : index
    %get3A_1809 = arith.constant 2 : index
    %get3A_1810 = arith.constant 3 : index
    %get3A_1811 = vector.load %arg1[%get3A_1808, %get3A_1809, %get3A_1810] : memref<1x16x4xf32, #tpu.memory_space<vmem>>, vector<1x1x1xf32>
    %get3A_1812 = vector.extract %get3A_1811[0, 0, 0] : f32 from vector<1x1x1xf32>
    %broadcast_in_dim3A_1813 = vector.broadcast %get3A_1812 : f32 to vector<8x2040xf32>
    %select_n3A_1814 = arith.select %eq3A_1779, %broadcast_in_dim3A_1813, %select_n3A_1777 : vector<8x2040xi1>, vector<8x2040xf32>
    %eq3A_1815 = vector.broadcast %reduce_min3A_312 : i32 to vector<8x2040xi32>
    %eq3A_1816 = arith.cmpi eq, %add3A_62, %eq3A_1815 : vector<8x2040xi32>
    %get3A_1817 = arith.constant 0 : index
    %get3A_1818 = arith.constant 0 : index
    %get3A_1819 = arith.constant 3 : index
    %get3A_1820 = vector.load %arg2[%get3A_1817, %get3A_1818, %get3A_1819] : memref<1x1x16xi32, #tpu.memory_space<vmem>>, vector<1x1x1xi32>
    %get3A_1821 = vector.extract %get3A_1820[0, 0, 0] : i32 from vector<1x1x1xi32>
    %broadcast_in_dim3A_1822 = vector.broadcast %get3A_1821 : i32 to vector<8x2040xi32>
    %select_n3A_1823 = arith.select %eq3A_1816, %broadcast_in_dim3A_1822, %select_n3A_1786 : vector<8x2040xi1>, vector<8x2040xi32>
    %get3A_1824 = arith.constant 0 : index
    %get3A_1825 = arith.constant 3 : index
    %get3A_1826 = arith.constant 0 : index
    %get3A_1827 = vector.load %arg1[%get3A_1824, %get3A_1825, %get3A_1826] : memref<1x16x4xf32, #tpu.memory_space<vmem>>, vector<1x1x1xf32>
    %get3A_1828 = vector.extract %get3A_1827[0, 0, 0] : f32 from vector<1x1x1xf32>
    %broadcast_in_dim3A_1829 = vector.broadcast %get3A_1828 : f32 to vector<8x2040xf32>
    %select_n3A_1830 = arith.select %eq3A_1816, %broadcast_in_dim3A_1829, %select_n3A_1793 : vector<8x2040xi1>, vector<8x2040xf32>
    %get3A_1831 = arith.constant 0 : index
    %get3A_1832 = arith.constant 3 : index
    %get3A_1833 = arith.constant 1 : index
    %get3A_1834 = vector.load %arg1[%get3A_1831, %get3A_1832, %get3A_1833] : memref<1x16x4xf32, #tpu.memory_space<vmem>>, vector<1x1x1xf32>
    %get3A_1835 = vector.extract %get3A_1834[0, 0, 0] : f32 from vector<1x1x1xf32>
    %broadcast_in_dim3A_1836 = vector.broadcast %get3A_1835 : f32 to vector<8x2040xf32>
    %select_n3A_1837 = arith.select %eq3A_1816, %broadcast_in_dim3A_1836, %select_n3A_1800 : vector<8x2040xi1>, vector<8x2040xf32>
    %get3A_1838 = arith.constant 0 : index
    %get3A_1839 = arith.constant 3 : index
    %get3A_1840 = arith.constant 2 : index
    %get3A_1841 = vector.load %arg1[%get3A_1838, %get3A_1839, %get3A_1840] : memref<1x16x4xf32, #tpu.memory_space<vmem>>, vector<1x1x1xf32>
    %get3A_1842 = vector.extract %get3A_1841[0, 0, 0] : f32 from vector<1x1x1xf32>
    %broadcast_in_dim3A_1843 = vector.broadcast %get3A_1842 : f32 to vector<8x2040xf32>
    %select_n3A_1844 = arith.select %eq3A_1816, %broadcast_in_dim3A_1843, %select_n3A_1807 : vector<8x2040xi1>, vector<8x2040xf32>
    %get3A_1845 = arith.constant 0 : index
    %get3A_1846 = arith.constant 3 : index
    %get3A_1847 = arith.constant 3 : index
    %get3A_1848 = vector.load %arg1[%get3A_1845, %get3A_1846, %get3A_1847] : memref<1x16x4xf32, #tpu.memory_space<vmem>>, vector<1x1x1xf32>
    %get3A_1849 = vector.extract %get3A_1848[0, 0, 0] : f32 from vector<1x1x1xf32>
    %broadcast_in_dim3A_1850 = vector.broadcast %get3A_1849 : f32 to vector<8x2040xf32>
    %select_n3A_1851 = arith.select %eq3A_1816, %broadcast_in_dim3A_1850, %select_n3A_1814 : vector<8x2040xi1>, vector<8x2040xf32>
    %eq3A_1852 = vector.broadcast %reduce_min3A_376 : i32 to vector<8x2040xi32>
    %eq3A_1853 = arith.cmpi eq, %add3A_62, %eq3A_1852 : vector<8x2040xi32>
    %get3A_1854 = arith.constant 0 : index
    %get3A_1855 = arith.constant 0 : index
    %get3A_1856 = arith.constant 4 : index
    %get3A_1857 = vector.load %arg2[%get3A_1854, %get3A_1855, %get3A_1856] : memref<1x1x16xi32, #tpu.memory_space<vmem>>, vector<1x1x1xi32>
    %get3A_1858 = vector.extract %get3A_1857[0, 0, 0] : i32 from vector<1x1x1xi32>
    %broadcast_in_dim3A_1859 = vector.broadcast %get3A_1858 : i32 to vector<8x2040xi32>
    %select_n3A_1860 = arith.select %eq3A_1853, %broadcast_in_dim3A_1859, %select_n3A_1823 : vector<8x2040xi1>, vector<8x2040xi32>
    %get3A_1861 = arith.constant 0 : index
    %get3A_1862 = arith.constant 4 : index
    %get3A_1863 = arith.constant 0 : index
    %get3A_1864 = vector.load %arg1[%get3A_1861, %get3A_1862, %get3A_1863] : memref<1x16x4xf32, #tpu.memory_space<vmem>>, vector<1x1x1xf32>
    %get3A_1865 = vector.extract %get3A_1864[0, 0, 0] : f32 from vector<1x1x1xf32>
    %broadcast_in_dim3A_1866 = vector.broadcast %get3A_1865 : f32 to vector<8x2040xf32>
    %select_n3A_1867 = arith.select %eq3A_1853, %broadcast_in_dim3A_1866, %select_n3A_1830 : vector<8x2040xi1>, vector<8x2040xf32>
    %get3A_1868 = arith.constant 0 : index
    %get3A_1869 = arith.constant 4 : index
    %get3A_1870 = arith.constant 1 : index
    %get3A_1871 = vector.load %arg1[%get3A_1868, %get3A_1869, %get3A_1870] : memref<1x16x4xf32, #tpu.memory_space<vmem>>, vector<1x1x1xf32>
    %get3A_1872 = vector.extract %get3A_1871[0, 0, 0] : f32 from vector<1x1x1xf32>
    %broadcast_in_dim3A_1873 = vector.broadcast %get3A_1872 : f32 to vector<8x2040xf32>
    %select_n3A_1874 = arith.select %eq3A_1853, %broadcast_in_dim3A_1873, %select_n3A_1837 : vector<8x2040xi1>, vector<8x2040xf32>
    %get3A_1875 = arith.constant 0 : index
    %get3A_1876 = arith.constant 4 : index
    %get3A_1877 = arith.constant 2 : index
    %get3A_1878 = vector.load %arg1[%get3A_1875, %get3A_1876, %get3A_1877] : memref<1x16x4xf32, #tpu.memory_space<vmem>>, vector<1x1x1xf32>
    %get3A_1879 = vector.extract %get3A_1878[0, 0, 0] : f32 from vector<1x1x1xf32>
    %broadcast_in_dim3A_1880 = vector.broadcast %get3A_1879 : f32 to vector<8x2040xf32>
    %select_n3A_1881 = arith.select %eq3A_1853, %broadcast_in_dim3A_1880, %select_n3A_1844 : vector<8x2040xi1>, vector<8x2040xf32>
    %get3A_1882 = arith.constant 0 : index
    %get3A_1883 = arith.constant 4 : index
    %get3A_1884 = arith.constant 3 : index
    %get3A_1885 = vector.load %arg1[%get3A_1882, %get3A_1883, %get3A_1884] : memref<1x16x4xf32, #tpu.memory_space<vmem>>, vector<1x1x1xf32>
    %get3A_1886 = vector.extract %get3A_1885[0, 0, 0] : f32 from vector<1x1x1xf32>
    %broadcast_in_dim3A_1887 = vector.broadcast %get3A_1886 : f32 to vector<8x2040xf32>
    %select_n3A_1888 = arith.select %eq3A_1853, %broadcast_in_dim3A_1887, %select_n3A_1851 : vector<8x2040xi1>, vector<8x2040xf32>
    %eq3A_1889 = vector.broadcast %reduce_min3A_440 : i32 to vector<8x2040xi32>
    %eq3A_1890 = arith.cmpi eq, %add3A_62, %eq3A_1889 : vector<8x2040xi32>
    %get3A_1891 = arith.constant 0 : index
    %get3A_1892 = arith.constant 0 : index
    %get3A_1893 = arith.constant 5 : index
    %get3A_1894 = vector.load %arg2[%get3A_1891, %get3A_1892, %get3A_1893] : memref<1x1x16xi32, #tpu.memory_space<vmem>>, vector<1x1x1xi32>
    %get3A_1895 = vector.extract %get3A_1894[0, 0, 0] : i32 from vector<1x1x1xi32>
    %broadcast_in_dim3A_1896 = vector.broadcast %get3A_1895 : i32 to vector<8x2040xi32>
    %select_n3A_1897 = arith.select %eq3A_1890, %broadcast_in_dim3A_1896, %select_n3A_1860 : vector<8x2040xi1>, vector<8x2040xi32>
    %get3A_1898 = arith.constant 0 : index
    %get3A_1899 = arith.constant 5 : index
    %get3A_1900 = arith.constant 0 : index
    %get3A_1901 = vector.load %arg1[%get3A_1898, %get3A_1899, %get3A_1900] : memref<1x16x4xf32, #tpu.memory_space<vmem>>, vector<1x1x1xf32>
    %get3A_1902 = vector.extract %get3A_1901[0, 0, 0] : f32 from vector<1x1x1xf32>
    %broadcast_in_dim3A_1903 = vector.broadcast %get3A_1902 : f32 to vector<8x2040xf32>
    %select_n3A_1904 = arith.select %eq3A_1890, %broadcast_in_dim3A_1903, %select_n3A_1867 : vector<8x2040xi1>, vector<8x2040xf32>
    %get3A_1905 = arith.constant 0 : index
    %get3A_1906 = arith.constant 5 : index
    %get3A_1907 = arith.constant 1 : index
    %get3A_1908 = vector.load %arg1[%get3A_1905, %get3A_1906, %get3A_1907] : memref<1x16x4xf32, #tpu.memory_space<vmem>>, vector<1x1x1xf32>
    %get3A_1909 = vector.extract %get3A_1908[0, 0, 0] : f32 from vector<1x1x1xf32>
    %broadcast_in_dim3A_1910 = vector.broadcast %get3A_1909 : f32 to vector<8x2040xf32>
    %select_n3A_1911 = arith.select %eq3A_1890, %broadcast_in_dim3A_1910, %select_n3A_1874 : vector<8x2040xi1>, vector<8x2040xf32>
    %get3A_1912 = arith.constant 0 : index
    %get3A_1913 = arith.constant 5 : index
    %get3A_1914 = arith.constant 2 : index
    %get3A_1915 = vector.load %arg1[%get3A_1912, %get3A_1913, %get3A_1914] : memref<1x16x4xf32, #tpu.memory_space<vmem>>, vector<1x1x1xf32>
    %get3A_1916 = vector.extract %get3A_1915[0, 0, 0] : f32 from vector<1x1x1xf32>
    %broadcast_in_dim3A_1917 = vector.broadcast %get3A_1916 : f32 to vector<8x2040xf32>
    %select_n3A_1918 = arith.select %eq3A_1890, %broadcast_in_dim3A_1917, %select_n3A_1881 : vector<8x2040xi1>, vector<8x2040xf32>
    %get3A_1919 = arith.constant 0 : index
    %get3A_1920 = arith.constant 5 : index
    %get3A_1921 = arith.constant 3 : index
    %get3A_1922 = vector.load %arg1[%get3A_1919, %get3A_1920, %get3A_1921] : memref<1x16x4xf32, #tpu.memory_space<vmem>>, vector<1x1x1xf32>
    %get3A_1923 = vector.extract %get3A_1922[0, 0, 0] : f32 from vector<1x1x1xf32>
    %broadcast_in_dim3A_1924 = vector.broadcast %get3A_1923 : f32 to vector<8x2040xf32>
    %select_n3A_1925 = arith.select %eq3A_1890, %broadcast_in_dim3A_1924, %select_n3A_1888 : vector<8x2040xi1>, vector<8x2040xf32>
    %eq3A_1926 = vector.broadcast %reduce_min3A_504 : i32 to vector<8x2040xi32>
    %eq3A_1927 = arith.cmpi eq, %add3A_62, %eq3A_1926 : vector<8x2040xi32>
    %get3A_1928 = arith.constant 0 : index
    %get3A_1929 = arith.constant 0 : index
    %get3A_1930 = arith.constant 6 : index
    %get3A_1931 = vector.load %arg2[%get3A_1928, %get3A_1929, %get3A_1930] : memref<1x1x16xi32, #tpu.memory_space<vmem>>, vector<1x1x1xi32>
    %get3A_1932 = vector.extract %get3A_1931[0, 0, 0] : i32 from vector<1x1x1xi32>
    %broadcast_in_dim3A_1933 = vector.broadcast %get3A_1932 : i32 to vector<8x2040xi32>
    %select_n3A_1934 = arith.select %eq3A_1927, %broadcast_in_dim3A_1933, %select_n3A_1897 : vector<8x2040xi1>, vector<8x2040xi32>
    %get3A_1935 = arith.constant 0 : index
    %get3A_1936 = arith.constant 6 : index
    %get3A_1937 = arith.constant 0 : index
    %get3A_1938 = vector.load %arg1[%get3A_1935, %get3A_1936, %get3A_1937] : memref<1x16x4xf32, #tpu.memory_space<vmem>>, vector<1x1x1xf32>
    %get3A_1939 = vector.extract %get3A_1938[0, 0, 0] : f32 from vector<1x1x1xf32>
    %broadcast_in_dim3A_1940 = vector.broadcast %get3A_1939 : f32 to vector<8x2040xf32>
    %select_n3A_1941 = arith.select %eq3A_1927, %broadcast_in_dim3A_1940, %select_n3A_1904 : vector<8x2040xi1>, vector<8x2040xf32>
    %get3A_1942 = arith.constant 0 : index
    %get3A_1943 = arith.constant 6 : index
    %get3A_1944 = arith.constant 1 : index
    %get3A_1945 = vector.load %arg1[%get3A_1942, %get3A_1943, %get3A_1944] : memref<1x16x4xf32, #tpu.memory_space<vmem>>, vector<1x1x1xf32>
    %get3A_1946 = vector.extract %get3A_1945[0, 0, 0] : f32 from vector<1x1x1xf32>
    %broadcast_in_dim3A_1947 = vector.broadcast %get3A_1946 : f32 to vector<8x2040xf32>
    %select_n3A_1948 = arith.select %eq3A_1927, %broadcast_in_dim3A_1947, %select_n3A_1911 : vector<8x2040xi1>, vector<8x2040xf32>
    %get3A_1949 = arith.constant 0 : index
    %get3A_1950 = arith.constant 6 : index
    %get3A_1951 = arith.constant 2 : index
    %get3A_1952 = vector.load %arg1[%get3A_1949, %get3A_1950, %get3A_1951] : memref<1x16x4xf32, #tpu.memory_space<vmem>>, vector<1x1x1xf32>
    %get3A_1953 = vector.extract %get3A_1952[0, 0, 0] : f32 from vector<1x1x1xf32>
    %broadcast_in_dim3A_1954 = vector.broadcast %get3A_1953 : f32 to vector<8x2040xf32>
    %select_n3A_1955 = arith.select %eq3A_1927, %broadcast_in_dim3A_1954, %select_n3A_1918 : vector<8x2040xi1>, vector<8x2040xf32>
    %get3A_1956 = arith.constant 0 : index
    %get3A_1957 = arith.constant 6 : index
    %get3A_1958 = arith.constant 3 : index
    %get3A_1959 = vector.load %arg1[%get3A_1956, %get3A_1957, %get3A_1958] : memref<1x16x4xf32, #tpu.memory_space<vmem>>, vector<1x1x1xf32>
    %get3A_1960 = vector.extract %get3A_1959[0, 0, 0] : f32 from vector<1x1x1xf32>
    %broadcast_in_dim3A_1961 = vector.broadcast %get3A_1960 : f32 to vector<8x2040xf32>
    %select_n3A_1962 = arith.select %eq3A_1927, %broadcast_in_dim3A_1961, %select_n3A_1925 : vector<8x2040xi1>, vector<8x2040xf32>
    %eq3A_1963 = vector.broadcast %reduce_min3A_568 : i32 to vector<8x2040xi32>
    %eq3A_1964 = arith.cmpi eq, %add3A_62, %eq3A_1963 : vector<8x2040xi32>
    %get3A_1965 = arith.constant 0 : index
    %get3A_1966 = arith.constant 0 : index
    %get3A_1967 = arith.constant 7 : index
    %get3A_1968 = vector.load %arg2[%get3A_1965, %get3A_1966, %get3A_1967] : memref<1x1x16xi32, #tpu.memory_space<vmem>>, vector<1x1x1xi32>
    %get3A_1969 = vector.extract %get3A_1968[0, 0, 0] : i32 from vector<1x1x1xi32>
    %broadcast_in_dim3A_1970 = vector.broadcast %get3A_1969 : i32 to vector<8x2040xi32>
    %select_n3A_1971 = arith.select %eq3A_1964, %broadcast_in_dim3A_1970, %select_n3A_1934 : vector<8x2040xi1>, vector<8x2040xi32>
    %get3A_1972 = arith.constant 0 : index
    %get3A_1973 = arith.constant 7 : index
    %get3A_1974 = arith.constant 0 : index
    %get3A_1975 = vector.load %arg1[%get3A_1972, %get3A_1973, %get3A_1974] : memref<1x16x4xf32, #tpu.memory_space<vmem>>, vector<1x1x1xf32>
    %get3A_1976 = vector.extract %get3A_1975[0, 0, 0] : f32 from vector<1x1x1xf32>
    %broadcast_in_dim3A_1977 = vector.broadcast %get3A_1976 : f32 to vector<8x2040xf32>
    %select_n3A_1978 = arith.select %eq3A_1964, %broadcast_in_dim3A_1977, %select_n3A_1941 : vector<8x2040xi1>, vector<8x2040xf32>
    %get3A_1979 = arith.constant 0 : index
    %get3A_1980 = arith.constant 7 : index
    %get3A_1981 = arith.constant 1 : index
    %get3A_1982 = vector.load %arg1[%get3A_1979, %get3A_1980, %get3A_1981] : memref<1x16x4xf32, #tpu.memory_space<vmem>>, vector<1x1x1xf32>
    %get3A_1983 = vector.extract %get3A_1982[0, 0, 0] : f32 from vector<1x1x1xf32>
    %broadcast_in_dim3A_1984 = vector.broadcast %get3A_1983 : f32 to vector<8x2040xf32>
    %select_n3A_1985 = arith.select %eq3A_1964, %broadcast_in_dim3A_1984, %select_n3A_1948 : vector<8x2040xi1>, vector<8x2040xf32>
    %get3A_1986 = arith.constant 0 : index
    %get3A_1987 = arith.constant 7 : index
    %get3A_1988 = arith.constant 2 : index
    %get3A_1989 = vector.load %arg1[%get3A_1986, %get3A_1987, %get3A_1988] : memref<1x16x4xf32, #tpu.memory_space<vmem>>, vector<1x1x1xf32>
    %get3A_1990 = vector.extract %get3A_1989[0, 0, 0] : f32 from vector<1x1x1xf32>
    %broadcast_in_dim3A_1991 = vector.broadcast %get3A_1990 : f32 to vector<8x2040xf32>
    %select_n3A_1992 = arith.select %eq3A_1964, %broadcast_in_dim3A_1991, %select_n3A_1955 : vector<8x2040xi1>, vector<8x2040xf32>
    %get3A_1993 = arith.constant 0 : index
    %get3A_1994 = arith.constant 7 : index
    %get3A_1995 = arith.constant 3 : index
    %get3A_1996 = vector.load %arg1[%get3A_1993, %get3A_1994, %get3A_1995] : memref<1x16x4xf32, #tpu.memory_space<vmem>>, vector<1x1x1xf32>
    %get3A_1997 = vector.extract %get3A_1996[0, 0, 0] : f32 from vector<1x1x1xf32>
    %broadcast_in_dim3A_1998 = vector.broadcast %get3A_1997 : f32 to vector<8x2040xf32>
    %select_n3A_1999 = arith.select %eq3A_1964, %broadcast_in_dim3A_1998, %select_n3A_1962 : vector<8x2040xi1>, vector<8x2040xf32>
    %eq3A_2000 = vector.broadcast %reduce_min3A_632 : i32 to vector<8x2040xi32>
    %eq3A_2001 = arith.cmpi eq, %add3A_62, %eq3A_2000 : vector<8x2040xi32>
    %get3A_2002 = arith.constant 0 : index
    %get3A_2003 = arith.constant 0 : index
    %get3A_2004 = arith.constant 8 : index
    %get3A_2005 = vector.load %arg2[%get3A_2002, %get3A_2003, %get3A_2004] : memref<1x1x16xi32, #tpu.memory_space<vmem>>, vector<1x1x1xi32>
    %get3A_2006 = vector.extract %get3A_2005[0, 0, 0] : i32 from vector<1x1x1xi32>
    %broadcast_in_dim3A_2007 = vector.broadcast %get3A_2006 : i32 to vector<8x2040xi32>
    %select_n3A_2008 = arith.select %eq3A_2001, %broadcast_in_dim3A_2007, %select_n3A_1971 : vector<8x2040xi1>, vector<8x2040xi32>
    %get3A_2009 = arith.constant 0 : index
    %get3A_2010 = arith.constant 8 : index
    %get3A_2011 = arith.constant 0 : index
    %get3A_2012 = vector.load %arg1[%get3A_2009, %get3A_2010, %get3A_2011] : memref<1x16x4xf32, #tpu.memory_space<vmem>>, vector<1x1x1xf32>
    %get3A_2013 = vector.extract %get3A_2012[0, 0, 0] : f32 from vector<1x1x1xf32>
    %broadcast_in_dim3A_2014 = vector.broadcast %get3A_2013 : f32 to vector<8x2040xf32>
    %select_n3A_2015 = arith.select %eq3A_2001, %broadcast_in_dim3A_2014, %select_n3A_1978 : vector<8x2040xi1>, vector<8x2040xf32>
    %get3A_2016 = arith.constant 0 : index
    %get3A_2017 = arith.constant 8 : index
    %get3A_2018 = arith.constant 1 : index
    %get3A_2019 = vector.load %arg1[%get3A_2016, %get3A_2017, %get3A_2018] : memref<1x16x4xf32, #tpu.memory_space<vmem>>, vector<1x1x1xf32>
    %get3A_2020 = vector.extract %get3A_2019[0, 0, 0] : f32 from vector<1x1x1xf32>
    %broadcast_in_dim3A_2021 = vector.broadcast %get3A_2020 : f32 to vector<8x2040xf32>
    %select_n3A_2022 = arith.select %eq3A_2001, %broadcast_in_dim3A_2021, %select_n3A_1985 : vector<8x2040xi1>, vector<8x2040xf32>
    %get3A_2023 = arith.constant 0 : index
    %get3A_2024 = arith.constant 8 : index
    %get3A_2025 = arith.constant 2 : index
    %get3A_2026 = vector.load %arg1[%get3A_2023, %get3A_2024, %get3A_2025] : memref<1x16x4xf32, #tpu.memory_space<vmem>>, vector<1x1x1xf32>
    %get3A_2027 = vector.extract %get3A_2026[0, 0, 0] : f32 from vector<1x1x1xf32>
    %broadcast_in_dim3A_2028 = vector.broadcast %get3A_2027 : f32 to vector<8x2040xf32>
    %select_n3A_2029 = arith.select %eq3A_2001, %broadcast_in_dim3A_2028, %select_n3A_1992 : vector<8x2040xi1>, vector<8x2040xf32>
    %get3A_2030 = arith.constant 0 : index
    %get3A_2031 = arith.constant 8 : index
    %get3A_2032 = arith.constant 3 : index
    %get3A_2033 = vector.load %arg1[%get3A_2030, %get3A_2031, %get3A_2032] : memref<1x16x4xf32, #tpu.memory_space<vmem>>, vector<1x1x1xf32>
    %get3A_2034 = vector.extract %get3A_2033[0, 0, 0] : f32 from vector<1x1x1xf32>
    %broadcast_in_dim3A_2035 = vector.broadcast %get3A_2034 : f32 to vector<8x2040xf32>
    %select_n3A_2036 = arith.select %eq3A_2001, %broadcast_in_dim3A_2035, %select_n3A_1999 : vector<8x2040xi1>, vector<8x2040xf32>
    %eq3A_2037 = vector.broadcast %reduce_min3A_696 : i32 to vector<8x2040xi32>
    %eq3A_2038 = arith.cmpi eq, %add3A_62, %eq3A_2037 : vector<8x2040xi32>
    %get3A_2039 = arith.constant 0 : index
    %get3A_2040 = arith.constant 0 : index
    %get3A_2041 = arith.constant 9 : index
    %get3A_2042 = vector.load %arg2[%get3A_2039, %get3A_2040, %get3A_2041] : memref<1x1x16xi32, #tpu.memory_space<vmem>>, vector<1x1x1xi32>
    %get3A_2043 = vector.extract %get3A_2042[0, 0, 0] : i32 from vector<1x1x1xi32>
    %broadcast_in_dim3A_2044 = vector.broadcast %get3A_2043 : i32 to vector<8x2040xi32>
    %select_n3A_2045 = arith.select %eq3A_2038, %broadcast_in_dim3A_2044, %select_n3A_2008 : vector<8x2040xi1>, vector<8x2040xi32>
    %get3A_2046 = arith.constant 0 : index
    %get3A_2047 = arith.constant 9 : index
    %get3A_2048 = arith.constant 0 : index
    %get3A_2049 = vector.load %arg1[%get3A_2046, %get3A_2047, %get3A_2048] : memref<1x16x4xf32, #tpu.memory_space<vmem>>, vector<1x1x1xf32>
    %get3A_2050 = vector.extract %get3A_2049[0, 0, 0] : f32 from vector<1x1x1xf32>
    %broadcast_in_dim3A_2051 = vector.broadcast %get3A_2050 : f32 to vector<8x2040xf32>
    %select_n3A_2052 = arith.select %eq3A_2038, %broadcast_in_dim3A_2051, %select_n3A_2015 : vector<8x2040xi1>, vector<8x2040xf32>
    %get3A_2053 = arith.constant 0 : index
    %get3A_2054 = arith.constant 9 : index
    %get3A_2055 = arith.constant 1 : index
    %get3A_2056 = vector.load %arg1[%get3A_2053, %get3A_2054, %get3A_2055] : memref<1x16x4xf32, #tpu.memory_space<vmem>>, vector<1x1x1xf32>
    %get3A_2057 = vector.extract %get3A_2056[0, 0, 0] : f32 from vector<1x1x1xf32>
    %broadcast_in_dim3A_2058 = vector.broadcast %get3A_2057 : f32 to vector<8x2040xf32>
    %select_n3A_2059 = arith.select %eq3A_2038, %broadcast_in_dim3A_2058, %select_n3A_2022 : vector<8x2040xi1>, vector<8x2040xf32>
    %get3A_2060 = arith.constant 0 : index
    %get3A_2061 = arith.constant 9 : index
    %get3A_2062 = arith.constant 2 : index
    %get3A_2063 = vector.load %arg1[%get3A_2060, %get3A_2061, %get3A_2062] : memref<1x16x4xf32, #tpu.memory_space<vmem>>, vector<1x1x1xf32>
    %get3A_2064 = vector.extract %get3A_2063[0, 0, 0] : f32 from vector<1x1x1xf32>
    %broadcast_in_dim3A_2065 = vector.broadcast %get3A_2064 : f32 to vector<8x2040xf32>
    %select_n3A_2066 = arith.select %eq3A_2038, %broadcast_in_dim3A_2065, %select_n3A_2029 : vector<8x2040xi1>, vector<8x2040xf32>
    %get3A_2067 = arith.constant 0 : index
    %get3A_2068 = arith.constant 9 : index
    %get3A_2069 = arith.constant 3 : index
    %get3A_2070 = vector.load %arg1[%get3A_2067, %get3A_2068, %get3A_2069] : memref<1x16x4xf32, #tpu.memory_space<vmem>>, vector<1x1x1xf32>
    %get3A_2071 = vector.extract %get3A_2070[0, 0, 0] : f32 from vector<1x1x1xf32>
    %broadcast_in_dim3A_2072 = vector.broadcast %get3A_2071 : f32 to vector<8x2040xf32>
    %select_n3A_2073 = arith.select %eq3A_2038, %broadcast_in_dim3A_2072, %select_n3A_2036 : vector<8x2040xi1>, vector<8x2040xf32>
    %eq3A_2074 = vector.broadcast %reduce_min3A_760 : i32 to vector<8x2040xi32>
    %eq3A_2075 = arith.cmpi eq, %add3A_62, %eq3A_2074 : vector<8x2040xi32>
    %get3A_2076 = arith.constant 0 : index
    %get3A_2077 = arith.constant 0 : index
    %get3A_2078 = arith.constant 10 : index
    %get3A_2079 = vector.load %arg2[%get3A_2076, %get3A_2077, %get3A_2078] : memref<1x1x16xi32, #tpu.memory_space<vmem>>, vector<1x1x1xi32>
    %get3A_2080 = vector.extract %get3A_2079[0, 0, 0] : i32 from vector<1x1x1xi32>
    %broadcast_in_dim3A_2081 = vector.broadcast %get3A_2080 : i32 to vector<8x2040xi32>
    %select_n3A_2082 = arith.select %eq3A_2075, %broadcast_in_dim3A_2081, %select_n3A_2045 : vector<8x2040xi1>, vector<8x2040xi32>
    %get3A_2083 = arith.constant 0 : index
    %get3A_2084 = arith.constant 10 : index
    %get3A_2085 = arith.constant 0 : index
    %get3A_2086 = vector.load %arg1[%get3A_2083, %get3A_2084, %get3A_2085] : memref<1x16x4xf32, #tpu.memory_space<vmem>>, vector<1x1x1xf32>
    %get3A_2087 = vector.extract %get3A_2086[0, 0, 0] : f32 from vector<1x1x1xf32>
    %broadcast_in_dim3A_2088 = vector.broadcast %get3A_2087 : f32 to vector<8x2040xf32>
    %select_n3A_2089 = arith.select %eq3A_2075, %broadcast_in_dim3A_2088, %select_n3A_2052 : vector<8x2040xi1>, vector<8x2040xf32>
    %get3A_2090 = arith.constant 0 : index
    %get3A_2091 = arith.constant 10 : index
    %get3A_2092 = arith.constant 1 : index
    %get3A_2093 = vector.load %arg1[%get3A_2090, %get3A_2091, %get3A_2092] : memref<1x16x4xf32, #tpu.memory_space<vmem>>, vector<1x1x1xf32>
    %get3A_2094 = vector.extract %get3A_2093[0, 0, 0] : f32 from vector<1x1x1xf32>
    %broadcast_in_dim3A_2095 = vector.broadcast %get3A_2094 : f32 to vector<8x2040xf32>
    %select_n3A_2096 = arith.select %eq3A_2075, %broadcast_in_dim3A_2095, %select_n3A_2059 : vector<8x2040xi1>, vector<8x2040xf32>
    %get3A_2097 = arith.constant 0 : index
    %get3A_2098 = arith.constant 10 : index
    %get3A_2099 = arith.constant 2 : index
    %get3A_2100 = vector.load %arg1[%get3A_2097, %get3A_2098, %get3A_2099] : memref<1x16x4xf32, #tpu.memory_space<vmem>>, vector<1x1x1xf32>
    %get3A_2101 = vector.extract %get3A_2100[0, 0, 0] : f32 from vector<1x1x1xf32>
    %broadcast_in_dim3A_2102 = vector.broadcast %get3A_2101 : f32 to vector<8x2040xf32>
    %select_n3A_2103 = arith.select %eq3A_2075, %broadcast_in_dim3A_2102, %select_n3A_2066 : vector<8x2040xi1>, vector<8x2040xf32>
    %get3A_2104 = arith.constant 0 : index
    %get3A_2105 = arith.constant 10 : index
    %get3A_2106 = arith.constant 3 : index
    %get3A_2107 = vector.load %arg1[%get3A_2104, %get3A_2105, %get3A_2106] : memref<1x16x4xf32, #tpu.memory_space<vmem>>, vector<1x1x1xf32>
    %get3A_2108 = vector.extract %get3A_2107[0, 0, 0] : f32 from vector<1x1x1xf32>
    %broadcast_in_dim3A_2109 = vector.broadcast %get3A_2108 : f32 to vector<8x2040xf32>
    %select_n3A_2110 = arith.select %eq3A_2075, %broadcast_in_dim3A_2109, %select_n3A_2073 : vector<8x2040xi1>, vector<8x2040xf32>
    %eq3A_2111 = vector.broadcast %reduce_min3A_824 : i32 to vector<8x2040xi32>
    %eq3A_2112 = arith.cmpi eq, %add3A_62, %eq3A_2111 : vector<8x2040xi32>
    %get3A_2113 = arith.constant 0 : index
    %get3A_2114 = arith.constant 0 : index
    %get3A_2115 = arith.constant 11 : index
    %get3A_2116 = vector.load %arg2[%get3A_2113, %get3A_2114, %get3A_2115] : memref<1x1x16xi32, #tpu.memory_space<vmem>>, vector<1x1x1xi32>
    %get3A_2117 = vector.extract %get3A_2116[0, 0, 0] : i32 from vector<1x1x1xi32>
    %broadcast_in_dim3A_2118 = vector.broadcast %get3A_2117 : i32 to vector<8x2040xi32>
    %select_n3A_2119 = arith.select %eq3A_2112, %broadcast_in_dim3A_2118, %select_n3A_2082 : vector<8x2040xi1>, vector<8x2040xi32>
    %get3A_2120 = arith.constant 0 : index
    %get3A_2121 = arith.constant 11 : index
    %get3A_2122 = arith.constant 0 : index
    %get3A_2123 = vector.load %arg1[%get3A_2120, %get3A_2121, %get3A_2122] : memref<1x16x4xf32, #tpu.memory_space<vmem>>, vector<1x1x1xf32>
    %get3A_2124 = vector.extract %get3A_2123[0, 0, 0] : f32 from vector<1x1x1xf32>
    %broadcast_in_dim3A_2125 = vector.broadcast %get3A_2124 : f32 to vector<8x2040xf32>
    %select_n3A_2126 = arith.select %eq3A_2112, %broadcast_in_dim3A_2125, %select_n3A_2089 : vector<8x2040xi1>, vector<8x2040xf32>
    %get3A_2127 = arith.constant 0 : index
    %get3A_2128 = arith.constant 11 : index
    %get3A_2129 = arith.constant 1 : index
    %get3A_2130 = vector.load %arg1[%get3A_2127, %get3A_2128, %get3A_2129] : memref<1x16x4xf32, #tpu.memory_space<vmem>>, vector<1x1x1xf32>
    %get3A_2131 = vector.extract %get3A_2130[0, 0, 0] : f32 from vector<1x1x1xf32>
    %broadcast_in_dim3A_2132 = vector.broadcast %get3A_2131 : f32 to vector<8x2040xf32>
    %select_n3A_2133 = arith.select %eq3A_2112, %broadcast_in_dim3A_2132, %select_n3A_2096 : vector<8x2040xi1>, vector<8x2040xf32>
    %get3A_2134 = arith.constant 0 : index
    %get3A_2135 = arith.constant 11 : index
    %get3A_2136 = arith.constant 2 : index
    %get3A_2137 = vector.load %arg1[%get3A_2134, %get3A_2135, %get3A_2136] : memref<1x16x4xf32, #tpu.memory_space<vmem>>, vector<1x1x1xf32>
    %get3A_2138 = vector.extract %get3A_2137[0, 0, 0] : f32 from vector<1x1x1xf32>
    %broadcast_in_dim3A_2139 = vector.broadcast %get3A_2138 : f32 to vector<8x2040xf32>
    %select_n3A_2140 = arith.select %eq3A_2112, %broadcast_in_dim3A_2139, %select_n3A_2103 : vector<8x2040xi1>, vector<8x2040xf32>
    %get3A_2141 = arith.constant 0 : index
    %get3A_2142 = arith.constant 11 : index
    %get3A_2143 = arith.constant 3 : index
    %get3A_2144 = vector.load %arg1[%get3A_2141, %get3A_2142, %get3A_2143] : memref<1x16x4xf32, #tpu.memory_space<vmem>>, vector<1x1x1xf32>
    %get3A_2145 = vector.extract %get3A_2144[0, 0, 0] : f32 from vector<1x1x1xf32>
    %broadcast_in_dim3A_2146 = vector.broadcast %get3A_2145 : f32 to vector<8x2040xf32>
    %select_n3A_2147 = arith.select %eq3A_2112, %broadcast_in_dim3A_2146, %select_n3A_2110 : vector<8x2040xi1>, vector<8x2040xf32>
    %eq3A_2148 = vector.broadcast %reduce_min3A_888 : i32 to vector<8x2040xi32>
    %eq3A_2149 = arith.cmpi eq, %add3A_62, %eq3A_2148 : vector<8x2040xi32>
    %get3A_2150 = arith.constant 0 : index
    %get3A_2151 = arith.constant 0 : index
    %get3A_2152 = arith.constant 12 : index
    %get3A_2153 = vector.load %arg2[%get3A_2150, %get3A_2151, %get3A_2152] : memref<1x1x16xi32, #tpu.memory_space<vmem>>, vector<1x1x1xi32>
    %get3A_2154 = vector.extract %get3A_2153[0, 0, 0] : i32 from vector<1x1x1xi32>
    %broadcast_in_dim3A_2155 = vector.broadcast %get3A_2154 : i32 to vector<8x2040xi32>
    %select_n3A_2156 = arith.select %eq3A_2149, %broadcast_in_dim3A_2155, %select_n3A_2119 : vector<8x2040xi1>, vector<8x2040xi32>
    %get3A_2157 = arith.constant 0 : index
    %get3A_2158 = arith.constant 12 : index
    %get3A_2159 = arith.constant 0 : index
    %get3A_2160 = vector.load %arg1[%get3A_2157, %get3A_2158, %get3A_2159] : memref<1x16x4xf32, #tpu.memory_space<vmem>>, vector<1x1x1xf32>
    %get3A_2161 = vector.extract %get3A_2160[0, 0, 0] : f32 from vector<1x1x1xf32>
    %broadcast_in_dim3A_2162 = vector.broadcast %get3A_2161 : f32 to vector<8x2040xf32>
    %select_n3A_2163 = arith.select %eq3A_2149, %broadcast_in_dim3A_2162, %select_n3A_2126 : vector<8x2040xi1>, vector<8x2040xf32>
    %get3A_2164 = arith.constant 0 : index
    %get3A_2165 = arith.constant 12 : index
    %get3A_2166 = arith.constant 1 : index
    %get3A_2167 = vector.load %arg1[%get3A_2164, %get3A_2165, %get3A_2166] : memref<1x16x4xf32, #tpu.memory_space<vmem>>, vector<1x1x1xf32>
    %get3A_2168 = vector.extract %get3A_2167[0, 0, 0] : f32 from vector<1x1x1xf32>
    %broadcast_in_dim3A_2169 = vector.broadcast %get3A_2168 : f32 to vector<8x2040xf32>
    %select_n3A_2170 = arith.select %eq3A_2149, %broadcast_in_dim3A_2169, %select_n3A_2133 : vector<8x2040xi1>, vector<8x2040xf32>
    %get3A_2171 = arith.constant 0 : index
    %get3A_2172 = arith.constant 12 : index
    %get3A_2173 = arith.constant 2 : index
    %get3A_2174 = vector.load %arg1[%get3A_2171, %get3A_2172, %get3A_2173] : memref<1x16x4xf32, #tpu.memory_space<vmem>>, vector<1x1x1xf32>
    %get3A_2175 = vector.extract %get3A_2174[0, 0, 0] : f32 from vector<1x1x1xf32>
    %broadcast_in_dim3A_2176 = vector.broadcast %get3A_2175 : f32 to vector<8x2040xf32>
    %select_n3A_2177 = arith.select %eq3A_2149, %broadcast_in_dim3A_2176, %select_n3A_2140 : vector<8x2040xi1>, vector<8x2040xf32>
    %get3A_2178 = arith.constant 0 : index
    %get3A_2179 = arith.constant 12 : index
    %get3A_2180 = arith.constant 3 : index
    %get3A_2181 = vector.load %arg1[%get3A_2178, %get3A_2179, %get3A_2180] : memref<1x16x4xf32, #tpu.memory_space<vmem>>, vector<1x1x1xf32>
    %get3A_2182 = vector.extract %get3A_2181[0, 0, 0] : f32 from vector<1x1x1xf32>
    %broadcast_in_dim3A_2183 = vector.broadcast %get3A_2182 : f32 to vector<8x2040xf32>
    %select_n3A_2184 = arith.select %eq3A_2149, %broadcast_in_dim3A_2183, %select_n3A_2147 : vector<8x2040xi1>, vector<8x2040xf32>
    %eq3A_2185 = vector.broadcast %reduce_min3A_952 : i32 to vector<8x2040xi32>
    %eq3A_2186 = arith.cmpi eq, %add3A_62, %eq3A_2185 : vector<8x2040xi32>
    %get3A_2187 = arith.constant 0 : index
    %get3A_2188 = arith.constant 0 : index
    %get3A_2189 = arith.constant 13 : index
    %get3A_2190 = vector.load %arg2[%get3A_2187, %get3A_2188, %get3A_2189] : memref<1x1x16xi32, #tpu.memory_space<vmem>>, vector<1x1x1xi32>
    %get3A_2191 = vector.extract %get3A_2190[0, 0, 0] : i32 from vector<1x1x1xi32>
    %broadcast_in_dim3A_2192 = vector.broadcast %get3A_2191 : i32 to vector<8x2040xi32>
    %select_n3A_2193 = arith.select %eq3A_2186, %broadcast_in_dim3A_2192, %select_n3A_2156 : vector<8x2040xi1>, vector<8x2040xi32>
    %get3A_2194 = arith.constant 0 : index
    %get3A_2195 = arith.constant 13 : index
    %get3A_2196 = arith.constant 0 : index
    %get3A_2197 = vector.load %arg1[%get3A_2194, %get3A_2195, %get3A_2196] : memref<1x16x4xf32, #tpu.memory_space<vmem>>, vector<1x1x1xf32>
    %get3A_2198 = vector.extract %get3A_2197[0, 0, 0] : f32 from vector<1x1x1xf32>
    %broadcast_in_dim3A_2199 = vector.broadcast %get3A_2198 : f32 to vector<8x2040xf32>
    %select_n3A_2200 = arith.select %eq3A_2186, %broadcast_in_dim3A_2199, %select_n3A_2163 : vector<8x2040xi1>, vector<8x2040xf32>
    %get3A_2201 = arith.constant 0 : index
    %get3A_2202 = arith.constant 13 : index
    %get3A_2203 = arith.constant 1 : index
    %get3A_2204 = vector.load %arg1[%get3A_2201, %get3A_2202, %get3A_2203] : memref<1x16x4xf32, #tpu.memory_space<vmem>>, vector<1x1x1xf32>
    %get3A_2205 = vector.extract %get3A_2204[0, 0, 0] : f32 from vector<1x1x1xf32>
    %broadcast_in_dim3A_2206 = vector.broadcast %get3A_2205 : f32 to vector<8x2040xf32>
    %select_n3A_2207 = arith.select %eq3A_2186, %broadcast_in_dim3A_2206, %select_n3A_2170 : vector<8x2040xi1>, vector<8x2040xf32>
    %get3A_2208 = arith.constant 0 : index
    %get3A_2209 = arith.constant 13 : index
    %get3A_2210 = arith.constant 2 : index
    %get3A_2211 = vector.load %arg1[%get3A_2208, %get3A_2209, %get3A_2210] : memref<1x16x4xf32, #tpu.memory_space<vmem>>, vector<1x1x1xf32>
    %get3A_2212 = vector.extract %get3A_2211[0, 0, 0] : f32 from vector<1x1x1xf32>
    %broadcast_in_dim3A_2213 = vector.broadcast %get3A_2212 : f32 to vector<8x2040xf32>
    %select_n3A_2214 = arith.select %eq3A_2186, %broadcast_in_dim3A_2213, %select_n3A_2177 : vector<8x2040xi1>, vector<8x2040xf32>
    %get3A_2215 = arith.constant 0 : index
    %get3A_2216 = arith.constant 13 : index
    %get3A_2217 = arith.constant 3 : index
    %get3A_2218 = vector.load %arg1[%get3A_2215, %get3A_2216, %get3A_2217] : memref<1x16x4xf32, #tpu.memory_space<vmem>>, vector<1x1x1xf32>
    %get3A_2219 = vector.extract %get3A_2218[0, 0, 0] : f32 from vector<1x1x1xf32>
    %broadcast_in_dim3A_2220 = vector.broadcast %get3A_2219 : f32 to vector<8x2040xf32>
    %select_n3A_2221 = arith.select %eq3A_2186, %broadcast_in_dim3A_2220, %select_n3A_2184 : vector<8x2040xi1>, vector<8x2040xf32>
    %eq3A_2222 = vector.broadcast %reduce_min3A_1016 : i32 to vector<8x2040xi32>
    %eq3A_2223 = arith.cmpi eq, %add3A_62, %eq3A_2222 : vector<8x2040xi32>
    %get3A_2224 = arith.constant 0 : index
    %get3A_2225 = arith.constant 0 : index
    %get3A_2226 = arith.constant 14 : index
    %get3A_2227 = vector.load %arg2[%get3A_2224, %get3A_2225, %get3A_2226] : memref<1x1x16xi32, #tpu.memory_space<vmem>>, vector<1x1x1xi32>
    %get3A_2228 = vector.extract %get3A_2227[0, 0, 0] : i32 from vector<1x1x1xi32>
    %broadcast_in_dim3A_2229 = vector.broadcast %get3A_2228 : i32 to vector<8x2040xi32>
    %select_n3A_2230 = arith.select %eq3A_2223, %broadcast_in_dim3A_2229, %select_n3A_2193 : vector<8x2040xi1>, vector<8x2040xi32>
    %get3A_2231 = arith.constant 0 : index
    %get3A_2232 = arith.constant 14 : index
    %get3A_2233 = arith.constant 0 : index
    %get3A_2234 = vector.load %arg1[%get3A_2231, %get3A_2232, %get3A_2233] : memref<1x16x4xf32, #tpu.memory_space<vmem>>, vector<1x1x1xf32>
    %get3A_2235 = vector.extract %get3A_2234[0, 0, 0] : f32 from vector<1x1x1xf32>
    %broadcast_in_dim3A_2236 = vector.broadcast %get3A_2235 : f32 to vector<8x2040xf32>
    %select_n3A_2237 = arith.select %eq3A_2223, %broadcast_in_dim3A_2236, %select_n3A_2200 : vector<8x2040xi1>, vector<8x2040xf32>
    %get3A_2238 = arith.constant 0 : index
    %get3A_2239 = arith.constant 14 : index
    %get3A_2240 = arith.constant 1 : index
    %get3A_2241 = vector.load %arg1[%get3A_2238, %get3A_2239, %get3A_2240] : memref<1x16x4xf32, #tpu.memory_space<vmem>>, vector<1x1x1xf32>
    %get3A_2242 = vector.extract %get3A_2241[0, 0, 0] : f32 from vector<1x1x1xf32>
    %broadcast_in_dim3A_2243 = vector.broadcast %get3A_2242 : f32 to vector<8x2040xf32>
    %select_n3A_2244 = arith.select %eq3A_2223, %broadcast_in_dim3A_2243, %select_n3A_2207 : vector<8x2040xi1>, vector<8x2040xf32>
    %get3A_2245 = arith.constant 0 : index
    %get3A_2246 = arith.constant 14 : index
    %get3A_2247 = arith.constant 2 : index
    %get3A_2248 = vector.load %arg1[%get3A_2245, %get3A_2246, %get3A_2247] : memref<1x16x4xf32, #tpu.memory_space<vmem>>, vector<1x1x1xf32>
    %get3A_2249 = vector.extract %get3A_2248[0, 0, 0] : f32 from vector<1x1x1xf32>
    %broadcast_in_dim3A_2250 = vector.broadcast %get3A_2249 : f32 to vector<8x2040xf32>
    %select_n3A_2251 = arith.select %eq3A_2223, %broadcast_in_dim3A_2250, %select_n3A_2214 : vector<8x2040xi1>, vector<8x2040xf32>
    %get3A_2252 = arith.constant 0 : index
    %get3A_2253 = arith.constant 14 : index
    %get3A_2254 = arith.constant 3 : index
    %get3A_2255 = vector.load %arg1[%get3A_2252, %get3A_2253, %get3A_2254] : memref<1x16x4xf32, #tpu.memory_space<vmem>>, vector<1x1x1xf32>
    %get3A_2256 = vector.extract %get3A_2255[0, 0, 0] : f32 from vector<1x1x1xf32>
    %broadcast_in_dim3A_2257 = vector.broadcast %get3A_2256 : f32 to vector<8x2040xf32>
    %select_n3A_2258 = arith.select %eq3A_2223, %broadcast_in_dim3A_2257, %select_n3A_2221 : vector<8x2040xi1>, vector<8x2040xf32>
    %eq3A_2259 = vector.broadcast %reduce_min3A_1080 : i32 to vector<8x2040xi32>
    %eq3A_2260 = arith.cmpi eq, %add3A_62, %eq3A_2259 : vector<8x2040xi32>
    %get3A_2261 = arith.constant 0 : index
    %get3A_2262 = arith.constant 0 : index
    %get3A_2263 = arith.constant 15 : index
    %get3A_2264 = vector.load %arg2[%get3A_2261, %get3A_2262, %get3A_2263] : memref<1x1x16xi32, #tpu.memory_space<vmem>>, vector<1x1x1xi32>
    %get3A_2265 = vector.extract %get3A_2264[0, 0, 0] : i32 from vector<1x1x1xi32>
    %broadcast_in_dim3A_2266 = vector.broadcast %get3A_2265 : i32 to vector<8x2040xi32>
    %select_n3A_2267 = arith.select %eq3A_2260, %broadcast_in_dim3A_2266, %select_n3A_2230 : vector<8x2040xi1>, vector<8x2040xi32>
    %get3A_2268 = arith.constant 0 : index
    %get3A_2269 = arith.constant 15 : index
    %get3A_2270 = arith.constant 0 : index
    %get3A_2271 = vector.load %arg1[%get3A_2268, %get3A_2269, %get3A_2270] : memref<1x16x4xf32, #tpu.memory_space<vmem>>, vector<1x1x1xf32>
    %get3A_2272 = vector.extract %get3A_2271[0, 0, 0] : f32 from vector<1x1x1xf32>
    %broadcast_in_dim3A_2273 = vector.broadcast %get3A_2272 : f32 to vector<8x2040xf32>
    %select_n3A_2274 = arith.select %eq3A_2260, %broadcast_in_dim3A_2273, %select_n3A_2237 : vector<8x2040xi1>, vector<8x2040xf32>
    %get3A_2275 = arith.constant 0 : index
    %get3A_2276 = arith.constant 15 : index
    %get3A_2277 = arith.constant 1 : index
    %get3A_2278 = vector.load %arg1[%get3A_2275, %get3A_2276, %get3A_2277] : memref<1x16x4xf32, #tpu.memory_space<vmem>>, vector<1x1x1xf32>
    %get3A_2279 = vector.extract %get3A_2278[0, 0, 0] : f32 from vector<1x1x1xf32>
    %broadcast_in_dim3A_2280 = vector.broadcast %get3A_2279 : f32 to vector<8x2040xf32>
    %select_n3A_2281 = arith.select %eq3A_2260, %broadcast_in_dim3A_2280, %select_n3A_2244 : vector<8x2040xi1>, vector<8x2040xf32>
    %get3A_2282 = arith.constant 0 : index
    %get3A_2283 = arith.constant 15 : index
    %get3A_2284 = arith.constant 2 : index
    %get3A_2285 = vector.load %arg1[%get3A_2282, %get3A_2283, %get3A_2284] : memref<1x16x4xf32, #tpu.memory_space<vmem>>, vector<1x1x1xf32>
    %get3A_2286 = vector.extract %get3A_2285[0, 0, 0] : f32 from vector<1x1x1xf32>
    %broadcast_in_dim3A_2287 = vector.broadcast %get3A_2286 : f32 to vector<8x2040xf32>
    %select_n3A_2288 = arith.select %eq3A_2260, %broadcast_in_dim3A_2287, %select_n3A_2251 : vector<8x2040xi1>, vector<8x2040xf32>
    %get3A_2289 = arith.constant 0 : index
    %get3A_2290 = arith.constant 15 : index
    %get3A_2291 = arith.constant 3 : index
    %get3A_2292 = vector.load %arg1[%get3A_2289, %get3A_2290, %get3A_2291] : memref<1x16x4xf32, #tpu.memory_space<vmem>>, vector<1x1x1xf32>
    %get3A_2293 = vector.extract %get3A_2292[0, 0, 0] : f32 from vector<1x1x1xf32>
    %broadcast_in_dim3A_2294 = vector.broadcast %get3A_2293 : f32 to vector<8x2040xf32>
    %select_n3A_2295 = arith.select %eq3A_2260, %broadcast_in_dim3A_2294, %select_n3A_2258 : vector<8x2040xi1>, vector<8x2040xf32>
    %get3A_2296 = arith.constant 0 : index
    %get3A_2297 = arith.constant 0 : index
    %get3A_2298 = arith.constant 0 : index
    %get3A_2299 = arith.constant 0 : index
    %get3A_2300 = vector.load %arg6[%get3A_2296, %get3A_2297, %get3A_2298, %get3A_2299] : memref<1x2x8x2040xf32, #tpu.memory_space<vmem>>, vector<1x2x8x2040xf32>
    %get3A_2301 = vector.shape_cast %get3A_2300 : vector<1x2x8x2040xf32> to vector<2x8x2040xf32>
    %slice3A_2302 = vector.extract_strided_slice %get3A_2301 {offsets = [0, 0, 0], sizes = [1, 8, 2040], strides = [1, 1, 1]} : vector<2x8x2040xf32> to vector<1x8x2040xf32>
    %squeeze3A_2303 = vector.shape_cast %slice3A_2302 : vector<1x8x2040xf32> to vector<8x2040xf32>
    %slice3A_2304 = vector.extract_strided_slice %get3A_2301 {offsets = [1, 0, 0], sizes = [1, 8, 2040], strides = [1, 1, 1]} : vector<2x8x2040xf32> to vector<1x8x2040xf32>
    %squeeze3A_2305 = vector.shape_cast %slice3A_2304 : vector<1x8x2040xf32> to vector<8x2040xf32>
    %max3A_2306 = arith.maximumf %squeeze3A_2303, %squeeze3A_2305 : vector<8x2040xf32>
    %sub3A_2307 = arith.subf %squeeze3A_2303, %max3A_2306 : vector<8x2040xf32>
    %exp3A_2308 = math.exp %sub3A_2307 : vector<8x2040xf32>
    %sub3A_2309 = arith.subf %squeeze3A_2305, %max3A_2306 : vector<8x2040xf32>
    %exp3A_2310 = math.exp %sub3A_2309 : vector<8x2040xf32>
    %add3A_2311 = arith.addf %exp3A_2308, %exp3A_2310 : vector<8x2040xf32>
    %div3A_2312 = arith.divf %exp3A_2310, %add3A_2311 : vector<8x2040xf32>
    %gt3A_2313 = arith.constant 0 : i32
    %gt3A_2314 = vector.broadcast %gt3A_2313 : i32 to vector<8x2040xi32>
    %gt3A_2315 = arith.cmpi sgt, %select_n3A_2267, %gt3A_2314 : vector<8x2040xi32>
    %gt3A_2316 = arith.constant 0.00999999977 : f32
    %gt3A_2317 = vector.broadcast %gt3A_2316 : f32 to vector<8x2040xf32>
    %gt3A_2318 = arith.cmpf ogt, %div3A_2312, %gt3A_2317 : vector<8x2040xf32>
    %and3A = arith.andi %gt3A_2315, %gt3A_2318 : vector<8x2040xi1>
    %convert_element_type3A = arith.extui %and3A : vector<8x2040xi1> to vector<8x2040xi32>
    %convert_element_type3A_2319 = arith.sitofp %convert_element_type3A : vector<8x2040xi32> to vector<8x2040xf32>
    %convert_element_type3A_2320 = arith.extui %and3A : vector<8x2040xi1> to vector<8x2040xi32>
    %reduce_sum3A = vector.shape_cast %convert_element_type3A_2320 : vector<8x2040xi32> to vector<1x8x2040xi32>
    %reduce_sum3A_2321 = arith.constant dense<0> : vector<1xi32>
    %reduce_sum3A_2322 = vector.multi_reduction <add>, %reduce_sum3A, %reduce_sum3A_2321 [1, 2] : vector<1x8x2040xi32> to vector<1xi32>
    %reduce_sum3A_2323 = vector.shape_cast %reduce_sum3A_2322 : vector<1xi32> to vector<1x1x1xi32>
    %reduce_sum3A_2324 = vector.extract %reduce_sum3A_2323[0, 0, 0] : i32 from vector<1x1x1xi32>
    %add3A_2325 = arith.addf %sub3A, %add3A_50 : vector<8x2040xf32>
    %mul3A_2326 = arith.constant 5.000000e-01 : f32
    %mul3A_2327 = vector.broadcast %mul3A_2326 : f32 to vector<8x2040xf32>
    %mul3A_2328 = arith.mulf %add3A_2325, %mul3A_2327 : vector<8x2040xf32>
    %add3A_2329 = arith.addf %sub3A_46, %add3A_54 : vector<8x2040xf32>
    %mul3A_2330 = arith.constant 5.000000e-01 : f32
    %mul3A_2331 = vector.broadcast %mul3A_2330 : f32 to vector<8x2040xf32>
    %mul3A_2332 = arith.mulf %add3A_2329, %mul3A_2331 : vector<8x2040xf32>
    %sub3A_2333 = arith.subf %add3A_50, %sub3A : vector<8x2040xf32>
    %sub3A_2334 = arith.subf %add3A_54, %sub3A_46 : vector<8x2040xf32>
    %add3A_2335 = arith.addf %select_n3A_2274, %select_n3A_2288 : vector<8x2040xf32>
    %mul3A_2336 = arith.constant 5.000000e-01 : f32
    %mul3A_2337 = vector.broadcast %mul3A_2336 : f32 to vector<8x2040xf32>
    %mul3A_2338 = arith.mulf %add3A_2335, %mul3A_2337 : vector<8x2040xf32>
    %sub3A_2339 = arith.subf %mul3A_2338, %mul3A_2328 : vector<8x2040xf32>
    %mul3A_2340 = arith.constant 1.000000e-01 : f32
    %mul3A_2341 = vector.broadcast %mul3A_2340 : f32 to vector<8x2040xf32>
    %mul3A_2342 = arith.mulf %mul3A_2341, %sub3A_2333 : vector<8x2040xf32>
    %div3A_2343 = arith.divf %sub3A_2339, %mul3A_2342 : vector<8x2040xf32>
    %add3A_2344 = arith.addf %select_n3A_2281, %select_n3A_2295 : vector<8x2040xf32>
    %mul3A_2345 = arith.constant 5.000000e-01 : f32
    %mul3A_2346 = vector.broadcast %mul3A_2345 : f32 to vector<8x2040xf32>
    %mul3A_2347 = arith.mulf %add3A_2344, %mul3A_2346 : vector<8x2040xf32>
    %sub3A_2348 = arith.subf %mul3A_2347, %mul3A_2332 : vector<8x2040xf32>
    %mul3A_2349 = arith.constant 1.000000e-01 : f32
    %mul3A_2350 = vector.broadcast %mul3A_2349 : f32 to vector<8x2040xf32>
    %mul3A_2351 = arith.mulf %mul3A_2350, %sub3A_2334 : vector<8x2040xf32>
    %div3A_2352 = arith.divf %sub3A_2348, %mul3A_2351 : vector<8x2040xf32>
    %sub3A_2353 = arith.subf %select_n3A_2288, %select_n3A_2274 : vector<8x2040xf32>
    %div3A_2354 = arith.divf %sub3A_2353, %sub3A_2333 : vector<8x2040xf32>
    %log3A = math.log %div3A_2354 : vector<8x2040xf32>
    %div3A_2355 = arith.constant 2.000000e-01 : f32
    %div3A_2356 = vector.broadcast %div3A_2355 : f32 to vector<8x2040xf32>
    %div3A_2357 = arith.divf %log3A, %div3A_2356 : vector<8x2040xf32>
    %sub3A_2358 = arith.subf %select_n3A_2295, %select_n3A_2281 : vector<8x2040xf32>
    %div3A_2359 = arith.divf %sub3A_2358, %sub3A_2334 : vector<8x2040xf32>
    %log3A_2360 = math.log %div3A_2359 : vector<8x2040xf32>
    %div3A_2361 = arith.constant 2.000000e-01 : f32
    %div3A_2362 = vector.broadcast %div3A_2361 : f32 to vector<8x2040xf32>
    %div3A_2363 = arith.divf %log3A_2360, %div3A_2362 : vector<8x2040xf32>
    %get3A_2364 = arith.constant 0 : index
    %get3A_2365 = arith.constant 0 : index
    %get3A_2366 = arith.constant 0 : index
    %get3A_2367 = arith.constant 0 : index
    %get3A_2368 = vector.load %arg5[%get3A_2364, %get3A_2365, %get3A_2366, %get3A_2367] : memref<1x4x8x2040xf32, #tpu.memory_space<vmem>>, vector<1x4x8x2040xf32>
    %get3A_2369 = vector.shape_cast %get3A_2368 : vector<1x4x8x2040xf32> to vector<4x8x2040xf32>
    %slice3A_2370 = vector.extract_strided_slice %get3A_2369 {offsets = [0, 0, 0], sizes = [1, 8, 2040], strides = [1, 1, 1]} : vector<4x8x2040xf32> to vector<1x8x2040xf32>
    %squeeze3A_2371 = vector.shape_cast %slice3A_2370 : vector<1x8x2040xf32> to vector<8x2040xf32>
    %sub3A_2372 = arith.subf %squeeze3A_2371, %div3A_2343 : vector<8x2040xf32>
    %abs3A = math.absf %sub3A_2372 : vector<8x2040xf32>
    %lt3A_2373 = arith.constant 1.000000e+00 : f32
    %lt3A_2374 = vector.broadcast %lt3A_2373 : f32 to vector<8x2040xf32>
    %lt3A_2375 = arith.cmpf olt, %abs3A, %lt3A_2374 : vector<8x2040xf32>
    %mul3A_2376 = arith.constant 5.000000e-01 : f32
    %mul3A_2377 = vector.broadcast %mul3A_2376 : f32 to vector<8x2040xf32>
    %mul3A_2378 = arith.mulf %mul3A_2377, %sub3A_2372 : vector<8x2040xf32>
    %mul3A_2379 = arith.mulf %mul3A_2378, %sub3A_2372 : vector<8x2040xf32>
    %sub3A_2380 = arith.constant 5.000000e-01 : f32
    %sub3A_2381 = vector.broadcast %sub3A_2380 : f32 to vector<8x2040xf32>
    %sub3A_2382 = arith.subf %abs3A, %sub3A_2381 : vector<8x2040xf32>
    %select_n3A_2383 = arith.select %lt3A_2375, %mul3A_2379, %sub3A_2382 : vector<8x2040xi1>, vector<8x2040xf32>
    %mul3A_2384 = arith.mulf %select_n3A_2383, %convert_element_type3A_2319 : vector<8x2040xf32>
    %reduce_sum3A_2385 = vector.shape_cast %mul3A_2384 : vector<8x2040xf32> to vector<1x8x2040xf32>
    %reduce_sum3A_2386 = arith.constant dense<0.000000e+00> : vector<1xf32>
    %reduce_sum3A_2387 = vector.multi_reduction <add>, %reduce_sum3A_2385, %reduce_sum3A_2386 [1, 2] : vector<1x8x2040xf32> to vector<1xf32>
    %reduce_sum3A_2388 = vector.shape_cast %reduce_sum3A_2387 : vector<1xf32> to vector<1x1x1xf32>
    %reduce_sum3A_2389 = vector.extract %reduce_sum3A_2388[0, 0, 0] : f32 from vector<1x1x1xf32>
    %add3A_2390 = arith.constant 0.000000e+00 : f32
    %add3A_2391 = arith.addf %add3A_2390, %reduce_sum3A_2389 : f32
    %slice3A_2392 = vector.extract_strided_slice %get3A_2369 {offsets = [1, 0, 0], sizes = [1, 8, 2040], strides = [1, 1, 1]} : vector<4x8x2040xf32> to vector<1x8x2040xf32>
    %squeeze3A_2393 = vector.shape_cast %slice3A_2392 : vector<1x8x2040xf32> to vector<8x2040xf32>
    %sub3A_2394 = arith.subf %squeeze3A_2393, %div3A_2352 : vector<8x2040xf32>
    %abs3A_2395 = math.absf %sub3A_2394 : vector<8x2040xf32>
    %lt3A_2396 = arith.constant 1.000000e+00 : f32
    %lt3A_2397 = vector.broadcast %lt3A_2396 : f32 to vector<8x2040xf32>
    %lt3A_2398 = arith.cmpf olt, %abs3A_2395, %lt3A_2397 : vector<8x2040xf32>
    %mul3A_2399 = arith.constant 5.000000e-01 : f32
    %mul3A_2400 = vector.broadcast %mul3A_2399 : f32 to vector<8x2040xf32>
    %mul3A_2401 = arith.mulf %mul3A_2400, %sub3A_2394 : vector<8x2040xf32>
    %mul3A_2402 = arith.mulf %mul3A_2401, %sub3A_2394 : vector<8x2040xf32>
    %sub3A_2403 = arith.constant 5.000000e-01 : f32
    %sub3A_2404 = vector.broadcast %sub3A_2403 : f32 to vector<8x2040xf32>
    %sub3A_2405 = arith.subf %abs3A_2395, %sub3A_2404 : vector<8x2040xf32>
    %select_n3A_2406 = arith.select %lt3A_2398, %mul3A_2402, %sub3A_2405 : vector<8x2040xi1>, vector<8x2040xf32>
    %mul3A_2407 = arith.mulf %select_n3A_2406, %convert_element_type3A_2319 : vector<8x2040xf32>
    %reduce_sum3A_2408 = vector.shape_cast %mul3A_2407 : vector<8x2040xf32> to vector<1x8x2040xf32>
    %reduce_sum3A_2409 = arith.constant dense<0.000000e+00> : vector<1xf32>
    %reduce_sum3A_2410 = vector.multi_reduction <add>, %reduce_sum3A_2408, %reduce_sum3A_2409 [1, 2] : vector<1x8x2040xf32> to vector<1xf32>
    %reduce_sum3A_2411 = vector.shape_cast %reduce_sum3A_2410 : vector<1xf32> to vector<1x1x1xf32>
    %reduce_sum3A_2412 = vector.extract %reduce_sum3A_2411[0, 0, 0] : f32 from vector<1x1x1xf32>
    %add3A_2413 = arith.addf %add3A_2391, %reduce_sum3A_2412 : f32
    %slice3A_2414 = vector.extract_strided_slice %get3A_2369 {offsets = [2, 0, 0], sizes = [1, 8, 2040], strides = [1, 1, 1]} : vector<4x8x2040xf32> to vector<1x8x2040xf32>
    %squeeze3A_2415 = vector.shape_cast %slice3A_2414 : vector<1x8x2040xf32> to vector<8x2040xf32>
    %sub3A_2416 = arith.subf %squeeze3A_2415, %div3A_2357 : vector<8x2040xf32>
    %abs3A_2417 = math.absf %sub3A_2416 : vector<8x2040xf32>
    %lt3A_2418 = arith.constant 1.000000e+00 : f32
    %lt3A_2419 = vector.broadcast %lt3A_2418 : f32 to vector<8x2040xf32>
    %lt3A_2420 = arith.cmpf olt, %abs3A_2417, %lt3A_2419 : vector<8x2040xf32>
    %mul3A_2421 = arith.constant 5.000000e-01 : f32
    %mul3A_2422 = vector.broadcast %mul3A_2421 : f32 to vector<8x2040xf32>
    %mul3A_2423 = arith.mulf %mul3A_2422, %sub3A_2416 : vector<8x2040xf32>
    %mul3A_2424 = arith.mulf %mul3A_2423, %sub3A_2416 : vector<8x2040xf32>
    %sub3A_2425 = arith.constant 5.000000e-01 : f32
    %sub3A_2426 = vector.broadcast %sub3A_2425 : f32 to vector<8x2040xf32>
    %sub3A_2427 = arith.subf %abs3A_2417, %sub3A_2426 : vector<8x2040xf32>
    %select_n3A_2428 = arith.select %lt3A_2420, %mul3A_2424, %sub3A_2427 : vector<8x2040xi1>, vector<8x2040xf32>
    %mul3A_2429 = arith.mulf %select_n3A_2428, %convert_element_type3A_2319 : vector<8x2040xf32>
    %reduce_sum3A_2430 = vector.shape_cast %mul3A_2429 : vector<8x2040xf32> to vector<1x8x2040xf32>
    %reduce_sum3A_2431 = arith.constant dense<0.000000e+00> : vector<1xf32>
    %reduce_sum3A_2432 = vector.multi_reduction <add>, %reduce_sum3A_2430, %reduce_sum3A_2431 [1, 2] : vector<1x8x2040xf32> to vector<1xf32>
    %reduce_sum3A_2433 = vector.shape_cast %reduce_sum3A_2432 : vector<1xf32> to vector<1x1x1xf32>
    %reduce_sum3A_2434 = vector.extract %reduce_sum3A_2433[0, 0, 0] : f32 from vector<1x1x1xf32>
    %add3A_2435 = arith.addf %add3A_2413, %reduce_sum3A_2434 : f32
    %slice3A_2436 = vector.extract_strided_slice %get3A_2369 {offsets = [3, 0, 0], sizes = [1, 8, 2040], strides = [1, 1, 1]} : vector<4x8x2040xf32> to vector<1x8x2040xf32>
    %squeeze3A_2437 = vector.shape_cast %slice3A_2436 : vector<1x8x2040xf32> to vector<8x2040xf32>
    %sub3A_2438 = arith.subf %squeeze3A_2437, %div3A_2363 : vector<8x2040xf32>
    %abs3A_2439 = math.absf %sub3A_2438 : vector<8x2040xf32>
    %lt3A_2440 = arith.constant 1.000000e+00 : f32
    %lt3A_2441 = vector.broadcast %lt3A_2440 : f32 to vector<8x2040xf32>
    %lt3A_2442 = arith.cmpf olt, %abs3A_2439, %lt3A_2441 : vector<8x2040xf32>
    %mul3A_2443 = arith.constant 5.000000e-01 : f32
    %mul3A_2444 = vector.broadcast %mul3A_2443 : f32 to vector<8x2040xf32>
    %mul3A_2445 = arith.mulf %mul3A_2444, %sub3A_2438 : vector<8x2040xf32>
    %mul3A_2446 = arith.mulf %mul3A_2445, %sub3A_2438 : vector<8x2040xf32>
    %sub3A_2447 = arith.constant 5.000000e-01 : f32
    %sub3A_2448 = vector.broadcast %sub3A_2447 : f32 to vector<8x2040xf32>
    %sub3A_2449 = arith.subf %abs3A_2439, %sub3A_2448 : vector<8x2040xf32>
    %select_n3A_2450 = arith.select %lt3A_2442, %mul3A_2446, %sub3A_2449 : vector<8x2040xi1>, vector<8x2040xf32>
    %mul3A_2451 = arith.mulf %select_n3A_2450, %convert_element_type3A_2319 : vector<8x2040xf32>
    %reduce_sum3A_2452 = vector.shape_cast %mul3A_2451 : vector<8x2040xf32> to vector<1x8x2040xf32>
    %reduce_sum3A_2453 = arith.constant dense<0.000000e+00> : vector<1xf32>
    %reduce_sum3A_2454 = vector.multi_reduction <add>, %reduce_sum3A_2452, %reduce_sum3A_2453 [1, 2] : vector<1x8x2040xf32> to vector<1xf32>
    %reduce_sum3A_2455 = vector.shape_cast %reduce_sum3A_2454 : vector<1xf32> to vector<1x1x1xf32>
    %reduce_sum3A_2456 = vector.extract %reduce_sum3A_2455[0, 0, 0] : f32 from vector<1x1x1xf32>
    %add3A_2457 = arith.addf %add3A_2435, %reduce_sum3A_2456 : f32
    %broadcast_in_dim3A_2458 = arith.constant 0.000000e+00 : f32
    %broadcast_in_dim3A_2459 = vector.broadcast %broadcast_in_dim3A_2458 : f32 to vector<8x2040xf32>
    %broadcast_in_dim3A_2460 = arith.constant 0.000000e+00 : f32
    %broadcast_in_dim3A_2461 = vector.broadcast %broadcast_in_dim3A_2460 : f32 to vector<8x2040xf32>
    %get3A_2462 = arith.constant 0 : index
    %get3A_2463 = arith.constant 0 : index
    %get3A_2464 = arith.constant 0 : index
    %get3A_2465 = arith.constant 0 : index
    %get3A_2466 = vector.load %arg3[%get3A_2462, %get3A_2463, %get3A_2464, %get3A_2465] : memref<1x81x8x2040xf32, #tpu.memory_space<vmem>>, vector<1x1x8x2040xf32>
    %get3A_2467 = vector.shape_cast %get3A_2466 : vector<1x1x8x2040xf32> to vector<8x2040xf32>
    %exp3A_2468 = math.exp %get3A_2467 : vector<8x2040xf32>
    %add3A_2469 = arith.addf %broadcast_in_dim3A_2459, %exp3A_2468 : vector<8x2040xf32>
    %eq3A_2470 = arith.constant 0 : i32
    %eq3A_2471 = vector.broadcast %eq3A_2470 : i32 to vector<8x2040xi32>
    %eq3A_2472 = arith.cmpi eq, %select_n3A_2267, %eq3A_2471 : vector<8x2040xi32>
    %select_n3A_2473 = arith.select %eq3A_2472, %get3A_2467, %broadcast_in_dim3A_2461 : vector<8x2040xi1>, vector<8x2040xf32>
    %get3A_2474 = arith.constant 0 : index
    %get3A_2475 = arith.constant 1 : index
    %get3A_2476 = arith.constant 0 : index
    %get3A_2477 = arith.constant 0 : index
    %get3A_2478 = vector.load %arg3[%get3A_2474, %get3A_2475, %get3A_2476, %get3A_2477] : memref<1x81x8x2040xf32, #tpu.memory_space<vmem>>, vector<1x1x8x2040xf32>
    %get3A_2479 = vector.shape_cast %get3A_2478 : vector<1x1x8x2040xf32> to vector<8x2040xf32>
    %exp3A_2480 = math.exp %get3A_2479 : vector<8x2040xf32>
    %add3A_2481 = arith.addf %add3A_2469, %exp3A_2480 : vector<8x2040xf32>
    %eq3A_2482 = arith.constant 1 : i32
    %eq3A_2483 = vector.broadcast %eq3A_2482 : i32 to vector<8x2040xi32>
    %eq3A_2484 = arith.cmpi eq, %select_n3A_2267, %eq3A_2483 : vector<8x2040xi32>
    %select_n3A_2485 = arith.select %eq3A_2484, %get3A_2479, %select_n3A_2473 : vector<8x2040xi1>, vector<8x2040xf32>
    %get3A_2486 = arith.constant 0 : index
    %get3A_2487 = arith.constant 2 : index
    %get3A_2488 = arith.constant 0 : index
    %get3A_2489 = arith.constant 0 : index
    %get3A_2490 = vector.load %arg3[%get3A_2486, %get3A_2487, %get3A_2488, %get3A_2489] : memref<1x81x8x2040xf32, #tpu.memory_space<vmem>>, vector<1x1x8x2040xf32>
    %get3A_2491 = vector.shape_cast %get3A_2490 : vector<1x1x8x2040xf32> to vector<8x2040xf32>
    %exp3A_2492 = math.exp %get3A_2491 : vector<8x2040xf32>
    %add3A_2493 = arith.addf %add3A_2481, %exp3A_2492 : vector<8x2040xf32>
    %eq3A_2494 = arith.constant 2 : i32
    %eq3A_2495 = vector.broadcast %eq3A_2494 : i32 to vector<8x2040xi32>
    %eq3A_2496 = arith.cmpi eq, %select_n3A_2267, %eq3A_2495 : vector<8x2040xi32>
    %select_n3A_2497 = arith.select %eq3A_2496, %get3A_2491, %select_n3A_2485 : vector<8x2040xi1>, vector<8x2040xf32>
    %get3A_2498 = arith.constant 0 : index
    %get3A_2499 = arith.constant 3 : index
    %get3A_2500 = arith.constant 0 : index
    %get3A_2501 = arith.constant 0 : index
    %get3A_2502 = vector.load %arg3[%get3A_2498, %get3A_2499, %get3A_2500, %get3A_2501] : memref<1x81x8x2040xf32, #tpu.memory_space<vmem>>, vector<1x1x8x2040xf32>
    %get3A_2503 = vector.shape_cast %get3A_2502 : vector<1x1x8x2040xf32> to vector<8x2040xf32>
    %exp3A_2504 = math.exp %get3A_2503 : vector<8x2040xf32>
    %add3A_2505 = arith.addf %add3A_2493, %exp3A_2504 : vector<8x2040xf32>
    %eq3A_2506 = arith.constant 3 : i32
    %eq3A_2507 = vector.broadcast %eq3A_2506 : i32 to vector<8x2040xi32>
    %eq3A_2508 = arith.cmpi eq, %select_n3A_2267, %eq3A_2507 : vector<8x2040xi32>
    %select_n3A_2509 = arith.select %eq3A_2508, %get3A_2503, %select_n3A_2497 : vector<8x2040xi1>, vector<8x2040xf32>
    %get3A_2510 = arith.constant 0 : index
    %get3A_2511 = arith.constant 4 : index
    %get3A_2512 = arith.constant 0 : index
    %get3A_2513 = arith.constant 0 : index
    %get3A_2514 = vector.load %arg3[%get3A_2510, %get3A_2511, %get3A_2512, %get3A_2513] : memref<1x81x8x2040xf32, #tpu.memory_space<vmem>>, vector<1x1x8x2040xf32>
    %get3A_2515 = vector.shape_cast %get3A_2514 : vector<1x1x8x2040xf32> to vector<8x2040xf32>
    %exp3A_2516 = math.exp %get3A_2515 : vector<8x2040xf32>
    %add3A_2517 = arith.addf %add3A_2505, %exp3A_2516 : vector<8x2040xf32>
    %eq3A_2518 = arith.constant 4 : i32
    %eq3A_2519 = vector.broadcast %eq3A_2518 : i32 to vector<8x2040xi32>
    %eq3A_2520 = arith.cmpi eq, %select_n3A_2267, %eq3A_2519 : vector<8x2040xi32>
    %select_n3A_2521 = arith.select %eq3A_2520, %get3A_2515, %select_n3A_2509 : vector<8x2040xi1>, vector<8x2040xf32>
    %get3A_2522 = arith.constant 0 : index
    %get3A_2523 = arith.constant 5 : index
    %get3A_2524 = arith.constant 0 : index
    %get3A_2525 = arith.constant 0 : index
    %get3A_2526 = vector.load %arg3[%get3A_2522, %get3A_2523, %get3A_2524, %get3A_2525] : memref<1x81x8x2040xf32, #tpu.memory_space<vmem>>, vector<1x1x8x2040xf32>
    %get3A_2527 = vector.shape_cast %get3A_2526 : vector<1x1x8x2040xf32> to vector<8x2040xf32>
    %exp3A_2528 = math.exp %get3A_2527 : vector<8x2040xf32>
    %add3A_2529 = arith.addf %add3A_2517, %exp3A_2528 : vector<8x2040xf32>
    %eq3A_2530 = arith.constant 5 : i32
    %eq3A_2531 = vector.broadcast %eq3A_2530 : i32 to vector<8x2040xi32>
    %eq3A_2532 = arith.cmpi eq, %select_n3A_2267, %eq3A_2531 : vector<8x2040xi32>
    %select_n3A_2533 = arith.select %eq3A_2532, %get3A_2527, %select_n3A_2521 : vector<8x2040xi1>, vector<8x2040xf32>
    %get3A_2534 = arith.constant 0 : index
    %get3A_2535 = arith.constant 6 : index
    %get3A_2536 = arith.constant 0 : index
    %get3A_2537 = arith.constant 0 : index
    %get3A_2538 = vector.load %arg3[%get3A_2534, %get3A_2535, %get3A_2536, %get3A_2537] : memref<1x81x8x2040xf32, #tpu.memory_space<vmem>>, vector<1x1x8x2040xf32>
    %get3A_2539 = vector.shape_cast %get3A_2538 : vector<1x1x8x2040xf32> to vector<8x2040xf32>
    %exp3A_2540 = math.exp %get3A_2539 : vector<8x2040xf32>
    %add3A_2541 = arith.addf %add3A_2529, %exp3A_2540 : vector<8x2040xf32>
    %eq3A_2542 = arith.constant 6 : i32
    %eq3A_2543 = vector.broadcast %eq3A_2542 : i32 to vector<8x2040xi32>
    %eq3A_2544 = arith.cmpi eq, %select_n3A_2267, %eq3A_2543 : vector<8x2040xi32>
    %select_n3A_2545 = arith.select %eq3A_2544, %get3A_2539, %select_n3A_2533 : vector<8x2040xi1>, vector<8x2040xf32>
    %get3A_2546 = arith.constant 0 : index
    %get3A_2547 = arith.constant 7 : index
    %get3A_2548 = arith.constant 0 : index
    %get3A_2549 = arith.constant 0 : index
    %get3A_2550 = vector.load %arg3[%get3A_2546, %get3A_2547, %get3A_2548, %get3A_2549] : memref<1x81x8x2040xf32, #tpu.memory_space<vmem>>, vector<1x1x8x2040xf32>
    %get3A_2551 = vector.shape_cast %get3A_2550 : vector<1x1x8x2040xf32> to vector<8x2040xf32>
    %exp3A_2552 = math.exp %get3A_2551 : vector<8x2040xf32>
    %add3A_2553 = arith.addf %add3A_2541, %exp3A_2552 : vector<8x2040xf32>
    %eq3A_2554 = arith.constant 7 : i32
    %eq3A_2555 = vector.broadcast %eq3A_2554 : i32 to vector<8x2040xi32>
    %eq3A_2556 = arith.cmpi eq, %select_n3A_2267, %eq3A_2555 : vector<8x2040xi32>
    %select_n3A_2557 = arith.select %eq3A_2556, %get3A_2551, %select_n3A_2545 : vector<8x2040xi1>, vector<8x2040xf32>
    %get3A_2558 = arith.constant 0 : index
    %get3A_2559 = arith.constant 8 : index
    %get3A_2560 = arith.constant 0 : index
    %get3A_2561 = arith.constant 0 : index
    %get3A_2562 = vector.load %arg3[%get3A_2558, %get3A_2559, %get3A_2560, %get3A_2561] : memref<1x81x8x2040xf32, #tpu.memory_space<vmem>>, vector<1x1x8x2040xf32>
    %get3A_2563 = vector.shape_cast %get3A_2562 : vector<1x1x8x2040xf32> to vector<8x2040xf32>
    %exp3A_2564 = math.exp %get3A_2563 : vector<8x2040xf32>
    %add3A_2565 = arith.addf %add3A_2553, %exp3A_2564 : vector<8x2040xf32>
    %eq3A_2566 = arith.constant 8 : i32
    %eq3A_2567 = vector.broadcast %eq3A_2566 : i32 to vector<8x2040xi32>
    %eq3A_2568 = arith.cmpi eq, %select_n3A_2267, %eq3A_2567 : vector<8x2040xi32>
    %select_n3A_2569 = arith.select %eq3A_2568, %get3A_2563, %select_n3A_2557 : vector<8x2040xi1>, vector<8x2040xf32>
    %get3A_2570 = arith.constant 0 : index
    %get3A_2571 = arith.constant 9 : index
    %get3A_2572 = arith.constant 0 : index
    %get3A_2573 = arith.constant 0 : index
    %get3A_2574 = vector.load %arg3[%get3A_2570, %get3A_2571, %get3A_2572, %get3A_2573] : memref<1x81x8x2040xf32, #tpu.memory_space<vmem>>, vector<1x1x8x2040xf32>
    %get3A_2575 = vector.shape_cast %get3A_2574 : vector<1x1x8x2040xf32> to vector<8x2040xf32>
    %exp3A_2576 = math.exp %get3A_2575 : vector<8x2040xf32>
    %add3A_2577 = arith.addf %add3A_2565, %exp3A_2576 : vector<8x2040xf32>
    %eq3A_2578 = arith.constant 9 : i32
    %eq3A_2579 = vector.broadcast %eq3A_2578 : i32 to vector<8x2040xi32>
    %eq3A_2580 = arith.cmpi eq, %select_n3A_2267, %eq3A_2579 : vector<8x2040xi32>
    %select_n3A_2581 = arith.select %eq3A_2580, %get3A_2575, %select_n3A_2569 : vector<8x2040xi1>, vector<8x2040xf32>
    %get3A_2582 = arith.constant 0 : index
    %get3A_2583 = arith.constant 10 : index
    %get3A_2584 = arith.constant 0 : index
    %get3A_2585 = arith.constant 0 : index
    %get3A_2586 = vector.load %arg3[%get3A_2582, %get3A_2583, %get3A_2584, %get3A_2585] : memref<1x81x8x2040xf32, #tpu.memory_space<vmem>>, vector<1x1x8x2040xf32>
    %get3A_2587 = vector.shape_cast %get3A_2586 : vector<1x1x8x2040xf32> to vector<8x2040xf32>
    %exp3A_2588 = math.exp %get3A_2587 : vector<8x2040xf32>
    %add3A_2589 = arith.addf %add3A_2577, %exp3A_2588 : vector<8x2040xf32>
    %eq3A_2590 = arith.constant 10 : i32
    %eq3A_2591 = vector.broadcast %eq3A_2590 : i32 to vector<8x2040xi32>
    %eq3A_2592 = arith.cmpi eq, %select_n3A_2267, %eq3A_2591 : vector<8x2040xi32>
    %select_n3A_2593 = arith.select %eq3A_2592, %get3A_2587, %select_n3A_2581 : vector<8x2040xi1>, vector<8x2040xf32>
    %get3A_2594 = arith.constant 0 : index
    %get3A_2595 = arith.constant 11 : index
    %get3A_2596 = arith.constant 0 : index
    %get3A_2597 = arith.constant 0 : index
    %get3A_2598 = vector.load %arg3[%get3A_2594, %get3A_2595, %get3A_2596, %get3A_2597] : memref<1x81x8x2040xf32, #tpu.memory_space<vmem>>, vector<1x1x8x2040xf32>
    %get3A_2599 = vector.shape_cast %get3A_2598 : vector<1x1x8x2040xf32> to vector<8x2040xf32>
    %exp3A_2600 = math.exp %get3A_2599 : vector<8x2040xf32>
    %add3A_2601 = arith.addf %add3A_2589, %exp3A_2600 : vector<8x2040xf32>
    %eq3A_2602 = arith.constant 11 : i32
    %eq3A_2603 = vector.broadcast %eq3A_2602 : i32 to vector<8x2040xi32>
    %eq3A_2604 = arith.cmpi eq, %select_n3A_2267, %eq3A_2603 : vector<8x2040xi32>
    %select_n3A_2605 = arith.select %eq3A_2604, %get3A_2599, %select_n3A_2593 : vector<8x2040xi1>, vector<8x2040xf32>
    %get3A_2606 = arith.constant 0 : index
    %get3A_2607 = arith.constant 12 : index
    %get3A_2608 = arith.constant 0 : index
    %get3A_2609 = arith.constant 0 : index
    %get3A_2610 = vector.load %arg3[%get3A_2606, %get3A_2607, %get3A_2608, %get3A_2609] : memref<1x81x8x2040xf32, #tpu.memory_space<vmem>>, vector<1x1x8x2040xf32>
    %get3A_2611 = vector.shape_cast %get3A_2610 : vector<1x1x8x2040xf32> to vector<8x2040xf32>
    %exp3A_2612 = math.exp %get3A_2611 : vector<8x2040xf32>
    %add3A_2613 = arith.addf %add3A_2601, %exp3A_2612 : vector<8x2040xf32>
    %eq3A_2614 = arith.constant 12 : i32
    %eq3A_2615 = vector.broadcast %eq3A_2614 : i32 to vector<8x2040xi32>
    %eq3A_2616 = arith.cmpi eq, %select_n3A_2267, %eq3A_2615 : vector<8x2040xi32>
    %select_n3A_2617 = arith.select %eq3A_2616, %get3A_2611, %select_n3A_2605 : vector<8x2040xi1>, vector<8x2040xf32>
    %get3A_2618 = arith.constant 0 : index
    %get3A_2619 = arith.constant 13 : index
    %get3A_2620 = arith.constant 0 : index
    %get3A_2621 = arith.constant 0 : index
    %get3A_2622 = vector.load %arg3[%get3A_2618, %get3A_2619, %get3A_2620, %get3A_2621] : memref<1x81x8x2040xf32, #tpu.memory_space<vmem>>, vector<1x1x8x2040xf32>
    %get3A_2623 = vector.shape_cast %get3A_2622 : vector<1x1x8x2040xf32> to vector<8x2040xf32>
    %exp3A_2624 = math.exp %get3A_2623 : vector<8x2040xf32>
    %add3A_2625 = arith.addf %add3A_2613, %exp3A_2624 : vector<8x2040xf32>
    %eq3A_2626 = arith.constant 13 : i32
    %eq3A_2627 = vector.broadcast %eq3A_2626 : i32 to vector<8x2040xi32>
    %eq3A_2628 = arith.cmpi eq, %select_n3A_2267, %eq3A_2627 : vector<8x2040xi32>
    %select_n3A_2629 = arith.select %eq3A_2628, %get3A_2623, %select_n3A_2617 : vector<8x2040xi1>, vector<8x2040xf32>
    %get3A_2630 = arith.constant 0 : index
    %get3A_2631 = arith.constant 14 : index
    %get3A_2632 = arith.constant 0 : index
    %get3A_2633 = arith.constant 0 : index
    %get3A_2634 = vector.load %arg3[%get3A_2630, %get3A_2631, %get3A_2632, %get3A_2633] : memref<1x81x8x2040xf32, #tpu.memory_space<vmem>>, vector<1x1x8x2040xf32>
    %get3A_2635 = vector.shape_cast %get3A_2634 : vector<1x1x8x2040xf32> to vector<8x2040xf32>
    %exp3A_2636 = math.exp %get3A_2635 : vector<8x2040xf32>
    %add3A_2637 = arith.addf %add3A_2625, %exp3A_2636 : vector<8x2040xf32>
    %eq3A_2638 = arith.constant 14 : i32
    %eq3A_2639 = vector.broadcast %eq3A_2638 : i32 to vector<8x2040xi32>
    %eq3A_2640 = arith.cmpi eq, %select_n3A_2267, %eq3A_2639 : vector<8x2040xi32>
    %select_n3A_2641 = arith.select %eq3A_2640, %get3A_2635, %select_n3A_2629 : vector<8x2040xi1>, vector<8x2040xf32>
    %get3A_2642 = arith.constant 0 : index
    %get3A_2643 = arith.constant 15 : index
    %get3A_2644 = arith.constant 0 : index
    %get3A_2645 = arith.constant 0 : index
    %get3A_2646 = vector.load %arg3[%get3A_2642, %get3A_2643, %get3A_2644, %get3A_2645] : memref<1x81x8x2040xf32, #tpu.memory_space<vmem>>, vector<1x1x8x2040xf32>
    %get3A_2647 = vector.shape_cast %get3A_2646 : vector<1x1x8x2040xf32> to vector<8x2040xf32>
    %exp3A_2648 = math.exp %get3A_2647 : vector<8x2040xf32>
    %add3A_2649 = arith.addf %add3A_2637, %exp3A_2648 : vector<8x2040xf32>
    %eq3A_2650 = arith.constant 15 : i32
    %eq3A_2651 = vector.broadcast %eq3A_2650 : i32 to vector<8x2040xi32>
    %eq3A_2652 = arith.cmpi eq, %select_n3A_2267, %eq3A_2651 : vector<8x2040xi32>
    %select_n3A_2653 = arith.select %eq3A_2652, %get3A_2647, %select_n3A_2641 : vector<8x2040xi1>, vector<8x2040xf32>
    %get3A_2654 = arith.constant 0 : index
    %get3A_2655 = arith.constant 16 : index
    %get3A_2656 = arith.constant 0 : index
    %get3A_2657 = arith.constant 0 : index
    %get3A_2658 = vector.load %arg3[%get3A_2654, %get3A_2655, %get3A_2656, %get3A_2657] : memref<1x81x8x2040xf32, #tpu.memory_space<vmem>>, vector<1x1x8x2040xf32>
    %get3A_2659 = vector.shape_cast %get3A_2658 : vector<1x1x8x2040xf32> to vector<8x2040xf32>
    %exp3A_2660 = math.exp %get3A_2659 : vector<8x2040xf32>
    %add3A_2661 = arith.addf %add3A_2649, %exp3A_2660 : vector<8x2040xf32>
    %eq3A_2662 = arith.constant 16 : i32
    %eq3A_2663 = vector.broadcast %eq3A_2662 : i32 to vector<8x2040xi32>
    %eq3A_2664 = arith.cmpi eq, %select_n3A_2267, %eq3A_2663 : vector<8x2040xi32>
    %select_n3A_2665 = arith.select %eq3A_2664, %get3A_2659, %select_n3A_2653 : vector<8x2040xi1>, vector<8x2040xf32>
    %get3A_2666 = arith.constant 0 : index
    %get3A_2667 = arith.constant 17 : index
    %get3A_2668 = arith.constant 0 : index
    %get3A_2669 = arith.constant 0 : index
    %get3A_2670 = vector.load %arg3[%get3A_2666, %get3A_2667, %get3A_2668, %get3A_2669] : memref<1x81x8x2040xf32, #tpu.memory_space<vmem>>, vector<1x1x8x2040xf32>
    %get3A_2671 = vector.shape_cast %get3A_2670 : vector<1x1x8x2040xf32> to vector<8x2040xf32>
    %exp3A_2672 = math.exp %get3A_2671 : vector<8x2040xf32>
    %add3A_2673 = arith.addf %add3A_2661, %exp3A_2672 : vector<8x2040xf32>
    %eq3A_2674 = arith.constant 17 : i32
    %eq3A_2675 = vector.broadcast %eq3A_2674 : i32 to vector<8x2040xi32>
    %eq3A_2676 = arith.cmpi eq, %select_n3A_2267, %eq3A_2675 : vector<8x2040xi32>
    %select_n3A_2677 = arith.select %eq3A_2676, %get3A_2671, %select_n3A_2665 : vector<8x2040xi1>, vector<8x2040xf32>
    %get3A_2678 = arith.constant 0 : index
    %get3A_2679 = arith.constant 18 : index
    %get3A_2680 = arith.constant 0 : index
    %get3A_2681 = arith.constant 0 : index
    %get3A_2682 = vector.load %arg3[%get3A_2678, %get3A_2679, %get3A_2680, %get3A_2681] : memref<1x81x8x2040xf32, #tpu.memory_space<vmem>>, vector<1x1x8x2040xf32>
    %get3A_2683 = vector.shape_cast %get3A_2682 : vector<1x1x8x2040xf32> to vector<8x2040xf32>
    %exp3A_2684 = math.exp %get3A_2683 : vector<8x2040xf32>
    %add3A_2685 = arith.addf %add3A_2673, %exp3A_2684 : vector<8x2040xf32>
    %eq3A_2686 = arith.constant 18 : i32
    %eq3A_2687 = vector.broadcast %eq3A_2686 : i32 to vector<8x2040xi32>
    %eq3A_2688 = arith.cmpi eq, %select_n3A_2267, %eq3A_2687 : vector<8x2040xi32>
    %select_n3A_2689 = arith.select %eq3A_2688, %get3A_2683, %select_n3A_2677 : vector<8x2040xi1>, vector<8x2040xf32>
    %get3A_2690 = arith.constant 0 : index
    %get3A_2691 = arith.constant 19 : index
    %get3A_2692 = arith.constant 0 : index
    %get3A_2693 = arith.constant 0 : index
    %get3A_2694 = vector.load %arg3[%get3A_2690, %get3A_2691, %get3A_2692, %get3A_2693] : memref<1x81x8x2040xf32, #tpu.memory_space<vmem>>, vector<1x1x8x2040xf32>
    %get3A_2695 = vector.shape_cast %get3A_2694 : vector<1x1x8x2040xf32> to vector<8x2040xf32>
    %exp3A_2696 = math.exp %get3A_2695 : vector<8x2040xf32>
    %add3A_2697 = arith.addf %add3A_2685, %exp3A_2696 : vector<8x2040xf32>
    %eq3A_2698 = arith.constant 19 : i32
    %eq3A_2699 = vector.broadcast %eq3A_2698 : i32 to vector<8x2040xi32>
    %eq3A_2700 = arith.cmpi eq, %select_n3A_2267, %eq3A_2699 : vector<8x2040xi32>
    %select_n3A_2701 = arith.select %eq3A_2700, %get3A_2695, %select_n3A_2689 : vector<8x2040xi1>, vector<8x2040xf32>
    %get3A_2702 = arith.constant 0 : index
    %get3A_2703 = arith.constant 20 : index
    %get3A_2704 = arith.constant 0 : index
    %get3A_2705 = arith.constant 0 : index
    %get3A_2706 = vector.load %arg3[%get3A_2702, %get3A_2703, %get3A_2704, %get3A_2705] : memref<1x81x8x2040xf32, #tpu.memory_space<vmem>>, vector<1x1x8x2040xf32>
    %get3A_2707 = vector.shape_cast %get3A_2706 : vector<1x1x8x2040xf32> to vector<8x2040xf32>
    %exp3A_2708 = math.exp %get3A_2707 : vector<8x2040xf32>
    %add3A_2709 = arith.addf %add3A_2697, %exp3A_2708 : vector<8x2040xf32>
    %eq3A_2710 = arith.constant 20 : i32
    %eq3A_2711 = vector.broadcast %eq3A_2710 : i32 to vector<8x2040xi32>
    %eq3A_2712 = arith.cmpi eq, %select_n3A_2267, %eq3A_2711 : vector<8x2040xi32>
    %select_n3A_2713 = arith.select %eq3A_2712, %get3A_2707, %select_n3A_2701 : vector<8x2040xi1>, vector<8x2040xf32>
    %get3A_2714 = arith.constant 0 : index
    %get3A_2715 = arith.constant 21 : index
    %get3A_2716 = arith.constant 0 : index
    %get3A_2717 = arith.constant 0 : index
    %get3A_2718 = vector.load %arg3[%get3A_2714, %get3A_2715, %get3A_2716, %get3A_2717] : memref<1x81x8x2040xf32, #tpu.memory_space<vmem>>, vector<1x1x8x2040xf32>
    %get3A_2719 = vector.shape_cast %get3A_2718 : vector<1x1x8x2040xf32> to vector<8x2040xf32>
    %exp3A_2720 = math.exp %get3A_2719 : vector<8x2040xf32>
    %add3A_2721 = arith.addf %add3A_2709, %exp3A_2720 : vector<8x2040xf32>
    %eq3A_2722 = arith.constant 21 : i32
    %eq3A_2723 = vector.broadcast %eq3A_2722 : i32 to vector<8x2040xi32>
    %eq3A_2724 = arith.cmpi eq, %select_n3A_2267, %eq3A_2723 : vector<8x2040xi32>
    %select_n3A_2725 = arith.select %eq3A_2724, %get3A_2719, %select_n3A_2713 : vector<8x2040xi1>, vector<8x2040xf32>
    %get3A_2726 = arith.constant 0 : index
    %get3A_2727 = arith.constant 22 : index
    %get3A_2728 = arith.constant 0 : index
    %get3A_2729 = arith.constant 0 : index
    %get3A_2730 = vector.load %arg3[%get3A_2726, %get3A_2727, %get3A_2728, %get3A_2729] : memref<1x81x8x2040xf32, #tpu.memory_space<vmem>>, vector<1x1x8x2040xf32>
    %get3A_2731 = vector.shape_cast %get3A_2730 : vector<1x1x8x2040xf32> to vector<8x2040xf32>
    %exp3A_2732 = math.exp %get3A_2731 : vector<8x2040xf32>
    %add3A_2733 = arith.addf %add3A_2721, %exp3A_2732 : vector<8x2040xf32>
    %eq3A_2734 = arith.constant 22 : i32
    %eq3A_2735 = vector.broadcast %eq3A_2734 : i32 to vector<8x2040xi32>
    %eq3A_2736 = arith.cmpi eq, %select_n3A_2267, %eq3A_2735 : vector<8x2040xi32>
    %select_n3A_2737 = arith.select %eq3A_2736, %get3A_2731, %select_n3A_2725 : vector<8x2040xi1>, vector<8x2040xf32>
    %get3A_2738 = arith.constant 0 : index
    %get3A_2739 = arith.constant 23 : index
    %get3A_2740 = arith.constant 0 : index
    %get3A_2741 = arith.constant 0 : index
    %get3A_2742 = vector.load %arg3[%get3A_2738, %get3A_2739, %get3A_2740, %get3A_2741] : memref<1x81x8x2040xf32, #tpu.memory_space<vmem>>, vector<1x1x8x2040xf32>
    %get3A_2743 = vector.shape_cast %get3A_2742 : vector<1x1x8x2040xf32> to vector<8x2040xf32>
    %exp3A_2744 = math.exp %get3A_2743 : vector<8x2040xf32>
    %add3A_2745 = arith.addf %add3A_2733, %exp3A_2744 : vector<8x2040xf32>
    %eq3A_2746 = arith.constant 23 : i32
    %eq3A_2747 = vector.broadcast %eq3A_2746 : i32 to vector<8x2040xi32>
    %eq3A_2748 = arith.cmpi eq, %select_n3A_2267, %eq3A_2747 : vector<8x2040xi32>
    %select_n3A_2749 = arith.select %eq3A_2748, %get3A_2743, %select_n3A_2737 : vector<8x2040xi1>, vector<8x2040xf32>
    %get3A_2750 = arith.constant 0 : index
    %get3A_2751 = arith.constant 24 : index
    %get3A_2752 = arith.constant 0 : index
    %get3A_2753 = arith.constant 0 : index
    %get3A_2754 = vector.load %arg3[%get3A_2750, %get3A_2751, %get3A_2752, %get3A_2753] : memref<1x81x8x2040xf32, #tpu.memory_space<vmem>>, vector<1x1x8x2040xf32>
    %get3A_2755 = vector.shape_cast %get3A_2754 : vector<1x1x8x2040xf32> to vector<8x2040xf32>
    %exp3A_2756 = math.exp %get3A_2755 : vector<8x2040xf32>
    %add3A_2757 = arith.addf %add3A_2745, %exp3A_2756 : vector<8x2040xf32>
    %eq3A_2758 = arith.constant 24 : i32
    %eq3A_2759 = vector.broadcast %eq3A_2758 : i32 to vector<8x2040xi32>
    %eq3A_2760 = arith.cmpi eq, %select_n3A_2267, %eq3A_2759 : vector<8x2040xi32>
    %select_n3A_2761 = arith.select %eq3A_2760, %get3A_2755, %select_n3A_2749 : vector<8x2040xi1>, vector<8x2040xf32>
    %get3A_2762 = arith.constant 0 : index
    %get3A_2763 = arith.constant 25 : index
    %get3A_2764 = arith.constant 0 : index
    %get3A_2765 = arith.constant 0 : index
    %get3A_2766 = vector.load %arg3[%get3A_2762, %get3A_2763, %get3A_2764, %get3A_2765] : memref<1x81x8x2040xf32, #tpu.memory_space<vmem>>, vector<1x1x8x2040xf32>
    %get3A_2767 = vector.shape_cast %get3A_2766 : vector<1x1x8x2040xf32> to vector<8x2040xf32>
    %exp3A_2768 = math.exp %get3A_2767 : vector<8x2040xf32>
    %add3A_2769 = arith.addf %add3A_2757, %exp3A_2768 : vector<8x2040xf32>
    %eq3A_2770 = arith.constant 25 : i32
    %eq3A_2771 = vector.broadcast %eq3A_2770 : i32 to vector<8x2040xi32>
    %eq3A_2772 = arith.cmpi eq, %select_n3A_2267, %eq3A_2771 : vector<8x2040xi32>
    %select_n3A_2773 = arith.select %eq3A_2772, %get3A_2767, %select_n3A_2761 : vector<8x2040xi1>, vector<8x2040xf32>
    %get3A_2774 = arith.constant 0 : index
    %get3A_2775 = arith.constant 26 : index
    %get3A_2776 = arith.constant 0 : index
    %get3A_2777 = arith.constant 0 : index
    %get3A_2778 = vector.load %arg3[%get3A_2774, %get3A_2775, %get3A_2776, %get3A_2777] : memref<1x81x8x2040xf32, #tpu.memory_space<vmem>>, vector<1x1x8x2040xf32>
    %get3A_2779 = vector.shape_cast %get3A_2778 : vector<1x1x8x2040xf32> to vector<8x2040xf32>
    %exp3A_2780 = math.exp %get3A_2779 : vector<8x2040xf32>
    %add3A_2781 = arith.addf %add3A_2769, %exp3A_2780 : vector<8x2040xf32>
    %eq3A_2782 = arith.constant 26 : i32
    %eq3A_2783 = vector.broadcast %eq3A_2782 : i32 to vector<8x2040xi32>
    %eq3A_2784 = arith.cmpi eq, %select_n3A_2267, %eq3A_2783 : vector<8x2040xi32>
    %select_n3A_2785 = arith.select %eq3A_2784, %get3A_2779, %select_n3A_2773 : vector<8x2040xi1>, vector<8x2040xf32>
    %get3A_2786 = arith.constant 0 : index
    %get3A_2787 = arith.constant 27 : index
    %get3A_2788 = arith.constant 0 : index
    %get3A_2789 = arith.constant 0 : index
    %get3A_2790 = vector.load %arg3[%get3A_2786, %get3A_2787, %get3A_2788, %get3A_2789] : memref<1x81x8x2040xf32, #tpu.memory_space<vmem>>, vector<1x1x8x2040xf32>
    %get3A_2791 = vector.shape_cast %get3A_2790 : vector<1x1x8x2040xf32> to vector<8x2040xf32>
    %exp3A_2792 = math.exp %get3A_2791 : vector<8x2040xf32>
    %add3A_2793 = arith.addf %add3A_2781, %exp3A_2792 : vector<8x2040xf32>
    %eq3A_2794 = arith.constant 27 : i32
    %eq3A_2795 = vector.broadcast %eq3A_2794 : i32 to vector<8x2040xi32>
    %eq3A_2796 = arith.cmpi eq, %select_n3A_2267, %eq3A_2795 : vector<8x2040xi32>
    %select_n3A_2797 = arith.select %eq3A_2796, %get3A_2791, %select_n3A_2785 : vector<8x2040xi1>, vector<8x2040xf32>
    %get3A_2798 = arith.constant 0 : index
    %get3A_2799 = arith.constant 28 : index
    %get3A_2800 = arith.constant 0 : index
    %get3A_2801 = arith.constant 0 : index
    %get3A_2802 = vector.load %arg3[%get3A_2798, %get3A_2799, %get3A_2800, %get3A_2801] : memref<1x81x8x2040xf32, #tpu.memory_space<vmem>>, vector<1x1x8x2040xf32>
    %get3A_2803 = vector.shape_cast %get3A_2802 : vector<1x1x8x2040xf32> to vector<8x2040xf32>
    %exp3A_2804 = math.exp %get3A_2803 : vector<8x2040xf32>
    %add3A_2805 = arith.addf %add3A_2793, %exp3A_2804 : vector<8x2040xf32>
    %eq3A_2806 = arith.constant 28 : i32
    %eq3A_2807 = vector.broadcast %eq3A_2806 : i32 to vector<8x2040xi32>
    %eq3A_2808 = arith.cmpi eq, %select_n3A_2267, %eq3A_2807 : vector<8x2040xi32>
    %select_n3A_2809 = arith.select %eq3A_2808, %get3A_2803, %select_n3A_2797 : vector<8x2040xi1>, vector<8x2040xf32>
    %get3A_2810 = arith.constant 0 : index
    %get3A_2811 = arith.constant 29 : index
    %get3A_2812 = arith.constant 0 : index
    %get3A_2813 = arith.constant 0 : index
    %get3A_2814 = vector.load %arg3[%get3A_2810, %get3A_2811, %get3A_2812, %get3A_2813] : memref<1x81x8x2040xf32, #tpu.memory_space<vmem>>, vector<1x1x8x2040xf32>
    %get3A_2815 = vector.shape_cast %get3A_2814 : vector<1x1x8x2040xf32> to vector<8x2040xf32>
    %exp3A_2816 = math.exp %get3A_2815 : vector<8x2040xf32>
    %add3A_2817 = arith.addf %add3A_2805, %exp3A_2816 : vector<8x2040xf32>
    %eq3A_2818 = arith.constant 29 : i32
    %eq3A_2819 = vector.broadcast %eq3A_2818 : i32 to vector<8x2040xi32>
    %eq3A_2820 = arith.cmpi eq, %select_n3A_2267, %eq3A_2819 : vector<8x2040xi32>
    %select_n3A_2821 = arith.select %eq3A_2820, %get3A_2815, %select_n3A_2809 : vector<8x2040xi1>, vector<8x2040xf32>
    %get3A_2822 = arith.constant 0 : index
    %get3A_2823 = arith.constant 30 : index
    %get3A_2824 = arith.constant 0 : index
    %get3A_2825 = arith.constant 0 : index
    %get3A_2826 = vector.load %arg3[%get3A_2822, %get3A_2823, %get3A_2824, %get3A_2825] : memref<1x81x8x2040xf32, #tpu.memory_space<vmem>>, vector<1x1x8x2040xf32>
    %get3A_2827 = vector.shape_cast %get3A_2826 : vector<1x1x8x2040xf32> to vector<8x2040xf32>
    %exp3A_2828 = math.exp %get3A_2827 : vector<8x2040xf32>
    %add3A_2829 = arith.addf %add3A_2817, %exp3A_2828 : vector<8x2040xf32>
    %eq3A_2830 = arith.constant 30 : i32
    %eq3A_2831 = vector.broadcast %eq3A_2830 : i32 to vector<8x2040xi32>
    %eq3A_2832 = arith.cmpi eq, %select_n3A_2267, %eq3A_2831 : vector<8x2040xi32>
    %select_n3A_2833 = arith.select %eq3A_2832, %get3A_2827, %select_n3A_2821 : vector<8x2040xi1>, vector<8x2040xf32>
    %get3A_2834 = arith.constant 0 : index
    %get3A_2835 = arith.constant 31 : index
    %get3A_2836 = arith.constant 0 : index
    %get3A_2837 = arith.constant 0 : index
    %get3A_2838 = vector.load %arg3[%get3A_2834, %get3A_2835, %get3A_2836, %get3A_2837] : memref<1x81x8x2040xf32, #tpu.memory_space<vmem>>, vector<1x1x8x2040xf32>
    %get3A_2839 = vector.shape_cast %get3A_2838 : vector<1x1x8x2040xf32> to vector<8x2040xf32>
    %exp3A_2840 = math.exp %get3A_2839 : vector<8x2040xf32>
    %add3A_2841 = arith.addf %add3A_2829, %exp3A_2840 : vector<8x2040xf32>
    %eq3A_2842 = arith.constant 31 : i32
    %eq3A_2843 = vector.broadcast %eq3A_2842 : i32 to vector<8x2040xi32>
    %eq3A_2844 = arith.cmpi eq, %select_n3A_2267, %eq3A_2843 : vector<8x2040xi32>
    %select_n3A_2845 = arith.select %eq3A_2844, %get3A_2839, %select_n3A_2833 : vector<8x2040xi1>, vector<8x2040xf32>
    %get3A_2846 = arith.constant 0 : index
    %get3A_2847 = arith.constant 32 : index
    %get3A_2848 = arith.constant 0 : index
    %get3A_2849 = arith.constant 0 : index
    %get3A_2850 = vector.load %arg3[%get3A_2846, %get3A_2847, %get3A_2848, %get3A_2849] : memref<1x81x8x2040xf32, #tpu.memory_space<vmem>>, vector<1x1x8x2040xf32>
    %get3A_2851 = vector.shape_cast %get3A_2850 : vector<1x1x8x2040xf32> to vector<8x2040xf32>
    %exp3A_2852 = math.exp %get3A_2851 : vector<8x2040xf32>
    %add3A_2853 = arith.addf %add3A_2841, %exp3A_2852 : vector<8x2040xf32>
    %eq3A_2854 = arith.constant 32 : i32
    %eq3A_2855 = vector.broadcast %eq3A_2854 : i32 to vector<8x2040xi32>
    %eq3A_2856 = arith.cmpi eq, %select_n3A_2267, %eq3A_2855 : vector<8x2040xi32>
    %select_n3A_2857 = arith.select %eq3A_2856, %get3A_2851, %select_n3A_2845 : vector<8x2040xi1>, vector<8x2040xf32>
    %get3A_2858 = arith.constant 0 : index
    %get3A_2859 = arith.constant 33 : index
    %get3A_2860 = arith.constant 0 : index
    %get3A_2861 = arith.constant 0 : index
    %get3A_2862 = vector.load %arg3[%get3A_2858, %get3A_2859, %get3A_2860, %get3A_2861] : memref<1x81x8x2040xf32, #tpu.memory_space<vmem>>, vector<1x1x8x2040xf32>
    %get3A_2863 = vector.shape_cast %get3A_2862 : vector<1x1x8x2040xf32> to vector<8x2040xf32>
    %exp3A_2864 = math.exp %get3A_2863 : vector<8x2040xf32>
    %add3A_2865 = arith.addf %add3A_2853, %exp3A_2864 : vector<8x2040xf32>
    %eq3A_2866 = arith.constant 33 : i32
    %eq3A_2867 = vector.broadcast %eq3A_2866 : i32 to vector<8x2040xi32>
    %eq3A_2868 = arith.cmpi eq, %select_n3A_2267, %eq3A_2867 : vector<8x2040xi32>
    %select_n3A_2869 = arith.select %eq3A_2868, %get3A_2863, %select_n3A_2857 : vector<8x2040xi1>, vector<8x2040xf32>
    %get3A_2870 = arith.constant 0 : index
    %get3A_2871 = arith.constant 34 : index
    %get3A_2872 = arith.constant 0 : index
    %get3A_2873 = arith.constant 0 : index
    %get3A_2874 = vector.load %arg3[%get3A_2870, %get3A_2871, %get3A_2872, %get3A_2873] : memref<1x81x8x2040xf32, #tpu.memory_space<vmem>>, vector<1x1x8x2040xf32>
    %get3A_2875 = vector.shape_cast %get3A_2874 : vector<1x1x8x2040xf32> to vector<8x2040xf32>
    %exp3A_2876 = math.exp %get3A_2875 : vector<8x2040xf32>
    %add3A_2877 = arith.addf %add3A_2865, %exp3A_2876 : vector<8x2040xf32>
    %eq3A_2878 = arith.constant 34 : i32
    %eq3A_2879 = vector.broadcast %eq3A_2878 : i32 to vector<8x2040xi32>
    %eq3A_2880 = arith.cmpi eq, %select_n3A_2267, %eq3A_2879 : vector<8x2040xi32>
    %select_n3A_2881 = arith.select %eq3A_2880, %get3A_2875, %select_n3A_2869 : vector<8x2040xi1>, vector<8x2040xf32>
    %get3A_2882 = arith.constant 0 : index
    %get3A_2883 = arith.constant 35 : index
    %get3A_2884 = arith.constant 0 : index
    %get3A_2885 = arith.constant 0 : index
    %get3A_2886 = vector.load %arg3[%get3A_2882, %get3A_2883, %get3A_2884, %get3A_2885] : memref<1x81x8x2040xf32, #tpu.memory_space<vmem>>, vector<1x1x8x2040xf32>
    %get3A_2887 = vector.shape_cast %get3A_2886 : vector<1x1x8x2040xf32> to vector<8x2040xf32>
    %exp3A_2888 = math.exp %get3A_2887 : vector<8x2040xf32>
    %add3A_2889 = arith.addf %add3A_2877, %exp3A_2888 : vector<8x2040xf32>
    %eq3A_2890 = arith.constant 35 : i32
    %eq3A_2891 = vector.broadcast %eq3A_2890 : i32 to vector<8x2040xi32>
    %eq3A_2892 = arith.cmpi eq, %select_n3A_2267, %eq3A_2891 : vector<8x2040xi32>
    %select_n3A_2893 = arith.select %eq3A_2892, %get3A_2887, %select_n3A_2881 : vector<8x2040xi1>, vector<8x2040xf32>
    %get3A_2894 = arith.constant 0 : index
    %get3A_2895 = arith.constant 36 : index
    %get3A_2896 = arith.constant 0 : index
    %get3A_2897 = arith.constant 0 : index
    %get3A_2898 = vector.load %arg3[%get3A_2894, %get3A_2895, %get3A_2896, %get3A_2897] : memref<1x81x8x2040xf32, #tpu.memory_space<vmem>>, vector<1x1x8x2040xf32>
    %get3A_2899 = vector.shape_cast %get3A_2898 : vector<1x1x8x2040xf32> to vector<8x2040xf32>
    %exp3A_2900 = math.exp %get3A_2899 : vector<8x2040xf32>
    %add3A_2901 = arith.addf %add3A_2889, %exp3A_2900 : vector<8x2040xf32>
    %eq3A_2902 = arith.constant 36 : i32
    %eq3A_2903 = vector.broadcast %eq3A_2902 : i32 to vector<8x2040xi32>
    %eq3A_2904 = arith.cmpi eq, %select_n3A_2267, %eq3A_2903 : vector<8x2040xi32>
    %select_n3A_2905 = arith.select %eq3A_2904, %get3A_2899, %select_n3A_2893 : vector<8x2040xi1>, vector<8x2040xf32>
    %get3A_2906 = arith.constant 0 : index
    %get3A_2907 = arith.constant 37 : index
    %get3A_2908 = arith.constant 0 : index
    %get3A_2909 = arith.constant 0 : index
    %get3A_2910 = vector.load %arg3[%get3A_2906, %get3A_2907, %get3A_2908, %get3A_2909] : memref<1x81x8x2040xf32, #tpu.memory_space<vmem>>, vector<1x1x8x2040xf32>
    %get3A_2911 = vector.shape_cast %get3A_2910 : vector<1x1x8x2040xf32> to vector<8x2040xf32>
    %exp3A_2912 = math.exp %get3A_2911 : vector<8x2040xf32>
    %add3A_2913 = arith.addf %add3A_2901, %exp3A_2912 : vector<8x2040xf32>
    %eq3A_2914 = arith.constant 37 : i32
    %eq3A_2915 = vector.broadcast %eq3A_2914 : i32 to vector<8x2040xi32>
    %eq3A_2916 = arith.cmpi eq, %select_n3A_2267, %eq3A_2915 : vector<8x2040xi32>
    %select_n3A_2917 = arith.select %eq3A_2916, %get3A_2911, %select_n3A_2905 : vector<8x2040xi1>, vector<8x2040xf32>
    %get3A_2918 = arith.constant 0 : index
    %get3A_2919 = arith.constant 38 : index
    %get3A_2920 = arith.constant 0 : index
    %get3A_2921 = arith.constant 0 : index
    %get3A_2922 = vector.load %arg3[%get3A_2918, %get3A_2919, %get3A_2920, %get3A_2921] : memref<1x81x8x2040xf32, #tpu.memory_space<vmem>>, vector<1x1x8x2040xf32>
    %get3A_2923 = vector.shape_cast %get3A_2922 : vector<1x1x8x2040xf32> to vector<8x2040xf32>
    %exp3A_2924 = math.exp %get3A_2923 : vector<8x2040xf32>
    %add3A_2925 = arith.addf %add3A_2913, %exp3A_2924 : vector<8x2040xf32>
    %eq3A_2926 = arith.constant 38 : i32
    %eq3A_2927 = vector.broadcast %eq3A_2926 : i32 to vector<8x2040xi32>
    %eq3A_2928 = arith.cmpi eq, %select_n3A_2267, %eq3A_2927 : vector<8x2040xi32>
    %select_n3A_2929 = arith.select %eq3A_2928, %get3A_2923, %select_n3A_2917 : vector<8x2040xi1>, vector<8x2040xf32>
    %get3A_2930 = arith.constant 0 : index
    %get3A_2931 = arith.constant 39 : index
    %get3A_2932 = arith.constant 0 : index
    %get3A_2933 = arith.constant 0 : index
    %get3A_2934 = vector.load %arg3[%get3A_2930, %get3A_2931, %get3A_2932, %get3A_2933] : memref<1x81x8x2040xf32, #tpu.memory_space<vmem>>, vector<1x1x8x2040xf32>
    %get3A_2935 = vector.shape_cast %get3A_2934 : vector<1x1x8x2040xf32> to vector<8x2040xf32>
    %exp3A_2936 = math.exp %get3A_2935 : vector<8x2040xf32>
    %add3A_2937 = arith.addf %add3A_2925, %exp3A_2936 : vector<8x2040xf32>
    %eq3A_2938 = arith.constant 39 : i32
    %eq3A_2939 = vector.broadcast %eq3A_2938 : i32 to vector<8x2040xi32>
    %eq3A_2940 = arith.cmpi eq, %select_n3A_2267, %eq3A_2939 : vector<8x2040xi32>
    %select_n3A_2941 = arith.select %eq3A_2940, %get3A_2935, %select_n3A_2929 : vector<8x2040xi1>, vector<8x2040xf32>
    %get3A_2942 = arith.constant 0 : index
    %get3A_2943 = arith.constant 40 : index
    %get3A_2944 = arith.constant 0 : index
    %get3A_2945 = arith.constant 0 : index
    %get3A_2946 = vector.load %arg3[%get3A_2942, %get3A_2943, %get3A_2944, %get3A_2945] : memref<1x81x8x2040xf32, #tpu.memory_space<vmem>>, vector<1x1x8x2040xf32>
    %get3A_2947 = vector.shape_cast %get3A_2946 : vector<1x1x8x2040xf32> to vector<8x2040xf32>
    %exp3A_2948 = math.exp %get3A_2947 : vector<8x2040xf32>
    %add3A_2949 = arith.addf %add3A_2937, %exp3A_2948 : vector<8x2040xf32>
    %eq3A_2950 = arith.constant 40 : i32
    %eq3A_2951 = vector.broadcast %eq3A_2950 : i32 to vector<8x2040xi32>
    %eq3A_2952 = arith.cmpi eq, %select_n3A_2267, %eq3A_2951 : vector<8x2040xi32>
    %select_n3A_2953 = arith.select %eq3A_2952, %get3A_2947, %select_n3A_2941 : vector<8x2040xi1>, vector<8x2040xf32>
    %get3A_2954 = arith.constant 0 : index
    %get3A_2955 = arith.constant 41 : index
    %get3A_2956 = arith.constant 0 : index
    %get3A_2957 = arith.constant 0 : index
    %get3A_2958 = vector.load %arg3[%get3A_2954, %get3A_2955, %get3A_2956, %get3A_2957] : memref<1x81x8x2040xf32, #tpu.memory_space<vmem>>, vector<1x1x8x2040xf32>
    %get3A_2959 = vector.shape_cast %get3A_2958 : vector<1x1x8x2040xf32> to vector<8x2040xf32>
    %exp3A_2960 = math.exp %get3A_2959 : vector<8x2040xf32>
    %add3A_2961 = arith.addf %add3A_2949, %exp3A_2960 : vector<8x2040xf32>
    %eq3A_2962 = arith.constant 41 : i32
    %eq3A_2963 = vector.broadcast %eq3A_2962 : i32 to vector<8x2040xi32>
    %eq3A_2964 = arith.cmpi eq, %select_n3A_2267, %eq3A_2963 : vector<8x2040xi32>
    %select_n3A_2965 = arith.select %eq3A_2964, %get3A_2959, %select_n3A_2953 : vector<8x2040xi1>, vector<8x2040xf32>
    %get3A_2966 = arith.constant 0 : index
    %get3A_2967 = arith.constant 42 : index
    %get3A_2968 = arith.constant 0 : index
    %get3A_2969 = arith.constant 0 : index
    %get3A_2970 = vector.load %arg3[%get3A_2966, %get3A_2967, %get3A_2968, %get3A_2969] : memref<1x81x8x2040xf32, #tpu.memory_space<vmem>>, vector<1x1x8x2040xf32>
    %get3A_2971 = vector.shape_cast %get3A_2970 : vector<1x1x8x2040xf32> to vector<8x2040xf32>
    %exp3A_2972 = math.exp %get3A_2971 : vector<8x2040xf32>
    %add3A_2973 = arith.addf %add3A_2961, %exp3A_2972 : vector<8x2040xf32>
    %eq3A_2974 = arith.constant 42 : i32
    %eq3A_2975 = vector.broadcast %eq3A_2974 : i32 to vector<8x2040xi32>
    %eq3A_2976 = arith.cmpi eq, %select_n3A_2267, %eq3A_2975 : vector<8x2040xi32>
    %select_n3A_2977 = arith.select %eq3A_2976, %get3A_2971, %select_n3A_2965 : vector<8x2040xi1>, vector<8x2040xf32>
    %get3A_2978 = arith.constant 0 : index
    %get3A_2979 = arith.constant 43 : index
    %get3A_2980 = arith.constant 0 : index
    %get3A_2981 = arith.constant 0 : index
    %get3A_2982 = vector.load %arg3[%get3A_2978, %get3A_2979, %get3A_2980, %get3A_2981] : memref<1x81x8x2040xf32, #tpu.memory_space<vmem>>, vector<1x1x8x2040xf32>
    %get3A_2983 = vector.shape_cast %get3A_2982 : vector<1x1x8x2040xf32> to vector<8x2040xf32>
    %exp3A_2984 = math.exp %get3A_2983 : vector<8x2040xf32>
    %add3A_2985 = arith.addf %add3A_2973, %exp3A_2984 : vector<8x2040xf32>
    %eq3A_2986 = arith.constant 43 : i32
    %eq3A_2987 = vector.broadcast %eq3A_2986 : i32 to vector<8x2040xi32>
    %eq3A_2988 = arith.cmpi eq, %select_n3A_2267, %eq3A_2987 : vector<8x2040xi32>
    %select_n3A_2989 = arith.select %eq3A_2988, %get3A_2983, %select_n3A_2977 : vector<8x2040xi1>, vector<8x2040xf32>
    %get3A_2990 = arith.constant 0 : index
    %get3A_2991 = arith.constant 44 : index
    %get3A_2992 = arith.constant 0 : index
    %get3A_2993 = arith.constant 0 : index
    %get3A_2994 = vector.load %arg3[%get3A_2990, %get3A_2991, %get3A_2992, %get3A_2993] : memref<1x81x8x2040xf32, #tpu.memory_space<vmem>>, vector<1x1x8x2040xf32>
    %get3A_2995 = vector.shape_cast %get3A_2994 : vector<1x1x8x2040xf32> to vector<8x2040xf32>
    %exp3A_2996 = math.exp %get3A_2995 : vector<8x2040xf32>
    %add3A_2997 = arith.addf %add3A_2985, %exp3A_2996 : vector<8x2040xf32>
    %eq3A_2998 = arith.constant 44 : i32
    %eq3A_2999 = vector.broadcast %eq3A_2998 : i32 to vector<8x2040xi32>
    %eq3A_3000 = arith.cmpi eq, %select_n3A_2267, %eq3A_2999 : vector<8x2040xi32>
    %select_n3A_3001 = arith.select %eq3A_3000, %get3A_2995, %select_n3A_2989 : vector<8x2040xi1>, vector<8x2040xf32>
    %get3A_3002 = arith.constant 0 : index
    %get3A_3003 = arith.constant 45 : index
    %get3A_3004 = arith.constant 0 : index
    %get3A_3005 = arith.constant 0 : index
    %get3A_3006 = vector.load %arg3[%get3A_3002, %get3A_3003, %get3A_3004, %get3A_3005] : memref<1x81x8x2040xf32, #tpu.memory_space<vmem>>, vector<1x1x8x2040xf32>
    %get3A_3007 = vector.shape_cast %get3A_3006 : vector<1x1x8x2040xf32> to vector<8x2040xf32>
    %exp3A_3008 = math.exp %get3A_3007 : vector<8x2040xf32>
    %add3A_3009 = arith.addf %add3A_2997, %exp3A_3008 : vector<8x2040xf32>
    %eq3A_3010 = arith.constant 45 : i32
    %eq3A_3011 = vector.broadcast %eq3A_3010 : i32 to vector<8x2040xi32>
    %eq3A_3012 = arith.cmpi eq, %select_n3A_2267, %eq3A_3011 : vector<8x2040xi32>
    %select_n3A_3013 = arith.select %eq3A_3012, %get3A_3007, %select_n3A_3001 : vector<8x2040xi1>, vector<8x2040xf32>
    %get3A_3014 = arith.constant 0 : index
    %get3A_3015 = arith.constant 46 : index
    %get3A_3016 = arith.constant 0 : index
    %get3A_3017 = arith.constant 0 : index
    %get3A_3018 = vector.load %arg3[%get3A_3014, %get3A_3015, %get3A_3016, %get3A_3017] : memref<1x81x8x2040xf32, #tpu.memory_space<vmem>>, vector<1x1x8x2040xf32>
    %get3A_3019 = vector.shape_cast %get3A_3018 : vector<1x1x8x2040xf32> to vector<8x2040xf32>
    %exp3A_3020 = math.exp %get3A_3019 : vector<8x2040xf32>
    %add3A_3021 = arith.addf %add3A_3009, %exp3A_3020 : vector<8x2040xf32>
    %eq3A_3022 = arith.constant 46 : i32
    %eq3A_3023 = vector.broadcast %eq3A_3022 : i32 to vector<8x2040xi32>
    %eq3A_3024 = arith.cmpi eq, %select_n3A_2267, %eq3A_3023 : vector<8x2040xi32>
    %select_n3A_3025 = arith.select %eq3A_3024, %get3A_3019, %select_n3A_3013 : vector<8x2040xi1>, vector<8x2040xf32>
    %get3A_3026 = arith.constant 0 : index
    %get3A_3027 = arith.constant 47 : index
    %get3A_3028 = arith.constant 0 : index
    %get3A_3029 = arith.constant 0 : index
    %get3A_3030 = vector.load %arg3[%get3A_3026, %get3A_3027, %get3A_3028, %get3A_3029] : memref<1x81x8x2040xf32, #tpu.memory_space<vmem>>, vector<1x1x8x2040xf32>
    %get3A_3031 = vector.shape_cast %get3A_3030 : vector<1x1x8x2040xf32> to vector<8x2040xf32>
    %exp3A_3032 = math.exp %get3A_3031 : vector<8x2040xf32>
    %add3A_3033 = arith.addf %add3A_3021, %exp3A_3032 : vector<8x2040xf32>
    %eq3A_3034 = arith.constant 47 : i32
    %eq3A_3035 = vector.broadcast %eq3A_3034 : i32 to vector<8x2040xi32>
    %eq3A_3036 = arith.cmpi eq, %select_n3A_2267, %eq3A_3035 : vector<8x2040xi32>
    %select_n3A_3037 = arith.select %eq3A_3036, %get3A_3031, %select_n3A_3025 : vector<8x2040xi1>, vector<8x2040xf32>
    %get3A_3038 = arith.constant 0 : index
    %get3A_3039 = arith.constant 48 : index
    %get3A_3040 = arith.constant 0 : index
    %get3A_3041 = arith.constant 0 : index
    %get3A_3042 = vector.load %arg3[%get3A_3038, %get3A_3039, %get3A_3040, %get3A_3041] : memref<1x81x8x2040xf32, #tpu.memory_space<vmem>>, vector<1x1x8x2040xf32>
    %get3A_3043 = vector.shape_cast %get3A_3042 : vector<1x1x8x2040xf32> to vector<8x2040xf32>
    %exp3A_3044 = math.exp %get3A_3043 : vector<8x2040xf32>
    %add3A_3045 = arith.addf %add3A_3033, %exp3A_3044 : vector<8x2040xf32>
    %eq3A_3046 = arith.constant 48 : i32
    %eq3A_3047 = vector.broadcast %eq3A_3046 : i32 to vector<8x2040xi32>
    %eq3A_3048 = arith.cmpi eq, %select_n3A_2267, %eq3A_3047 : vector<8x2040xi32>
    %select_n3A_3049 = arith.select %eq3A_3048, %get3A_3043, %select_n3A_3037 : vector<8x2040xi1>, vector<8x2040xf32>
    %get3A_3050 = arith.constant 0 : index
    %get3A_3051 = arith.constant 49 : index
    %get3A_3052 = arith.constant 0 : index
    %get3A_3053 = arith.constant 0 : index
    %get3A_3054 = vector.load %arg3[%get3A_3050, %get3A_3051, %get3A_3052, %get3A_3053] : memref<1x81x8x2040xf32, #tpu.memory_space<vmem>>, vector<1x1x8x2040xf32>
    %get3A_3055 = vector.shape_cast %get3A_3054 : vector<1x1x8x2040xf32> to vector<8x2040xf32>
    %exp3A_3056 = math.exp %get3A_3055 : vector<8x2040xf32>
    %add3A_3057 = arith.addf %add3A_3045, %exp3A_3056 : vector<8x2040xf32>
    %eq3A_3058 = arith.constant 49 : i32
    %eq3A_3059 = vector.broadcast %eq3A_3058 : i32 to vector<8x2040xi32>
    %eq3A_3060 = arith.cmpi eq, %select_n3A_2267, %eq3A_3059 : vector<8x2040xi32>
    %select_n3A_3061 = arith.select %eq3A_3060, %get3A_3055, %select_n3A_3049 : vector<8x2040xi1>, vector<8x2040xf32>
    %get3A_3062 = arith.constant 0 : index
    %get3A_3063 = arith.constant 50 : index
    %get3A_3064 = arith.constant 0 : index
    %get3A_3065 = arith.constant 0 : index
    %get3A_3066 = vector.load %arg3[%get3A_3062, %get3A_3063, %get3A_3064, %get3A_3065] : memref<1x81x8x2040xf32, #tpu.memory_space<vmem>>, vector<1x1x8x2040xf32>
    %get3A_3067 = vector.shape_cast %get3A_3066 : vector<1x1x8x2040xf32> to vector<8x2040xf32>
    %exp3A_3068 = math.exp %get3A_3067 : vector<8x2040xf32>
    %add3A_3069 = arith.addf %add3A_3057, %exp3A_3068 : vector<8x2040xf32>
    %eq3A_3070 = arith.constant 50 : i32
    %eq3A_3071 = vector.broadcast %eq3A_3070 : i32 to vector<8x2040xi32>
    %eq3A_3072 = arith.cmpi eq, %select_n3A_2267, %eq3A_3071 : vector<8x2040xi32>
    %select_n3A_3073 = arith.select %eq3A_3072, %get3A_3067, %select_n3A_3061 : vector<8x2040xi1>, vector<8x2040xf32>
    %get3A_3074 = arith.constant 0 : index
    %get3A_3075 = arith.constant 51 : index
    %get3A_3076 = arith.constant 0 : index
    %get3A_3077 = arith.constant 0 : index
    %get3A_3078 = vector.load %arg3[%get3A_3074, %get3A_3075, %get3A_3076, %get3A_3077] : memref<1x81x8x2040xf32, #tpu.memory_space<vmem>>, vector<1x1x8x2040xf32>
    %get3A_3079 = vector.shape_cast %get3A_3078 : vector<1x1x8x2040xf32> to vector<8x2040xf32>
    %exp3A_3080 = math.exp %get3A_3079 : vector<8x2040xf32>
    %add3A_3081 = arith.addf %add3A_3069, %exp3A_3080 : vector<8x2040xf32>
    %eq3A_3082 = arith.constant 51 : i32
    %eq3A_3083 = vector.broadcast %eq3A_3082 : i32 to vector<8x2040xi32>
    %eq3A_3084 = arith.cmpi eq, %select_n3A_2267, %eq3A_3083 : vector<8x2040xi32>
    %select_n3A_3085 = arith.select %eq3A_3084, %get3A_3079, %select_n3A_3073 : vector<8x2040xi1>, vector<8x2040xf32>
    %get3A_3086 = arith.constant 0 : index
    %get3A_3087 = arith.constant 52 : index
    %get3A_3088 = arith.constant 0 : index
    %get3A_3089 = arith.constant 0 : index
    %get3A_3090 = vector.load %arg3[%get3A_3086, %get3A_3087, %get3A_3088, %get3A_3089] : memref<1x81x8x2040xf32, #tpu.memory_space<vmem>>, vector<1x1x8x2040xf32>
    %get3A_3091 = vector.shape_cast %get3A_3090 : vector<1x1x8x2040xf32> to vector<8x2040xf32>
    %exp3A_3092 = math.exp %get3A_3091 : vector<8x2040xf32>
    %add3A_3093 = arith.addf %add3A_3081, %exp3A_3092 : vector<8x2040xf32>
    %eq3A_3094 = arith.constant 52 : i32
    %eq3A_3095 = vector.broadcast %eq3A_3094 : i32 to vector<8x2040xi32>
    %eq3A_3096 = arith.cmpi eq, %select_n3A_2267, %eq3A_3095 : vector<8x2040xi32>
    %select_n3A_3097 = arith.select %eq3A_3096, %get3A_3091, %select_n3A_3085 : vector<8x2040xi1>, vector<8x2040xf32>
    %get3A_3098 = arith.constant 0 : index
    %get3A_3099 = arith.constant 53 : index
    %get3A_3100 = arith.constant 0 : index
    %get3A_3101 = arith.constant 0 : index
    %get3A_3102 = vector.load %arg3[%get3A_3098, %get3A_3099, %get3A_3100, %get3A_3101] : memref<1x81x8x2040xf32, #tpu.memory_space<vmem>>, vector<1x1x8x2040xf32>
    %get3A_3103 = vector.shape_cast %get3A_3102 : vector<1x1x8x2040xf32> to vector<8x2040xf32>
    %exp3A_3104 = math.exp %get3A_3103 : vector<8x2040xf32>
    %add3A_3105 = arith.addf %add3A_3093, %exp3A_3104 : vector<8x2040xf32>
    %eq3A_3106 = arith.constant 53 : i32
    %eq3A_3107 = vector.broadcast %eq3A_3106 : i32 to vector<8x2040xi32>
    %eq3A_3108 = arith.cmpi eq, %select_n3A_2267, %eq3A_3107 : vector<8x2040xi32>
    %select_n3A_3109 = arith.select %eq3A_3108, %get3A_3103, %select_n3A_3097 : vector<8x2040xi1>, vector<8x2040xf32>
    %get3A_3110 = arith.constant 0 : index
    %get3A_3111 = arith.constant 54 : index
    %get3A_3112 = arith.constant 0 : index
    %get3A_3113 = arith.constant 0 : index
    %get3A_3114 = vector.load %arg3[%get3A_3110, %get3A_3111, %get3A_3112, %get3A_3113] : memref<1x81x8x2040xf32, #tpu.memory_space<vmem>>, vector<1x1x8x2040xf32>
    %get3A_3115 = vector.shape_cast %get3A_3114 : vector<1x1x8x2040xf32> to vector<8x2040xf32>
    %exp3A_3116 = math.exp %get3A_3115 : vector<8x2040xf32>
    %add3A_3117 = arith.addf %add3A_3105, %exp3A_3116 : vector<8x2040xf32>
    %eq3A_3118 = arith.constant 54 : i32
    %eq3A_3119 = vector.broadcast %eq3A_3118 : i32 to vector<8x2040xi32>
    %eq3A_3120 = arith.cmpi eq, %select_n3A_2267, %eq3A_3119 : vector<8x2040xi32>
    %select_n3A_3121 = arith.select %eq3A_3120, %get3A_3115, %select_n3A_3109 : vector<8x2040xi1>, vector<8x2040xf32>
    %get3A_3122 = arith.constant 0 : index
    %get3A_3123 = arith.constant 55 : index
    %get3A_3124 = arith.constant 0 : index
    %get3A_3125 = arith.constant 0 : index
    %get3A_3126 = vector.load %arg3[%get3A_3122, %get3A_3123, %get3A_3124, %get3A_3125] : memref<1x81x8x2040xf32, #tpu.memory_space<vmem>>, vector<1x1x8x2040xf32>
    %get3A_3127 = vector.shape_cast %get3A_3126 : vector<1x1x8x2040xf32> to vector<8x2040xf32>
    %exp3A_3128 = math.exp %get3A_3127 : vector<8x2040xf32>
    %add3A_3129 = arith.addf %add3A_3117, %exp3A_3128 : vector<8x2040xf32>
    %eq3A_3130 = arith.constant 55 : i32
    %eq3A_3131 = vector.broadcast %eq3A_3130 : i32 to vector<8x2040xi32>
    %eq3A_3132 = arith.cmpi eq, %select_n3A_2267, %eq3A_3131 : vector<8x2040xi32>
    %select_n3A_3133 = arith.select %eq3A_3132, %get3A_3127, %select_n3A_3121 : vector<8x2040xi1>, vector<8x2040xf32>
    %get3A_3134 = arith.constant 0 : index
    %get3A_3135 = arith.constant 56 : index
    %get3A_3136 = arith.constant 0 : index
    %get3A_3137 = arith.constant 0 : index
    %get3A_3138 = vector.load %arg3[%get3A_3134, %get3A_3135, %get3A_3136, %get3A_3137] : memref<1x81x8x2040xf32, #tpu.memory_space<vmem>>, vector<1x1x8x2040xf32>
    %get3A_3139 = vector.shape_cast %get3A_3138 : vector<1x1x8x2040xf32> to vector<8x2040xf32>
    %exp3A_3140 = math.exp %get3A_3139 : vector<8x2040xf32>
    %add3A_3141 = arith.addf %add3A_3129, %exp3A_3140 : vector<8x2040xf32>
    %eq3A_3142 = arith.constant 56 : i32
    %eq3A_3143 = vector.broadcast %eq3A_3142 : i32 to vector<8x2040xi32>
    %eq3A_3144 = arith.cmpi eq, %select_n3A_2267, %eq3A_3143 : vector<8x2040xi32>
    %select_n3A_3145 = arith.select %eq3A_3144, %get3A_3139, %select_n3A_3133 : vector<8x2040xi1>, vector<8x2040xf32>
    %get3A_3146 = arith.constant 0 : index
    %get3A_3147 = arith.constant 57 : index
    %get3A_3148 = arith.constant 0 : index
    %get3A_3149 = arith.constant 0 : index
    %get3A_3150 = vector.load %arg3[%get3A_3146, %get3A_3147, %get3A_3148, %get3A_3149] : memref<1x81x8x2040xf32, #tpu.memory_space<vmem>>, vector<1x1x8x2040xf32>
    %get3A_3151 = vector.shape_cast %get3A_3150 : vector<1x1x8x2040xf32> to vector<8x2040xf32>
    %exp3A_3152 = math.exp %get3A_3151 : vector<8x2040xf32>
    %add3A_3153 = arith.addf %add3A_3141, %exp3A_3152 : vector<8x2040xf32>
    %eq3A_3154 = arith.constant 57 : i32
    %eq3A_3155 = vector.broadcast %eq3A_3154 : i32 to vector<8x2040xi32>
    %eq3A_3156 = arith.cmpi eq, %select_n3A_2267, %eq3A_3155 : vector<8x2040xi32>
    %select_n3A_3157 = arith.select %eq3A_3156, %get3A_3151, %select_n3A_3145 : vector<8x2040xi1>, vector<8x2040xf32>
    %get3A_3158 = arith.constant 0 : index
    %get3A_3159 = arith.constant 58 : index
    %get3A_3160 = arith.constant 0 : index
    %get3A_3161 = arith.constant 0 : index
    %get3A_3162 = vector.load %arg3[%get3A_3158, %get3A_3159, %get3A_3160, %get3A_3161] : memref<1x81x8x2040xf32, #tpu.memory_space<vmem>>, vector<1x1x8x2040xf32>
    %get3A_3163 = vector.shape_cast %get3A_3162 : vector<1x1x8x2040xf32> to vector<8x2040xf32>
    %exp3A_3164 = math.exp %get3A_3163 : vector<8x2040xf32>
    %add3A_3165 = arith.addf %add3A_3153, %exp3A_3164 : vector<8x2040xf32>
    %eq3A_3166 = arith.constant 58 : i32
    %eq3A_3167 = vector.broadcast %eq3A_3166 : i32 to vector<8x2040xi32>
    %eq3A_3168 = arith.cmpi eq, %select_n3A_2267, %eq3A_3167 : vector<8x2040xi32>
    %select_n3A_3169 = arith.select %eq3A_3168, %get3A_3163, %select_n3A_3157 : vector<8x2040xi1>, vector<8x2040xf32>
    %get3A_3170 = arith.constant 0 : index
    %get3A_3171 = arith.constant 59 : index
    %get3A_3172 = arith.constant 0 : index
    %get3A_3173 = arith.constant 0 : index
    %get3A_3174 = vector.load %arg3[%get3A_3170, %get3A_3171, %get3A_3172, %get3A_3173] : memref<1x81x8x2040xf32, #tpu.memory_space<vmem>>, vector<1x1x8x2040xf32>
    %get3A_3175 = vector.shape_cast %get3A_3174 : vector<1x1x8x2040xf32> to vector<8x2040xf32>
    %exp3A_3176 = math.exp %get3A_3175 : vector<8x2040xf32>
    %add3A_3177 = arith.addf %add3A_3165, %exp3A_3176 : vector<8x2040xf32>
    %eq3A_3178 = arith.constant 59 : i32
    %eq3A_3179 = vector.broadcast %eq3A_3178 : i32 to vector<8x2040xi32>
    %eq3A_3180 = arith.cmpi eq, %select_n3A_2267, %eq3A_3179 : vector<8x2040xi32>
    %select_n3A_3181 = arith.select %eq3A_3180, %get3A_3175, %select_n3A_3169 : vector<8x2040xi1>, vector<8x2040xf32>
    %get3A_3182 = arith.constant 0 : index
    %get3A_3183 = arith.constant 60 : index
    %get3A_3184 = arith.constant 0 : index
    %get3A_3185 = arith.constant 0 : index
    %get3A_3186 = vector.load %arg3[%get3A_3182, %get3A_3183, %get3A_3184, %get3A_3185] : memref<1x81x8x2040xf32, #tpu.memory_space<vmem>>, vector<1x1x8x2040xf32>
    %get3A_3187 = vector.shape_cast %get3A_3186 : vector<1x1x8x2040xf32> to vector<8x2040xf32>
    %exp3A_3188 = math.exp %get3A_3187 : vector<8x2040xf32>
    %add3A_3189 = arith.addf %add3A_3177, %exp3A_3188 : vector<8x2040xf32>
    %eq3A_3190 = arith.constant 60 : i32
    %eq3A_3191 = vector.broadcast %eq3A_3190 : i32 to vector<8x2040xi32>
    %eq3A_3192 = arith.cmpi eq, %select_n3A_2267, %eq3A_3191 : vector<8x2040xi32>
    %select_n3A_3193 = arith.select %eq3A_3192, %get3A_3187, %select_n3A_3181 : vector<8x2040xi1>, vector<8x2040xf32>
    %get3A_3194 = arith.constant 0 : index
    %get3A_3195 = arith.constant 61 : index
    %get3A_3196 = arith.constant 0 : index
    %get3A_3197 = arith.constant 0 : index
    %get3A_3198 = vector.load %arg3[%get3A_3194, %get3A_3195, %get3A_3196, %get3A_3197] : memref<1x81x8x2040xf32, #tpu.memory_space<vmem>>, vector<1x1x8x2040xf32>
    %get3A_3199 = vector.shape_cast %get3A_3198 : vector<1x1x8x2040xf32> to vector<8x2040xf32>
    %exp3A_3200 = math.exp %get3A_3199 : vector<8x2040xf32>
    %add3A_3201 = arith.addf %add3A_3189, %exp3A_3200 : vector<8x2040xf32>
    %eq3A_3202 = arith.constant 61 : i32
    %eq3A_3203 = vector.broadcast %eq3A_3202 : i32 to vector<8x2040xi32>
    %eq3A_3204 = arith.cmpi eq, %select_n3A_2267, %eq3A_3203 : vector<8x2040xi32>
    %select_n3A_3205 = arith.select %eq3A_3204, %get3A_3199, %select_n3A_3193 : vector<8x2040xi1>, vector<8x2040xf32>
    %get3A_3206 = arith.constant 0 : index
    %get3A_3207 = arith.constant 62 : index
    %get3A_3208 = arith.constant 0 : index
    %get3A_3209 = arith.constant 0 : index
    %get3A_3210 = vector.load %arg3[%get3A_3206, %get3A_3207, %get3A_3208, %get3A_3209] : memref<1x81x8x2040xf32, #tpu.memory_space<vmem>>, vector<1x1x8x2040xf32>
    %get3A_3211 = vector.shape_cast %get3A_3210 : vector<1x1x8x2040xf32> to vector<8x2040xf32>
    %exp3A_3212 = math.exp %get3A_3211 : vector<8x2040xf32>
    %add3A_3213 = arith.addf %add3A_3201, %exp3A_3212 : vector<8x2040xf32>
    %eq3A_3214 = arith.constant 62 : i32
    %eq3A_3215 = vector.broadcast %eq3A_3214 : i32 to vector<8x2040xi32>
    %eq3A_3216 = arith.cmpi eq, %select_n3A_2267, %eq3A_3215 : vector<8x2040xi32>
    %select_n3A_3217 = arith.select %eq3A_3216, %get3A_3211, %select_n3A_3205 : vector<8x2040xi1>, vector<8x2040xf32>
    %get3A_3218 = arith.constant 0 : index
    %get3A_3219 = arith.constant 63 : index
    %get3A_3220 = arith.constant 0 : index
    %get3A_3221 = arith.constant 0 : index
    %get3A_3222 = vector.load %arg3[%get3A_3218, %get3A_3219, %get3A_3220, %get3A_3221] : memref<1x81x8x2040xf32, #tpu.memory_space<vmem>>, vector<1x1x8x2040xf32>
    %get3A_3223 = vector.shape_cast %get3A_3222 : vector<1x1x8x2040xf32> to vector<8x2040xf32>
    %exp3A_3224 = math.exp %get3A_3223 : vector<8x2040xf32>
    %add3A_3225 = arith.addf %add3A_3213, %exp3A_3224 : vector<8x2040xf32>
    %eq3A_3226 = arith.constant 63 : i32
    %eq3A_3227 = vector.broadcast %eq3A_3226 : i32 to vector<8x2040xi32>
    %eq3A_3228 = arith.cmpi eq, %select_n3A_2267, %eq3A_3227 : vector<8x2040xi32>
    %select_n3A_3229 = arith.select %eq3A_3228, %get3A_3223, %select_n3A_3217 : vector<8x2040xi1>, vector<8x2040xf32>
    %get3A_3230 = arith.constant 0 : index
    %get3A_3231 = arith.constant 64 : index
    %get3A_3232 = arith.constant 0 : index
    %get3A_3233 = arith.constant 0 : index
    %get3A_3234 = vector.load %arg3[%get3A_3230, %get3A_3231, %get3A_3232, %get3A_3233] : memref<1x81x8x2040xf32, #tpu.memory_space<vmem>>, vector<1x1x8x2040xf32>
    %get3A_3235 = vector.shape_cast %get3A_3234 : vector<1x1x8x2040xf32> to vector<8x2040xf32>
    %exp3A_3236 = math.exp %get3A_3235 : vector<8x2040xf32>
    %add3A_3237 = arith.addf %add3A_3225, %exp3A_3236 : vector<8x2040xf32>
    %eq3A_3238 = arith.constant 64 : i32
    %eq3A_3239 = vector.broadcast %eq3A_3238 : i32 to vector<8x2040xi32>
    %eq3A_3240 = arith.cmpi eq, %select_n3A_2267, %eq3A_3239 : vector<8x2040xi32>
    %select_n3A_3241 = arith.select %eq3A_3240, %get3A_3235, %select_n3A_3229 : vector<8x2040xi1>, vector<8x2040xf32>
    %get3A_3242 = arith.constant 0 : index
    %get3A_3243 = arith.constant 65 : index
    %get3A_3244 = arith.constant 0 : index
    %get3A_3245 = arith.constant 0 : index
    %get3A_3246 = vector.load %arg3[%get3A_3242, %get3A_3243, %get3A_3244, %get3A_3245] : memref<1x81x8x2040xf32, #tpu.memory_space<vmem>>, vector<1x1x8x2040xf32>
    %get3A_3247 = vector.shape_cast %get3A_3246 : vector<1x1x8x2040xf32> to vector<8x2040xf32>
    %exp3A_3248 = math.exp %get3A_3247 : vector<8x2040xf32>
    %add3A_3249 = arith.addf %add3A_3237, %exp3A_3248 : vector<8x2040xf32>
    %eq3A_3250 = arith.constant 65 : i32
    %eq3A_3251 = vector.broadcast %eq3A_3250 : i32 to vector<8x2040xi32>
    %eq3A_3252 = arith.cmpi eq, %select_n3A_2267, %eq3A_3251 : vector<8x2040xi32>
    %select_n3A_3253 = arith.select %eq3A_3252, %get3A_3247, %select_n3A_3241 : vector<8x2040xi1>, vector<8x2040xf32>
    %get3A_3254 = arith.constant 0 : index
    %get3A_3255 = arith.constant 66 : index
    %get3A_3256 = arith.constant 0 : index
    %get3A_3257 = arith.constant 0 : index
    %get3A_3258 = vector.load %arg3[%get3A_3254, %get3A_3255, %get3A_3256, %get3A_3257] : memref<1x81x8x2040xf32, #tpu.memory_space<vmem>>, vector<1x1x8x2040xf32>
    %get3A_3259 = vector.shape_cast %get3A_3258 : vector<1x1x8x2040xf32> to vector<8x2040xf32>
    %exp3A_3260 = math.exp %get3A_3259 : vector<8x2040xf32>
    %add3A_3261 = arith.addf %add3A_3249, %exp3A_3260 : vector<8x2040xf32>
    %eq3A_3262 = arith.constant 66 : i32
    %eq3A_3263 = vector.broadcast %eq3A_3262 : i32 to vector<8x2040xi32>
    %eq3A_3264 = arith.cmpi eq, %select_n3A_2267, %eq3A_3263 : vector<8x2040xi32>
    %select_n3A_3265 = arith.select %eq3A_3264, %get3A_3259, %select_n3A_3253 : vector<8x2040xi1>, vector<8x2040xf32>
    %get3A_3266 = arith.constant 0 : index
    %get3A_3267 = arith.constant 67 : index
    %get3A_3268 = arith.constant 0 : index
    %get3A_3269 = arith.constant 0 : index
    %get3A_3270 = vector.load %arg3[%get3A_3266, %get3A_3267, %get3A_3268, %get3A_3269] : memref<1x81x8x2040xf32, #tpu.memory_space<vmem>>, vector<1x1x8x2040xf32>
    %get3A_3271 = vector.shape_cast %get3A_3270 : vector<1x1x8x2040xf32> to vector<8x2040xf32>
    %exp3A_3272 = math.exp %get3A_3271 : vector<8x2040xf32>
    %add3A_3273 = arith.addf %add3A_3261, %exp3A_3272 : vector<8x2040xf32>
    %eq3A_3274 = arith.constant 67 : i32
    %eq3A_3275 = vector.broadcast %eq3A_3274 : i32 to vector<8x2040xi32>
    %eq3A_3276 = arith.cmpi eq, %select_n3A_2267, %eq3A_3275 : vector<8x2040xi32>
    %select_n3A_3277 = arith.select %eq3A_3276, %get3A_3271, %select_n3A_3265 : vector<8x2040xi1>, vector<8x2040xf32>
    %get3A_3278 = arith.constant 0 : index
    %get3A_3279 = arith.constant 68 : index
    %get3A_3280 = arith.constant 0 : index
    %get3A_3281 = arith.constant 0 : index
    %get3A_3282 = vector.load %arg3[%get3A_3278, %get3A_3279, %get3A_3280, %get3A_3281] : memref<1x81x8x2040xf32, #tpu.memory_space<vmem>>, vector<1x1x8x2040xf32>
    %get3A_3283 = vector.shape_cast %get3A_3282 : vector<1x1x8x2040xf32> to vector<8x2040xf32>
    %exp3A_3284 = math.exp %get3A_3283 : vector<8x2040xf32>
    %add3A_3285 = arith.addf %add3A_3273, %exp3A_3284 : vector<8x2040xf32>
    %eq3A_3286 = arith.constant 68 : i32
    %eq3A_3287 = vector.broadcast %eq3A_3286 : i32 to vector<8x2040xi32>
    %eq3A_3288 = arith.cmpi eq, %select_n3A_2267, %eq3A_3287 : vector<8x2040xi32>
    %select_n3A_3289 = arith.select %eq3A_3288, %get3A_3283, %select_n3A_3277 : vector<8x2040xi1>, vector<8x2040xf32>
    %get3A_3290 = arith.constant 0 : index
    %get3A_3291 = arith.constant 69 : index
    %get3A_3292 = arith.constant 0 : index
    %get3A_3293 = arith.constant 0 : index
    %get3A_3294 = vector.load %arg3[%get3A_3290, %get3A_3291, %get3A_3292, %get3A_3293] : memref<1x81x8x2040xf32, #tpu.memory_space<vmem>>, vector<1x1x8x2040xf32>
    %get3A_3295 = vector.shape_cast %get3A_3294 : vector<1x1x8x2040xf32> to vector<8x2040xf32>
    %exp3A_3296 = math.exp %get3A_3295 : vector<8x2040xf32>
    %add3A_3297 = arith.addf %add3A_3285, %exp3A_3296 : vector<8x2040xf32>
    %eq3A_3298 = arith.constant 69 : i32
    %eq3A_3299 = vector.broadcast %eq3A_3298 : i32 to vector<8x2040xi32>
    %eq3A_3300 = arith.cmpi eq, %select_n3A_2267, %eq3A_3299 : vector<8x2040xi32>
    %select_n3A_3301 = arith.select %eq3A_3300, %get3A_3295, %select_n3A_3289 : vector<8x2040xi1>, vector<8x2040xf32>
    %get3A_3302 = arith.constant 0 : index
    %get3A_3303 = arith.constant 70 : index
    %get3A_3304 = arith.constant 0 : index
    %get3A_3305 = arith.constant 0 : index
    %get3A_3306 = vector.load %arg3[%get3A_3302, %get3A_3303, %get3A_3304, %get3A_3305] : memref<1x81x8x2040xf32, #tpu.memory_space<vmem>>, vector<1x1x8x2040xf32>
    %get3A_3307 = vector.shape_cast %get3A_3306 : vector<1x1x8x2040xf32> to vector<8x2040xf32>
    %exp3A_3308 = math.exp %get3A_3307 : vector<8x2040xf32>
    %add3A_3309 = arith.addf %add3A_3297, %exp3A_3308 : vector<8x2040xf32>
    %eq3A_3310 = arith.constant 70 : i32
    %eq3A_3311 = vector.broadcast %eq3A_3310 : i32 to vector<8x2040xi32>
    %eq3A_3312 = arith.cmpi eq, %select_n3A_2267, %eq3A_3311 : vector<8x2040xi32>
    %select_n3A_3313 = arith.select %eq3A_3312, %get3A_3307, %select_n3A_3301 : vector<8x2040xi1>, vector<8x2040xf32>
    %get3A_3314 = arith.constant 0 : index
    %get3A_3315 = arith.constant 71 : index
    %get3A_3316 = arith.constant 0 : index
    %get3A_3317 = arith.constant 0 : index
    %get3A_3318 = vector.load %arg3[%get3A_3314, %get3A_3315, %get3A_3316, %get3A_3317] : memref<1x81x8x2040xf32, #tpu.memory_space<vmem>>, vector<1x1x8x2040xf32>
    %get3A_3319 = vector.shape_cast %get3A_3318 : vector<1x1x8x2040xf32> to vector<8x2040xf32>
    %exp3A_3320 = math.exp %get3A_3319 : vector<8x2040xf32>
    %add3A_3321 = arith.addf %add3A_3309, %exp3A_3320 : vector<8x2040xf32>
    %eq3A_3322 = arith.constant 71 : i32
    %eq3A_3323 = vector.broadcast %eq3A_3322 : i32 to vector<8x2040xi32>
    %eq3A_3324 = arith.cmpi eq, %select_n3A_2267, %eq3A_3323 : vector<8x2040xi32>
    %select_n3A_3325 = arith.select %eq3A_3324, %get3A_3319, %select_n3A_3313 : vector<8x2040xi1>, vector<8x2040xf32>
    %get3A_3326 = arith.constant 0 : index
    %get3A_3327 = arith.constant 72 : index
    %get3A_3328 = arith.constant 0 : index
    %get3A_3329 = arith.constant 0 : index
    %get3A_3330 = vector.load %arg3[%get3A_3326, %get3A_3327, %get3A_3328, %get3A_3329] : memref<1x81x8x2040xf32, #tpu.memory_space<vmem>>, vector<1x1x8x2040xf32>
    %get3A_3331 = vector.shape_cast %get3A_3330 : vector<1x1x8x2040xf32> to vector<8x2040xf32>
    %exp3A_3332 = math.exp %get3A_3331 : vector<8x2040xf32>
    %add3A_3333 = arith.addf %add3A_3321, %exp3A_3332 : vector<8x2040xf32>
    %eq3A_3334 = arith.constant 72 : i32
    %eq3A_3335 = vector.broadcast %eq3A_3334 : i32 to vector<8x2040xi32>
    %eq3A_3336 = arith.cmpi eq, %select_n3A_2267, %eq3A_3335 : vector<8x2040xi32>
    %select_n3A_3337 = arith.select %eq3A_3336, %get3A_3331, %select_n3A_3325 : vector<8x2040xi1>, vector<8x2040xf32>
    %get3A_3338 = arith.constant 0 : index
    %get3A_3339 = arith.constant 73 : index
    %get3A_3340 = arith.constant 0 : index
    %get3A_3341 = arith.constant 0 : index
    %get3A_3342 = vector.load %arg3[%get3A_3338, %get3A_3339, %get3A_3340, %get3A_3341] : memref<1x81x8x2040xf32, #tpu.memory_space<vmem>>, vector<1x1x8x2040xf32>
    %get3A_3343 = vector.shape_cast %get3A_3342 : vector<1x1x8x2040xf32> to vector<8x2040xf32>
    %exp3A_3344 = math.exp %get3A_3343 : vector<8x2040xf32>
    %add3A_3345 = arith.addf %add3A_3333, %exp3A_3344 : vector<8x2040xf32>
    %eq3A_3346 = arith.constant 73 : i32
    %eq3A_3347 = vector.broadcast %eq3A_3346 : i32 to vector<8x2040xi32>
    %eq3A_3348 = arith.cmpi eq, %select_n3A_2267, %eq3A_3347 : vector<8x2040xi32>
    %select_n3A_3349 = arith.select %eq3A_3348, %get3A_3343, %select_n3A_3337 : vector<8x2040xi1>, vector<8x2040xf32>
    %get3A_3350 = arith.constant 0 : index
    %get3A_3351 = arith.constant 74 : index
    %get3A_3352 = arith.constant 0 : index
    %get3A_3353 = arith.constant 0 : index
    %get3A_3354 = vector.load %arg3[%get3A_3350, %get3A_3351, %get3A_3352, %get3A_3353] : memref<1x81x8x2040xf32, #tpu.memory_space<vmem>>, vector<1x1x8x2040xf32>
    %get3A_3355 = vector.shape_cast %get3A_3354 : vector<1x1x8x2040xf32> to vector<8x2040xf32>
    %exp3A_3356 = math.exp %get3A_3355 : vector<8x2040xf32>
    %add3A_3357 = arith.addf %add3A_3345, %exp3A_3356 : vector<8x2040xf32>
    %eq3A_3358 = arith.constant 74 : i32
    %eq3A_3359 = vector.broadcast %eq3A_3358 : i32 to vector<8x2040xi32>
    %eq3A_3360 = arith.cmpi eq, %select_n3A_2267, %eq3A_3359 : vector<8x2040xi32>
    %select_n3A_3361 = arith.select %eq3A_3360, %get3A_3355, %select_n3A_3349 : vector<8x2040xi1>, vector<8x2040xf32>
    %get3A_3362 = arith.constant 0 : index
    %get3A_3363 = arith.constant 75 : index
    %get3A_3364 = arith.constant 0 : index
    %get3A_3365 = arith.constant 0 : index
    %get3A_3366 = vector.load %arg3[%get3A_3362, %get3A_3363, %get3A_3364, %get3A_3365] : memref<1x81x8x2040xf32, #tpu.memory_space<vmem>>, vector<1x1x8x2040xf32>
    %get3A_3367 = vector.shape_cast %get3A_3366 : vector<1x1x8x2040xf32> to vector<8x2040xf32>
    %exp3A_3368 = math.exp %get3A_3367 : vector<8x2040xf32>
    %add3A_3369 = arith.addf %add3A_3357, %exp3A_3368 : vector<8x2040xf32>
    %eq3A_3370 = arith.constant 75 : i32
    %eq3A_3371 = vector.broadcast %eq3A_3370 : i32 to vector<8x2040xi32>
    %eq3A_3372 = arith.cmpi eq, %select_n3A_2267, %eq3A_3371 : vector<8x2040xi32>
    %select_n3A_3373 = arith.select %eq3A_3372, %get3A_3367, %select_n3A_3361 : vector<8x2040xi1>, vector<8x2040xf32>
    %get3A_3374 = arith.constant 0 : index
    %get3A_3375 = arith.constant 76 : index
    %get3A_3376 = arith.constant 0 : index
    %get3A_3377 = arith.constant 0 : index
    %get3A_3378 = vector.load %arg3[%get3A_3374, %get3A_3375, %get3A_3376, %get3A_3377] : memref<1x81x8x2040xf32, #tpu.memory_space<vmem>>, vector<1x1x8x2040xf32>
    %get3A_3379 = vector.shape_cast %get3A_3378 : vector<1x1x8x2040xf32> to vector<8x2040xf32>
    %exp3A_3380 = math.exp %get3A_3379 : vector<8x2040xf32>
    %add3A_3381 = arith.addf %add3A_3369, %exp3A_3380 : vector<8x2040xf32>
    %eq3A_3382 = arith.constant 76 : i32
    %eq3A_3383 = vector.broadcast %eq3A_3382 : i32 to vector<8x2040xi32>
    %eq3A_3384 = arith.cmpi eq, %select_n3A_2267, %eq3A_3383 : vector<8x2040xi32>
    %select_n3A_3385 = arith.select %eq3A_3384, %get3A_3379, %select_n3A_3373 : vector<8x2040xi1>, vector<8x2040xf32>
    %get3A_3386 = arith.constant 0 : index
    %get3A_3387 = arith.constant 77 : index
    %get3A_3388 = arith.constant 0 : index
    %get3A_3389 = arith.constant 0 : index
    %get3A_3390 = vector.load %arg3[%get3A_3386, %get3A_3387, %get3A_3388, %get3A_3389] : memref<1x81x8x2040xf32, #tpu.memory_space<vmem>>, vector<1x1x8x2040xf32>
    %get3A_3391 = vector.shape_cast %get3A_3390 : vector<1x1x8x2040xf32> to vector<8x2040xf32>
    %exp3A_3392 = math.exp %get3A_3391 : vector<8x2040xf32>
    %add3A_3393 = arith.addf %add3A_3381, %exp3A_3392 : vector<8x2040xf32>
    %eq3A_3394 = arith.constant 77 : i32
    %eq3A_3395 = vector.broadcast %eq3A_3394 : i32 to vector<8x2040xi32>
    %eq3A_3396 = arith.cmpi eq, %select_n3A_2267, %eq3A_3395 : vector<8x2040xi32>
    %select_n3A_3397 = arith.select %eq3A_3396, %get3A_3391, %select_n3A_3385 : vector<8x2040xi1>, vector<8x2040xf32>
    %get3A_3398 = arith.constant 0 : index
    %get3A_3399 = arith.constant 78 : index
    %get3A_3400 = arith.constant 0 : index
    %get3A_3401 = arith.constant 0 : index
    %get3A_3402 = vector.load %arg3[%get3A_3398, %get3A_3399, %get3A_3400, %get3A_3401] : memref<1x81x8x2040xf32, #tpu.memory_space<vmem>>, vector<1x1x8x2040xf32>
    %get3A_3403 = vector.shape_cast %get3A_3402 : vector<1x1x8x2040xf32> to vector<8x2040xf32>
    %exp3A_3404 = math.exp %get3A_3403 : vector<8x2040xf32>
    %add3A_3405 = arith.addf %add3A_3393, %exp3A_3404 : vector<8x2040xf32>
    %eq3A_3406 = arith.constant 78 : i32
    %eq3A_3407 = vector.broadcast %eq3A_3406 : i32 to vector<8x2040xi32>
    %eq3A_3408 = arith.cmpi eq, %select_n3A_2267, %eq3A_3407 : vector<8x2040xi32>
    %select_n3A_3409 = arith.select %eq3A_3408, %get3A_3403, %select_n3A_3397 : vector<8x2040xi1>, vector<8x2040xf32>
    %get3A_3410 = arith.constant 0 : index
    %get3A_3411 = arith.constant 79 : index
    %get3A_3412 = arith.constant 0 : index
    %get3A_3413 = arith.constant 0 : index
    %get3A_3414 = vector.load %arg3[%get3A_3410, %get3A_3411, %get3A_3412, %get3A_3413] : memref<1x81x8x2040xf32, #tpu.memory_space<vmem>>, vector<1x1x8x2040xf32>
    %get3A_3415 = vector.shape_cast %get3A_3414 : vector<1x1x8x2040xf32> to vector<8x2040xf32>
    %exp3A_3416 = math.exp %get3A_3415 : vector<8x2040xf32>
    %add3A_3417 = arith.addf %add3A_3405, %exp3A_3416 : vector<8x2040xf32>
    %eq3A_3418 = arith.constant 79 : i32
    %eq3A_3419 = vector.broadcast %eq3A_3418 : i32 to vector<8x2040xi32>
    %eq3A_3420 = arith.cmpi eq, %select_n3A_2267, %eq3A_3419 : vector<8x2040xi32>
    %select_n3A_3421 = arith.select %eq3A_3420, %get3A_3415, %select_n3A_3409 : vector<8x2040xi1>, vector<8x2040xf32>
    %get3A_3422 = arith.constant 0 : index
    %get3A_3423 = arith.constant 80 : index
    %get3A_3424 = arith.constant 0 : index
    %get3A_3425 = arith.constant 0 : index
    %get3A_3426 = vector.load %arg3[%get3A_3422, %get3A_3423, %get3A_3424, %get3A_3425] : memref<1x81x8x2040xf32, #tpu.memory_space<vmem>>, vector<1x1x8x2040xf32>
    %get3A_3427 = vector.shape_cast %get3A_3426 : vector<1x1x8x2040xf32> to vector<8x2040xf32>
    %exp3A_3428 = math.exp %get3A_3427 : vector<8x2040xf32>
    %add3A_3429 = arith.addf %add3A_3417, %exp3A_3428 : vector<8x2040xf32>
    %eq3A_3430 = arith.constant 80 : i32
    %eq3A_3431 = vector.broadcast %eq3A_3430 : i32 to vector<8x2040xi32>
    %eq3A_3432 = arith.cmpi eq, %select_n3A_2267, %eq3A_3431 : vector<8x2040xi32>
    %select_n3A_3433 = arith.select %eq3A_3432, %get3A_3427, %select_n3A_3421 : vector<8x2040xi1>, vector<8x2040xf32>
    %log3A_3434 = math.log %add3A_3429 : vector<8x2040xf32>
    %sub3A_3435 = arith.subf %log3A_3434, %select_n3A_3433 : vector<8x2040xf32>
    %jit3A_3436 = arith.constant 0.000000e+00 : f32
    %broadcast_in_dim3A_3437 = vector.broadcast %jit3A_3436 : f32 to vector<8x2040xf32>
    %select_n3A_3438 = arith.select %and3A, %broadcast_in_dim3A_3437, %sub3A_3435 : vector<8x2040xi1>, vector<8x2040xf32>
    %mul3A_3439 = arith.mulf %sub3A_3435, %convert_element_type3A_2319 : vector<8x2040xf32>
    %reduce_sum3A_3440 = vector.shape_cast %mul3A_3439 : vector<8x2040xf32> to vector<1x8x2040xf32>
    %reduce_sum3A_3441 = arith.constant dense<0.000000e+00> : vector<1xf32>
    %reduce_sum3A_3442 = vector.multi_reduction <add>, %reduce_sum3A_3440, %reduce_sum3A_3441 [1, 2] : vector<1x8x2040xf32> to vector<1xf32>
    %reduce_sum3A_3443 = vector.shape_cast %reduce_sum3A_3442 : vector<1xf32> to vector<1x1x1xf32>
    %reduce_sum3A_3444 = vector.extract %reduce_sum3A_3443[0, 0, 0] : f32 from vector<1x1x1xf32>
    %mul3A_3445 = arith.constant 3 : i32
    %mul3A_3446 = arith.muli %mul3A_3445, %reduce_sum3A_2324 : i32
    %min3A_3447 = arith.constant 16319 : i32
    %min3A_3448 = arith.minsi %mul3A_3446, %min3A_3447 : i32
    %bitcast_convert_type3A = tpu.bitcast %select_n3A_3438 : vector<8x2040xf32> -> vector<8x2040xi32>
    %scan3A = arith.constant 0 : i32
    %scan3A_3449 = arith.constant 2139095040 : i32
    %scan3A_3450 = arith.constant 0 : i32
    %scan3A_3451 = arith.constant 31 : i32
    %scan3A_3452 = arith.addi %scan3A_3450, %scan3A_3451 : i32
    %scan3A_3453 = arith.constant 1 : i32
    %scan3A_3454:2 = scf.for %scan3A_3524 = %scan3A_3450 to %scan3A_3452 step %scan3A_3453 iter_args(%scan3A_3525 = %scan3A, %scan3A_3526 = %scan3A_3449) -> (i32, i32)  : i32 {
      %sub3A_3527 = arith.subi %scan3A_3526, %scan3A_3525 : i32
      %shift_right_arithmetic3A = arith.constant 1 : i32
      %shift_right_arithmetic3A_3528 = arith.shrsi %sub3A_3527, %shift_right_arithmetic3A : i32
      %add3A_3529 = arith.addi %scan3A_3525, %shift_right_arithmetic3A_3528 : i32
      %ge3A = vector.broadcast %add3A_3529 : i32 to vector<8x2040xi32>
      %ge3A_3530 = arith.cmpi sge, %bitcast_convert_type3A, %ge3A : vector<8x2040xi32>
      %convert_element_type3A_3531 = arith.extui %ge3A_3530 : vector<8x2040xi1> to vector<8x2040xi32>
      %reduce_sum3A_3532 = vector.shape_cast %convert_element_type3A_3531 : vector<8x2040xi32> to vector<1x8x2040xi32>
      %reduce_sum3A_3533 = arith.constant dense<0> : vector<1xi32>
      %reduce_sum3A_3534 = vector.multi_reduction <add>, %reduce_sum3A_3532, %reduce_sum3A_3533 [1, 2] : vector<1x8x2040xi32> to vector<1xi32>
      %reduce_sum3A_3535 = vector.shape_cast %reduce_sum3A_3534 : vector<1xi32> to vector<1x1x1xi32>
      %reduce_sum3A_3536 = vector.extract %reduce_sum3A_3535[0, 0, 0] : i32 from vector<1x1x1xi32>
      %ge3A_3537 = arith.cmpi sge, %reduce_sum3A_3536, %min3A_3448 : i32
      %select_n3A_3538 = arith.select %ge3A_3537, %add3A_3529, %scan3A_3525 : i32
      %select_n3A_3539 = arith.select %ge3A_3537, %scan3A_3526, %add3A_3529 : i32
      scf.yield %select_n3A_3538, %select_n3A_3539 : i32, i32
    }
    %gt3A_3455 = vector.broadcast %scan3A_3454#0 : i32 to vector<8x2040xi32>
    %gt3A_3456 = arith.cmpi sgt, %bitcast_convert_type3A, %gt3A_3455 : vector<8x2040xi32>
    %convert_element_type3A_3457 = arith.extui %gt3A_3456 : vector<8x2040xi1> to vector<8x2040xi32>
    %reduce_sum3A_3458 = vector.shape_cast %convert_element_type3A_3457 : vector<8x2040xi32> to vector<1x8x2040xi32>
    %reduce_sum3A_3459 = arith.constant dense<0> : vector<1xi32>
    %reduce_sum3A_3460 = vector.multi_reduction <add>, %reduce_sum3A_3458, %reduce_sum3A_3459 [1, 2] : vector<1x8x2040xi32> to vector<1xi32>
    %reduce_sum3A_3461 = vector.shape_cast %reduce_sum3A_3460 : vector<1xi32> to vector<1x1x1xi32>
    %reduce_sum3A_3462 = vector.extract %reduce_sum3A_3461[0, 0, 0] : i32 from vector<1x1x1xi32>
    %jit3A_3463 = arith.constant 0.000000e+00 : f32
    %broadcast_in_dim3A_3464 = vector.broadcast %jit3A_3463 : f32 to vector<8x2040xf32>
    %select_n3A_3465 = arith.select %gt3A_3456, %select_n3A_3438, %broadcast_in_dim3A_3464 : vector<8x2040xi1>, vector<8x2040xf32>
    %reduce_sum3A_3466 = vector.shape_cast %select_n3A_3465 : vector<8x2040xf32> to vector<1x8x2040xf32>
    %reduce_sum3A_3467 = arith.constant dense<0.000000e+00> : vector<1xf32>
    %reduce_sum3A_3468 = vector.multi_reduction <add>, %reduce_sum3A_3466, %reduce_sum3A_3467 [1, 2] : vector<1x8x2040xf32> to vector<1xf32>
    %reduce_sum3A_3469 = vector.shape_cast %reduce_sum3A_3468 : vector<1xf32> to vector<1x1x1xf32>
    %reduce_sum3A_3470 = vector.extract %reduce_sum3A_3469[0, 0, 0] : f32 from vector<1x1x1xf32>
    %eq3A_3471 = vector.broadcast %scan3A_3454#0 : i32 to vector<8x2040xi32>
    %eq3A_3472 = arith.cmpi eq, %bitcast_convert_type3A, %eq3A_3471 : vector<8x2040xi32>
    %jit3A_3473 = arith.constant -1.000000e+30 : f32
    %broadcast_in_dim3A_3474 = vector.broadcast %jit3A_3473 : f32 to vector<8x2040xf32>
    %select_n3A_3475 = arith.select %eq3A_3472, %select_n3A_3438, %broadcast_in_dim3A_3474 : vector<8x2040xi1>, vector<8x2040xf32>
    %reduce_max3A_3476 = vector.shape_cast %select_n3A_3475 : vector<8x2040xf32> to vector<1x8x2040xf32>
    %reduce_max3A_3477 = arith.constant dense<0xFF800000> : vector<1xf32>
    %reduce_max3A_3478 = vector.multi_reduction <maximumf>, %reduce_max3A_3476, %reduce_max3A_3477 [1, 2] : vector<1x8x2040xf32> to vector<1xf32>
    %reduce_max3A_3479 = vector.shape_cast %reduce_max3A_3478 : vector<1xf32> to vector<1x1x1xf32>
    %reduce_max3A_3480 = vector.extract %reduce_max3A_3479[0, 0, 0] : f32 from vector<1x1x1xf32>
    %sub3A_3481 = arith.subi %min3A_3448, %reduce_sum3A_3462 : i32
    %convert_element_type3A_3482 = arith.sitofp %sub3A_3481 : i32 to f32
    %gt3A_3483 = arith.constant 0 : i32
    %gt3A_3484 = arith.cmpi sgt, %min3A_3448, %gt3A_3483 : i32
    %mul3A_3485 = arith.mulf %convert_element_type3A_3482, %reduce_max3A_3480 : f32
    %add3A_3486 = arith.addf %reduce_sum3A_3470, %mul3A_3485 : f32
    %jit3A_3487 = arith.constant 0.000000e+00 : f32
    %select_n3A_3488 = arith.select %gt3A_3484, %add3A_3486, %jit3A_3487 : f32
    %convert_element_type3A_3489 = arith.sitofp %reduce_sum3A_2324 : i32 to f32
    %convert_element_type3A_3490 = arith.sitofp %min3A_3448 : i32 to f32
    %iota3A_3491 = tpu.iota {dimensions = array<i32: 1>} : vector<1x128xi32>
    %broadcast_in_dim3A_3492 = arith.constant 0.000000e+00 : f32
    %broadcast_in_dim3A_3493 = vector.broadcast %broadcast_in_dim3A_3492 : f32 to vector<1x128xf32>
    %eq3A_3494 = arith.constant 0 : i32
    %eq3A_3495 = vector.broadcast %eq3A_3494 : i32 to vector<1x128xi32>
    %eq3A_3496 = arith.cmpi eq, %iota3A_3491, %eq3A_3495 : vector<1x128xi32>
    %broadcast_in_dim3A_3497 = vector.broadcast %add3A_2457 : f32 to vector<1x128xf32>
    %select_n3A_3498 = arith.select %eq3A_3496, %broadcast_in_dim3A_3497, %broadcast_in_dim3A_3493 : vector<1x128xi1>, vector<1x128xf32>
    %eq3A_3499 = arith.constant 1 : i32
    %eq3A_3500 = vector.broadcast %eq3A_3499 : i32 to vector<1x128xi32>
    %eq3A_3501 = arith.cmpi eq, %iota3A_3491, %eq3A_3500 : vector<1x128xi32>
    %broadcast_in_dim3A_3502 = vector.broadcast %convert_element_type3A_3489 : f32 to vector<1x128xf32>
    %select_n3A_3503 = arith.select %eq3A_3501, %broadcast_in_dim3A_3502, %select_n3A_3498 : vector<1x128xi1>, vector<1x128xf32>
    %eq3A_3504 = arith.constant 2 : i32
    %eq3A_3505 = vector.broadcast %eq3A_3504 : i32 to vector<1x128xi32>
    %eq3A_3506 = arith.cmpi eq, %iota3A_3491, %eq3A_3505 : vector<1x128xi32>
    %broadcast_in_dim3A_3507 = vector.broadcast %reduce_sum3A_3444 : f32 to vector<1x128xf32>
    %select_n3A_3508 = arith.select %eq3A_3506, %broadcast_in_dim3A_3507, %select_n3A_3503 : vector<1x128xi1>, vector<1x128xf32>
    %eq3A_3509 = arith.constant 3 : i32
    %eq3A_3510 = vector.broadcast %eq3A_3509 : i32 to vector<1x128xi32>
    %eq3A_3511 = arith.cmpi eq, %iota3A_3491, %eq3A_3510 : vector<1x128xi32>
    %broadcast_in_dim3A_3512 = vector.broadcast %select_n3A_3488 : f32 to vector<1x128xf32>
    %select_n3A_3513 = arith.select %eq3A_3511, %broadcast_in_dim3A_3512, %select_n3A_3508 : vector<1x128xi1>, vector<1x128xf32>
    %eq3A_3514 = arith.constant 4 : i32
    %eq3A_3515 = vector.broadcast %eq3A_3514 : i32 to vector<1x128xi32>
    %eq3A_3516 = arith.cmpi eq, %iota3A_3491, %eq3A_3515 : vector<1x128xi32>
    %broadcast_in_dim3A_3517 = vector.broadcast %convert_element_type3A_3490 : f32 to vector<1x128xf32>
    %select_n3A_3518 = arith.select %eq3A_3516, %broadcast_in_dim3A_3517, %select_n3A_3513 : vector<1x128xi1>, vector<1x128xf32>
    %swap3A = arith.constant 0 : index
    %swap3A_3519 = arith.constant 0 : index
    %swap3A_3520 = arith.constant 0 : index
    %swap3A_3521 = vector.load %arg8[%swap3A, %swap3A_3519, %swap3A_3520] : memref<1x1x128xf32, #tpu.memory_space<vmem>>, vector<1x1x128xf32>
    %swap3A_3522 = vector.shape_cast %swap3A_3521 : vector<1x1x128xf32> to vector<1x128xf32>
    %swap3A_3523 = vector.shape_cast %select_n3A_3518 : vector<1x128xf32> to vector<1x1x128xf32>
    tpu.vector_store %arg8[%swap3A, %swap3A_3519, %swap3A_3520], %swap3A_3523 {strides = array<i32>} : memref<1x1x128xf32, #tpu.memory_space<vmem>>, vector<1x1x128xf32>,
    return
  }
  func.func @transform_0(%arg0: i32) -> (i32, i32, i32) {
    %c0_i32 = arith.constant 0 : i32
    %c0_i32_0 = arith.constant 0 : i32
    %c0_i32_1 = arith.constant 0 : i32
    return %arg0, %c0_i32, %c0_i32_0 : i32, i32, i32
  }
  func.func @transform_1(%arg0: i32) -> (i32, i32, i32) {
    %c0_i32 = arith.constant 0 : i32
    %c0_i32_0 = arith.constant 0 : i32
    %c0_i32_1 = arith.constant 0 : i32
    return %arg0, %c0_i32, %c0_i32_0 : i32, i32, i32
  }
  func.func @transform_2(%arg0: i32) -> (i32, i32, i32, i32) {
    %c0_i32 = arith.constant 0 : i32
    %c0_i32_0 = arith.constant 0 : i32
    %c0_i32_1 = arith.constant 0 : i32
    %c0_i32_2 = arith.constant 0 : i32
    return %arg0, %c0_i32, %c0_i32_0, %c0_i32_1 : i32, i32, i32, i32
  }
  func.func @transform_3(%arg0: i32) -> (i32, i32, i32, i32) {
    %c0_i32 = arith.constant 0 : i32
    %c0_i32_0 = arith.constant 0 : i32
    %c0_i32_1 = arith.constant 0 : i32
    %c0_i32_2 = arith.constant 0 : i32
    return %arg0, %c0_i32, %c0_i32_0, %c0_i32_1 : i32, i32, i32, i32
  }
  func.func @transform_4(%arg0: i32) -> (i32, i32, i32, i32) {
    %c0_i32 = arith.constant 0 : i32
    %c0_i32_0 = arith.constant 0 : i32
    %c0_i32_1 = arith.constant 0 : i32
    %c0_i32_2 = arith.constant 0 : i32
    return %arg0, %c0_i32, %c0_i32_0, %c0_i32_1 : i32, i32, i32, i32
  }
  func.func @transform_5(%arg0: i32) -> (i32, i32, i32, i32) {
    %c0_i32 = arith.constant 0 : i32
    %c0_i32_0 = arith.constant 0 : i32
    %c0_i32_1 = arith.constant 0 : i32
    %c0_i32_2 = arith.constant 0 : i32
    return %arg0, %c0_i32, %c0_i32_0, %c0_i32_1 : i32, i32, i32, i32
  }
  func.func @transform_6(%arg0: i32) -> (i32, i32, i32) {
    %c0_i32 = arith.constant 0 : i32
    %c0_i32_0 = arith.constant 0 : i32
    %c0_i32_1 = arith.constant 0 : i32
    %c0_i32_2 = arith.constant 0 : i32
    return %c0_i32, %c0_i32_0, %c0_i32_1 : i32, i32, i32
  }
  func.func @transform_7(%arg0: i32) -> (i32, i32, i32) {
    %c0_i32 = arith.constant 0 : i32
    %c0_i32_0 = arith.constant 0 : i32
    %c0_i32_1 = arith.constant 0 : i32
    return %arg0, %c0_i32, %c0_i32_0 : i32, i32, i32
  }
}

</mosaic_0001>

<sc_bundles>
// kernel: sparse-core-data-format-call.cloned.1.call-start
scs
called_computation_lowered:
.L_overlay_start_0:
0x0: {  	s1 =	sld [smem:$0x3FD9]  }
0x1: {  	s2 =	sld [smem:$0x3FFE];
	_ =	sdelay $0x1  }
0x2: {  	s3 =	srdreg.scid  }
0x3: {  	s0 =	sand.u32 $0x1, s3  }
0x4: {  	s17 =	sshll.u32 s0, $0xA;
	s1 =	sadd.s32 s2, s1  }
0x5: {  	s1 =	sadd.s32 s1, s17  }
0x6: {  	[smem:$0x3FC2] =	sst s1  }
0x7: {  	_ = 	snop  }
0x8: {  	(tm) =	ssettm $0x1  }
0x9: {  	s18 =	sld [smem:$0x3FFB];
	_ =	sdelay $0x3  }
0xa: {  	_ =	strace s18  }
0xb: {  	s1 =	sld [smem:$0x3FFC];
	_ =	sdelay $0x3  }
0xc: {  	_ =	strace s1  }
0xd: {  	s1 =	sld [smem:$0x3FFD];
	_ =	sdelay $0x3  }
0xe: {  	_ =	strace s1  }
0xf: {  	_ =	strace $0x8FFFFFFF  }
0x10: {  	s19 =	sld [smem:$0x3FDB];
	_ =	sdelay $0x1  }
0x11: {  	s20 =	simm.s32 $_scs_section_size  }
0x12: {  	s4 =	simm.s32 $_size__tile_overlayer_lowered;
	s5 =	simm.s32 $_tile_overlayer_lowered  }
0x13: {  	s23 =	simm.s32 $0x1BFF;
	s22 =	sshll.u32 s5, $0x1;
	s1 =	sadd.s32 s20, s19  }
0x14: {  	s6 =	simm.s32 $0x0;
	s21 =	sshll.u32 s4, $0x1;
	s4 =	sadd.s32 s22, s1  }
0x15: {  	[timem:s6], [sflag:s23] =	dma.local [hbm:s4], s21  }
0x16: {  	_ =	swait.ge [sflag:s23], s21  }
0x17: {  	s2 =	ssub.s32 $0x0, s21;
	[sflag:s23] =	ssyncset.done $0x0  }
0x18: {  	[sflag:s23] =	ssyncadd.s32 s2;
	_ =	sdelay $0x1  }
0x19: {  	s24 =	simm.s32 $0x1B8B  }
0x1a: {  	_ =	swait.ge [sflag:s24], $0x1  }
0x1b: {  	[sflag:s24] =	ssyncset.done $0x0  }
0x1c: {  	s26 =	simm.s32 $0x1B8E;
	s25 =	sld [smem:$0x3FFE];
	[sflag:s24] =	ssyncadd.s32 $0xFFFFFFFF  }
0x1d: {  	s27 =	simm.s32 $execute0_lowered;
	[smem:$0x3FD2] =	sst s26  }
0x1e: {  	s4 =	sshll.u32 s27, $0x1;
	_ =	strace $0x80000046;
	[dreg:$0x1] =	wrdreg $0xFFFFFFFF  }
0x1f: {  	s28 =	simm.s32 $_size_execute0_lowered;
	s1 =	sadd.s32 s1, s4;
	[dreg:$0x0] =	wrdreg $0x0  }
0x20: {  	s4 =	sshll.u32 s28, $0x1;
	[dreg:$0x2] =	wrdreg s1  }
0x21: {  	[dreg:$0x3] =	wrdreg s4  }
0x22: {  	[dreg:$0x4] =	wrdreg $0xC0  }
0x23: {  	_ =	task [dreg:s6], $0x5FFFF  }
0x24: {  	[dreg:$0x1] =	wrdreg $0xFFFFFFFF  }
0x25: {  	[dreg:$0x0] =	wrdreg $0x60  }
0x26: {  	[dreg:$0x2] =	wrdreg s25  }
0x27: {  	[dreg:$0x3] =	wrdreg $0x9  }
0x28: {  	_ =	task.clear_ibuf [dreg:s6], $0x4FFFF;
	_ =	strace $0x90000046  }
0x29: {  	s29 =	simm.s32 $0x9;
	_ =	strace $0x80000048  }
0x2a: {  	_ =	swait.ge [sflag:s29], $0x1  }
0x2b: {  	[sflag:s29] =	ssyncadd.s32 $0xFFFFFFFF  }
0x2c: {  	_ =	strace $0x90000048  }
0x2d: {  	_ =	sfence  }
0x2e: {  	s30 =	sld [smem:$0x0];
	_ =	sdelay $0x2  }
0x2f: {  	s31 =	sshll.u32 s3, $0xD;
	s3 =	sshrl.u32 s3, $0x2  }
0x30: {  	s2 =	sand.u32 $0x4000, s31;
	s1 =	sadd.s32 s3, s30  }
0x31: {  	s0 =	sor.u32 s2, s0;
	s1 =	sshll.u32 s1, $0x11  }
0x32: {  	s0 =	sor.u32 s1, s0  }
0x33: {  	s0 =	sadd.s32 $0x8F2B, s0  }
0x34: {  	[sflag:s0] =	ssyncadd.remote.s32 $0x1  }
0x35: {  	_ =	sfence.sel $0xFFFF  }
0x36: {  	[dreg:$0x0] =	wrdreg $0xFFFFFFFF;
	(pc) =	sbr.abs _section_cstart, $3  }
0x37: {  	[dreg:$0x1] =	wrdreg $0xFFFFFFFF  }
0x38: {  	_ =	task.clear_ibuf [dreg:s6], $0x2FFFF;
	_ =	strace $0x9FFFFFFF  }
0x39: {  	(tm) =	ssettm $0x7FFFFFFF  }
tec
execute0_lowered:
.L_overlay_start_1:
0x0: {  	(tag) =	ssettag $0x1  }
0x1: {  	s0 =	srdreg.scid  }
0x2: {  	s5 =	rddreg [dreg:$0x0];
	s1 =	stileid.u32;
	s3 =	simm.s32 $0x1  }
0x3: {  	s6 =	simm.s32 $0x2;
	p0 =	por $0x0, $0x0;
	s10 =	simm.s32 $0x0  }
.Ltmp0:
0x4: {  	s9 =	simm.s32 $0x0;
	s2 =	sshll.u32 s0, $0x4;
	(pc) =	sbr.rel .LBB1_1-.Ltmp0, $4  }
0x5: {  	s0 =	rddreg [dreg:$0x1];
	_ =	strace $0x80000047;
	s2 =	sand.u32 $0x10, s2  }
0x6: {  	s8 =	simm.s32 $0x0;
	[sflag:s3] =	ssyncpa.u1 $0x0;
	s2 =	sor.u32 s1, s2  }
0x7: {  	s4 =	sadd.s32 $0x510000, s5;
	[sflag:s6] =	ssyncpa.u1 $0x0;
	s7 =	sshll.u32 s2, $0xB  }
0x8: {  	s6 =	simm.s32 $0x0;
	s5 =	sadd.s32 s5, s7;
	s7 =	simm.s32 $0x0  }
.LBB1_7:
0x9: {  	s11 =	sadd.s32 $0x1, s8  }
0xa: {  	p1 =	slt.u32 s7, $0x2;
	s7 =	sadd.s32 $0x1, s7;
	p2 =	sgt.s32 s11, $0x50  }
0xb: {  	s11 =	simm.s32 @p2 $0x0;
	p2 =	sne.s32 s7, $0x53  }
.Ltmp1:
0xc: {  	_ = 	snop;
	(pc) =	sbr.rel @!p2 .LBB1_8-.Ltmp1, $4  }
0xd: {  	s10 =	simm.s32 @!p1 $0x2  }
0xe: {  	_ =	swait.ge @!p1 [sflag:s10], $0x4000  }
0xf: {  	s9 =	smov.u32 s8;
	p0 =	por !p0, !p0;
	[sflag:s10] =	ssyncset.done @!p1 $0x0  }
0x10: {  	s8 =	smov.u32 s11;
	[sflag:s10] =	ssyncadd.s32 @!p1 $0xFFFFC000;
	s10 =	smov.u32 s2  }
.LBB1_1:
0x11: {  	p1 =	sgt.u32 s7, $0x50  }
0x12: {  	s11 =	sxor.u32 @!p1 $0xFFFFFFFF, s7  }
0x13: {  	s12 =	sshll.u32 @!p1 s8, $0x10;
	s11 =	sshll.u32 @!p1 s11, $0xE  }
0x14: {  	s13 =	simm.s32 @!p1 $0x0;
	s12 =	sadd.s32 @!p1 s12, s5;
	s11 =	sand.u32 @!p1 $0x4000, s11  }
0x15: {  	[tilespmem:s11], [sflag:$0x1] =	stream.linear.gather @!p1 [hbm4b:s12+s13], $0x4000, $0x38;
	[tilespmem:$0x10000] =	vst v63  }
0x16: {  	p1 =	seq.s32 s7, $0x0  }
0x17: {  	p2 =	seq.s32 @!p1 s7, $0x52  }
0x18: {  	p1 =	por p1, p2  }
.Ltmp2:
0x19: {  	_ = 	snop;
	(pc) =	sbr.rel @p1 .LBB1_7-.Ltmp2, $1  }
0x1a: {  	_ =	sdelay $0x3  }
0x1b: {  	s11 =	simm.s32 $0x1;
	_ =	swait.ge [sflag:s3], $0x4000;
	s14 =	sshll.u32 s7, $0xE  }
0x1c: {  	s11 =	simm.s32 @!p0 $0x0;
	[sflag:s3] =	ssyncset.done $0x0;
	s31 =	sand.u32 $0x4000, s14  }
0x1d: {  	s14 =	simm.s32 $0x0;
	s12 =	sshll.u32 s11, $0xE;
	[sflag:s3] =	ssyncadd.s32 $0xFFFFC000  }
0x1e: {  	s11 =	sor.u32 $0x8800, s12;
	s13 =	sor.u32 $0x800, s12;
	s12 =	sor.u32 $0x8000, s31  }
.LBB1_3:
0x1f: {  	v0 =	vld [tilespmem:s13+$0x470]  }
0x20: {  	v1 =	vld [tilespmem:s13+$0xFFFFF810]  }
0x21: {  	v2 =	vld [tilespmem:s13+$0xFFFFF820]  }
0x22: {  	v3 =	vld [tilespmem:s13+$0xFFFFF830]  }
0x23: {  	v4 =	vld [tilespmem:s13+$0xFFFFF840]  }
0x24: {  	v5 =	vld [tilespmem:s13+$0xFFFFF850];
	[tilespmem:s11+$0x470] =	vst v0  }
0x25: {  	[tilespmem:s11+$0xFFFFF810] =	vst v1;
	v0 =	vld [tilespmem:s13+$0xFFFFF860]  }
0x26: {  	[tilespmem:s11+$0xFFFFF820] =	vst v2;
	v1 =	vld [tilespmem:s13+$0xFFFFF870]  }
0x27: {  	[tilespmem:s11+$0xFFFFF830] =	vst v3;
	v2 =	vld [tilespmem:s13+$0xFFFFFC00]  }
0x28: {  	[tilespmem:s11+$0xFFFFF840] =	vst v4;
	v3 =	vld [tilespmem:s13+$0xFFFFFC10]  }
0x29: {  	[tilespmem:s11+$0xFFFFF850] =	vst v5;
	v4 =	vld [tilespmem:s13+$0xFFFFFC20]  }
0x2a: {  	v5 =	vld [tilespmem:s13+$0x420];
	[tilespmem:s11+$0xFFFFF860] =	vst v0  }
0x2b: {  	v0 =	vld [tilespmem:s13+$0xFFFFFC30];
	[tilespmem:s11+$0xFFFFF870] =	vst v1  }
0x2c: {  	v1 =	vld [tilespmem:s13+$0xFFFFFC40];
	[tilespmem:s11+$0xFFFFFC00] =	vst v2  }
0x2d: {  	[tilespmem:s11+$0xFFFFFC10] =	vst v3;
	v3 =	vld [tilespmem:s13+$0xFFFFFC60]  }
0x2e: {  	[tilespmem:s11+$0xFFFFFC20] =	vst v4;
	v4 =	vld [tilespmem:s13+$0xFFFFFC70]  }
0x2f: {  	v2 =	vld [tilespmem:s13+$0xFFFFFC50];
	[tilespmem:s11+$0x420] =	vst v5  }
0x30: {  	[tilespmem:s11+$0xFFFFFC30] =	vst v0;
	v0 =	vld [tilespmem:s13+$0x0]  }
0x31: {  	[tilespmem:s11+$0xFFFFFC40] =	vst v1;
	v1 =	vld [tilespmem:s13+$0x10]  }
0x32: {  	[tilespmem:s11+$0xFFFFFC60] =	vst v3;
	v3 =	vld [tilespmem:s13+$0x30]  }
0x33: {  	[tilespmem:s11+$0xFFFFFC70] =	vst v4;
	v4 =	vld [tilespmem:s13+$0x40]  }
0x34: {  	[tilespmem:s11+$0xFFFFFC50] =	vst v2;
	v2 =	vld [tilespmem:s13+$0x20]  }
0x35: {  	[tilespmem:s11+$0x0] =	vst v0;
	v0 =	vld [tilespmem:s13+$0x50]  }
0x36: {  	[tilespmem:s11+$0x10] =	vst v1;
	v1 =	vld [tilespmem:s13+$0x60]  }
0x37: {  	[tilespmem:s11+$0x30] =	vst v3;
	v3 =	vld [tilespmem:s13+$0x400]  }
0x38: {  	[tilespmem:s11+$0x40] =	vst v4;
	v4 =	vld [tilespmem:s13+$0x410]  }
0x39: {  	[tilespmem:s11+$0x20] =	vst v2;
	v2 =	vld [tilespmem:s13+$0x70]  }
0x3a: {  	[tilespmem:s11+$0x50] =	vst v0;
	v0 =	vld [tilespmem:s13+$0x430]  }
0x3b: {  	[tilespmem:s11+$0x60] =	vst v1;
	v1 =	vld [tilespmem:s13+$0x440]  }
0x3c: {  	[tilespmem:s11+$0x400] =	vst v3;
	v3 =	vld [tilespmem:s13+$0x450]  }
0x3d: {  	[tilespmem:s11+$0x410] =	vst v4;
	v4 =	vld [tilespmem:s13+$0x460]  }
0x3e: {  	s16 =	simm.s32 $0x0;
	s17 =	sadd.s32 $0x1000, s13;
	s15 =	smov.u32 s11;
	[tilespmem:s11+$0x70] =	vst v2;
	v2 =	vld [tilespmem:s13+$0xFFFFF800]  }
.LBB1_4:
0x3f: {  	v5 =	vld [tilespmem:s17+$0x470];
	s16 =	sadd.s32 $0x200, s16;
	[tilespmem:s15+$0x430] =	vst v0  }
0x40: {  	v0 =	vld [tilespmem:s17+$0xFFFFF810];
	p1 =	slt.u32 s16, $0x600;
	[tilespmem:s15+$0x440] =	vst v1  }
0x41: {  	v1 =	vld [tilespmem:s17+$0xFFFFF820];
	[tilespmem:s15+$0x450] =	vst v3  }
0x42: {  	v3 =	vld [tilespmem:s17+$0xFFFFF830];
	[tilespmem:s15+$0x460] =	vst v4  }
0x43: {  	v4 =	vld [tilespmem:s17+$0xFFFFF840];
	[tilespmem:s15+$0xFFFFF800] =	vst v2;
	s15 =	sadd.s32 $0x1000, s15  }
0x44: {  	v2 =	vld [tilespmem:s17+$0xFFFFF850];
	[tilespmem:s15+$0x470] =	vst v5  }
0x45: {  	[tilespmem:s15+$0xFFFFF810] =	vst v0;
	v0 =	vld [tilespmem:s17+$0xFFFFF860]  }
0x46: {  	[tilespmem:s15+$0xFFFFF820] =	vst v1;
	v1 =	vld [tilespmem:s17+$0xFFFFF870]  }
0x47: {  	[tilespmem:s15+$0xFFFFF830] =	vst v3;
	v3 =	vld [tilespmem:s17+$0xFFFFFC00]  }
0x48: {  	[tilespmem:s15+$0xFFFFF840] =	vst v4;
	v4 =	vld [tilespmem:s17+$0xFFFFFC10]  }
0x49: {  	[tilespmem:s15+$0xFFFFF850] =	vst v2;
	v2 =	vld [tilespmem:s17+$0xFFFFFC20]  }
0x4a: {  	[tilespmem:s15+$0xFFFFF860] =	vst v0;
	v0 =	vld [tilespmem:s17+$0xFFFFFC30]  }
0x4b: {  	[tilespmem:s15+$0xFFFFF870] =	vst v1;
	v1 =	vld [tilespmem:s17+$0xFFFFFC40]  }
0x4c: {  	[tilespmem:s15+$0xFFFFFC00] =	vst v3;
	v3 =	vld [tilespmem:s17+$0xFFFFFC50]  }
0x4d: {  	[tilespmem:s15+$0xFFFFFC10] =	vst v4;
	v4 =	vld [tilespmem:s17+$0xFFFFFC60]  }
0x4e: {  	[tilespmem:s15+$0xFFFFFC20] =	vst v2;
	v2 =	vld [tilespmem:s17+$0xFFFFFC70]  }
0x4f: {  	[tilespmem:s15+$0xFFFFFC30] =	vst v0;
	v0 =	vld [tilespmem:s17+$0x0]  }
0x50: {  	[tilespmem:s15+$0xFFFFFC40] =	vst v1;
	v1 =	vld [tilespmem:s17+$0x10]  }
0x51: {  	[tilespmem:s15+$0xFFFFFC50] =	vst v3;
	v3 =	vld [tilespmem:s17+$0x20]  }
0x52: {  	[tilespmem:s15+$0xFFFFFC60] =	vst v4;
	v4 =	vld [tilespmem:s17+$0x30]  }
0x53: {  	[tilespmem:s15+$0xFFFFFC70] =	vst v2;
	v2 =	vld [tilespmem:s17+$0x40]  }
0x54: {  	[tilespmem:s15+$0x0] =	vst v0;
	v0 =	vld [tilespmem:s17+$0x50]  }
0x55: {  	[tilespmem:s15+$0x10] =	vst v1;
	v1 =	vld [tilespmem:s17+$0x60]  }
0x56: {  	[tilespmem:s15+$0x20] =	vst v3;
	v3 =	vld [tilespmem:s17+$0x70]  }
0x57: {  	[tilespmem:s15+$0x30] =	vst v4;
	v4 =	vld [tilespmem:s17+$0x400]  }
0x58: {  	[tilespmem:s15+$0x40] =	vst v2;
	v2 =	vld [tilespmem:s17+$0x410]  }
0x59: {  	[tilespmem:s15+$0x50] =	vst v0;
	v5 =	vld [tilespmem:s17+$0x420]  }
.Ltmp3:
0x5a: {  	[tilespmem:s15+$0x60] =	vst v1;
	v0 =	vld [tilespmem:s17+$0x430];
	(pc) =	sbr.rel @p1 .LBB1_4-.Ltmp3, $4  }
0x5b: {  	[tilespmem:s15+$0x70] =	vst v3;
	v1 =	vld [tilespmem:s17+$0x440]  }
0x5c: {  	[tilespmem:s15+$0x400] =	vst v4;
	v3 =	vld [tilespmem:s17+$0x450]  }
0x5d: {  	[tilespmem:s15+$0x410] =	vst v2;
	v4 =	vld [tilespmem:s17+$0x460]  }
0x5e: {  	v2 =	vld [tilespmem:s17+$0xFFFFF800];
	[tilespmem:s15+$0x420] =	vst v5;
	s17 =	sadd.s32 $0x1000, s17  }
0x5f: {  	s14 =	sadd.s32 $0x1, s14  }
0x60: {  	p1 =	sne.s32 s14, $0x8  }
.Ltmp4:
0x61: {  	[tilespmem:s15+$0x430] =	vst v0;
	(pc) =	sbr.rel @p1 .LBB1_3-.Ltmp4, $4  }
0x62: {  	[tilespmem:s15+$0x440] =	vst v1  }
0x63: {  	[tilespmem:s15+$0x450] =	vst v3  }
0x64: {  	[tilespmem:s15+$0x460] =	vst v4  }
0x65: {  	s11 =	sadd.s32 $0x80, s11;
	s13 =	sadd.s32 $0x80, s13;
	[tilespmem:s15+$0xFFFFF800] =	vst v2  }
.Ltmp5:
0x66: {  	(pc) =	sbr.rel .LBB1_7-.Ltmp5, $4  }
0x67: {  	s10 =	smul.u32 $0x28800, s10;
	s9 =	sshll.u32 s9, $0xB  }
0x68: {  	s9 =	sadd.s32 s4, s9  }
0x69: {  	s9 =	sadd.s32 s10, s9  }
0x6a: {  	[hbm4b:s9+s6] =	stream.linear.scatter [tilespmem:s12], [sflag:$0x2], $0x4000, $0x38;
	[tilespmem:$0x10000] =	vst v63  }
.LBB1_8:
0x6b: {  	_ =	sfence.sel $0x180000  }
0x6c: {  	s2 =	simm.s32 $0x1;
	[bflag:$0x0] =	sbarrier.arrive $0xFFFF  }
0x6d: {  	s31 =	simm.s32 $0x2;
	[sflag:s2] =	ssyncpa.u1 $0x1  }
0x6e: {  	[sflag:s31] =	ssyncpa.u1 $0x1  }
0x6f: {  	p0 =	sne.s32 s1, $0x0;
	_ =	strace $0x90000047  }
0x70: {  	s0 =	sadd.s32 @!p0 $0x100000, s0;
	[bflag:$0x2] =	sbarrier.arrive $0xFFFF  }
0x71: {  	[sflag:s0] =	ssyncadd.tile.s32 @!p0 $0x1;
	_ =	shalt  }
.Lfunc_end1:
_tile_overlayer_lowered:
.L_overlay_start_2:
0x72: {  	(tag) =	ssettag $0x2  }
0x73: {  	s0 =	rddreg [dreg:$0x0];
	s2 =	stileid.u32  }
0x74: {  	s1 =	rddreg [dreg:$0x1];
	p0 =	sne.s32 s2, $0x0  }
0x75: {  	s3 =	rddreg [dreg:$0x2];
	[bflag:$0x3] =	sbarrier.arrive $0xFFFF;
	s2 =	simm.s32 @!p0 $0x1C01  }
0x76: {  	[timem:s3], [sflag:s2] =	dma.local @!p0 [hbm:s0], s1  }
0x77: {  	s0 =	simm.s32 @!p0 $0x1  }
0x78: {  	_ =	swait.ge @!p0 [sflag:s0], s1  }
0x79: {  	s1 =	ssub.s32 @!p0 $0x0, s1;
	[sflag:s0] =	ssyncset.done @!p0 $0x0  }
0x7a: {  	[sflag:s0] =	ssyncadd.s32 @!p0 s1  }
0x7b: {  	[bflag:$0x3] =	sbarrier.arrive $0xFFFF  }
0x7c: {  	_ =	shalt  }

</sc_bundles>
